<compile_context>
chip_gen: v7x
topology: tpu7x:2x2x1
jax: 0.10.2.dev20260603
libtpu: 0.0.44.dev20260713+nightly
codegen_flags: <defaults>
</compile_context>

<pallas_src>
import functools

import jax
import jax.numpy as jnp
from jax import lax
from jax.experimental import pallas as pl
from jax.experimental.pallas import tpu as pltpu
from jax.experimental.pallas import tpu_sc as plsc

N = 10000
E = 320000
D = 128

NC = 2
NS = 16
L = 16
NW = NC * NS

_MESH = plsc.VectorSubcoreMesh(core_axis_name="c", subcore_axis_name="s")

BD = 128
NBK = E // BD
NT = (NBK + NW - 1) // NW
NRE = NBK - (NT - 1) * NW

BA = 80
JA = E // (NW * BA)

_ZCH = 200
_NZC = N // _ZCH
_BM = 1000
_DST = 2048
_DSZ = (N // _BM) * _DST
_RCH = 80
_NRC = N // _RCH


def _fill1d(ref, n, value):
    def body(i, _):
        ref[pl.ds(i * L, L)] = jnp.full((L,), value, jnp.float32)
        return 0
    lax.fori_loop(0, n // L, body, 0)



@functools.partial(
    pl.kernel,
    out_type=(
        jax.ShapeDtypeStruct((_DSZ,), jnp.float32),
        jax.ShapeDtypeStruct((2 * E,), jnp.int32),
    ),
    mesh=_MESH,
    scratch_types=[
        pltpu.VMEM((3, 2, BD), jnp.int32),
        pltpu.VMEM((BD,), jnp.float32),
        pltpu.VMEM((208,), jnp.float32),
        pltpu.VMEM_SHARED((N,), jnp.float32),
        pltpu.SemaphoreType.DMA((3,)),
        pltpu.SemaphoreType.DMA((3,)),
        pltpu.SemaphoreType.DMA((3,)),
        pltpu.SemaphoreType.DMA((3,)),
    ],
)
def _sc_src_degrees(ei_hbm, dp_hbm, ef_hbm,
                    eb_v, ones_v, zbuf_v, hist_sh, lsem, csem, w0sem, w1sem):
    c = lax.axis_index("c")
    s = lax.axis_index("s")
    w = c * NS + s
    nv = NT - 1 + jnp.where(w < NRE, 1, 0)

    _fill1d(ones_v, BD, 1.0)
    _fill1d(zbuf_v, 208, 0.0)

    def zero_chunk(j, _):
        ch = s + NS * j

        @pl.when(ch < _NZC)
        def _():
            pltpu.sync_copy(zbuf_v.at[pl.ds(0, _ZCH)],
                            hist_sh.at[pl.ds(ch * _ZCH, _ZCH)])

        return 0

    lax.fori_loop(0, (_NZC + NS - 1) // NS, zero_chunk, 0)
    plsc.subcore_barrier()

    def off(t):
        return (w + NW * t) * BD

    def load(t, b):
        return pltpu.make_async_copy(
            ei_hbm.at[:, pl.ds(off(t), BD)], eb_v.at[b], lsem.at[b])

    def work_start(t, b):
        pltpu.async_copy(ones_v, hist_sh.at[eb_v.at[b, 0]], csem.at[b],
                         add=True)
        pltpu.async_copy(eb_v.at[b, 0], ef_hbm.at[pl.ds(off(t), BD)],
                         w0sem.at[b])
        pltpu.async_copy(eb_v.at[b, 1], ef_hbm.at[pl.ds(E + off(t), BD)],
                         w1sem.at[b])

    def work_wait(t, b):
        pltpu.make_async_copy(ones_v, hist_sh.at[eb_v.at[b, 0]],
                              csem.at[b]).wait()
        pltpu.make_async_copy(eb_v.at[b, 0], ef_hbm.at[pl.ds(off(t), BD)],
                              w0sem.at[b]).wait()
        pltpu.make_async_copy(eb_v.at[b, 1],
                              ef_hbm.at[pl.ds(E + off(t), BD)],
                              w1sem.at[b]).wait()

    load(0, 0).start()
    load(1, 1).start()

    def step(to, _):
        for tb in range(3):
            t = 3 * to + tb

            @pl.when(t < nv)
            def _():
                load(t, tb).wait()
                work_start(t, tb)

            @pl.when((t >= 1) & (t - 1 < nv))
            def _():
                work_wait(t - 1, (tb - 1) % 3)

            @pl.when(t + 2 < nv)
            def _():
                load(t + 2, (tb + 2) % 3).start()

        return 0

    lax.fori_loop(0, NT // 3 + 1, step, 0)
    plsc.subcore_barrier()

    def write_chunk(j, _):
        ch = s + NS * j

        @pl.when(ch < _NZC)
        def _():
            dest = (ch // 5) * _DST + c * 1024 + (ch % 5) * _ZCH
            pltpu.sync_copy(hist_sh.at[pl.ds(ch * _ZCH, _ZCH)],
                            zbuf_v.at[pl.ds(0, _ZCH)])
            pltpu.sync_copy(zbuf_v.at[pl.ds(0, _ZCH)],
                            dp_hbm.at[pl.ds(dest, _ZCH)])

        return 0

    lax.fori_loop(0, (_NZC + NS - 1) // NS, write_chunk, 0)



@functools.partial(
    pl.kernel,
    out_type=(
        jax.ShapeDtypeStruct((NC, N, D), jnp.float32),
        jax.ShapeDtypeStruct((_DSZ,), jnp.float32),
    ),
    mesh=_MESH,
    scratch_types=[
        pltpu.VMEM((4, BA), jnp.int32),
        pltpu.VMEM((4, BA), jnp.int32),
        pltpu.VMEM((4, BA, D), jnp.float32),
        pltpu.VMEM((BA,), jnp.float32),
        pltpu.VMEM((208,), jnp.float32),
        pltpu.VMEM_SHARED((N, D), jnp.float32),
        pltpu.VMEM_SHARED((N,), jnp.float32),
        pltpu.SemaphoreType.DMA((4,)),
        pltpu.SemaphoreType.DMA((4,)),
        pltpu.SemaphoreType.DMA((4,)),
        pltpu.SemaphoreType.DMA((4,)),
        pltpu.SemaphoreType.DMA((4,)),
        pltpu.SemaphoreType.DMA,
    ],
)
def _sc_aggregate(h_hbm, edge_hbm, out_hbm, hout_hbm,
                  sidx_v, didx_v, rows_v, ones_v, zbuf_v,
                  agg_sh, hist_sh, ssem, dsem, gsem, asem, hsem, xsem):
    c = lax.axis_index("c")
    s = lax.axis_index("s")
    base = (c * NS + s) * JA * BA

    _fill1d(ones_v, BA, 1.0)
    _fill1d(zbuf_v, 208, 0.0)

    def fill_zero(k, _):
        rows_v[0, k // (D // L), pl.ds((k % (D // L)) * L, L)] = (
            jnp.zeros((L,), jnp.float32))
        return 0

    lax.fori_loop(0, _RCH * (D // L), fill_zero, 0)

    def zero_cp(ch):
        return pltpu.make_async_copy(
            rows_v.at[0, pl.ds(0, _RCH)],
            agg_sh.at[pl.ds(ch * _RCH, _RCH)], xsem)

    def zero_chunk(j, _):
        ch = s + NS * j

        @pl.when(ch < _NRC)
        def _():
            zero_cp(ch).start()

        @pl.when(ch < _NZC)
        def _():
            pltpu.sync_copy(zbuf_v.at[pl.ds(0, _ZCH)],
                            hist_sh.at[pl.ds(ch * _ZCH, _ZCH)])

        return 0

    def zero_drain(j, _):
        ch = s + NS * j

        @pl.when(ch < _NRC)
        def _():
            zero_cp(ch).wait()

        return 0

    lax.fori_loop(0, (_NRC + NS - 1) // NS, zero_chunk, 0)
    lax.fori_loop(0, (_NRC + NS - 1) // NS, zero_drain, 0)
    plsc.subcore_barrier()

    def loads(j):
        b = j % 4
        return (
            pltpu.make_async_copy(
                edge_hbm.at[pl.ds(base + j * BA, BA)], sidx_v.at[b],
                ssem.at[b]),
            pltpu.make_async_copy(
                edge_hbm.at[pl.ds(E + base + j * BA, BA)], didx_v.at[b],
                dsem.at[b]),
        )

    def gather(j):
        b = j % 4
        return pltpu.make_async_copy(
            h_hbm.at[sidx_v.at[b]], rows_v.at[b], gsem.at[b])

    def scats_start(j):
        b = j % 4
        pltpu.async_copy(rows_v.at[b], agg_sh.at[didx_v.at[b]],
                         asem.at[b], add=True)
        pltpu.async_copy(ones_v, hist_sh.at[didx_v.at[b]],
                         hsem.at[b], add=True)

    def scats_wait(j):
        b = j % 4
        pltpu.make_async_copy(rows_v.at[b], agg_sh.at[didx_v.at[b]],
                              asem.at[b]).wait()
        pltpu.make_async_copy(ones_v, hist_sh.at[didx_v.at[b]],
                              hsem.at[b]).wait()

    for cp in loads(0):
        cp.start()
    for cp in loads(1):
        cp.start()
    for cp in loads(0):
        cp.wait()
    gather(0).start()

    def burst(j, _):
        @pl.when(j >= 2)
        def _():
            scats_wait(j - 2)

        @pl.when(j + 2 < JA)
        def _():
            for cp in loads(j + 2):
                cp.start()

        gather(j).wait()

        @pl.when(j + 1 < JA)
        def _():
            for cp in loads(j + 1):
                cp.wait()
            gather(j + 1).start()

        scats_start(j)
        return 0

    lax.fori_loop(0, JA, burst, 0)
    scats_wait(JA - 2)
    scats_wait(JA - 1)
    plsc.subcore_barrier()

    def write_chunk(j, _):
        ch = s + NS * j

        @pl.when(ch < _NRC)
        def _():
            pltpu.sync_copy(agg_sh.at[pl.ds(ch * _RCH, _RCH)],
                            rows_v.at[0, pl.ds(0, _RCH)])
            pltpu.sync_copy(rows_v.at[0, pl.ds(0, _RCH)],
                            out_hbm.at[c, pl.ds(ch * _RCH, _RCH)])

        @pl.when(ch < _NZC)
        def _():
            dest = (ch // 5) * _DST + c * 1024 + (ch % 5) * _ZCH
            pltpu.sync_copy(hist_sh.at[pl.ds(ch * _ZCH, _ZCH)],
                            zbuf_v.at[pl.ds(0, _ZCH)])
            pltpu.sync_copy(zbuf_v.at[pl.ds(0, _ZCH)],
                            hout_hbm.at[pl.ds(dest, _ZCH)])

        return 0

    lax.fori_loop(0, (_NRC + NS - 1) // NS, write_chunk, 0)



def _norm_from_flat(d_hbm, dv0, dv1, s0, s1):
    i = pl.program_id(0)
    cp0 = pltpu.make_async_copy(d_hbm.at[pl.ds(i * _DST, 1024)], dv0, s0)
    cp1 = pltpu.make_async_copy(d_hbm.at[pl.ds(i * _DST + 1024, 1024)],
                                dv1, s1)
    cp0.start()
    cp1.start()
    cp0.wait()
    cp1.wait()
    deg = dv0[...] + dv1[...]
    norm = lax.rsqrt(jnp.maximum(deg, 1.0))
    return norm[0:_BM].reshape(_BM, 1)


def _tc_scale_mm_body(d_hbm, f_ref, w_ref, o_ref, dv0, dv1, s0, s1):
    norm = _norm_from_flat(d_hbm, dv0, dv1, s0, s1)
    h = f_ref[...] * norm
    o_ref[...] = jnp.dot(h, w_ref[...], preferred_element_type=jnp.float32)


def _tc_finish_body(d_hbm, p_ref, b_ref, o_ref, dv0, dv1, s0, s1):
    norm = _norm_from_flat(d_hbm, dv0, dv1, s0, s1)
    agg = p_ref[0] + p_ref[1]
    o_ref[...] = jnp.maximum(agg * norm + b_ref[...], 0.0)


_tc_scale_mm = pl.pallas_call(
    _tc_scale_mm_body,
    grid=(N // _BM,),
    in_specs=[
        pl.BlockSpec(memory_space=pl.ANY),
        pl.BlockSpec((_BM, D), lambda i: (i, 0)),
        pl.BlockSpec((D, D), lambda i: (0, 0)),
    ],
    out_specs=pl.BlockSpec((_BM, D), lambda i: (i, 0)),
    out_shape=jax.ShapeDtypeStruct((N, D), jnp.float32),
    scratch_shapes=[
        pltpu.VMEM((1024,), jnp.float32),
        pltpu.VMEM((1024,), jnp.float32),
        pltpu.SemaphoreType.DMA,
        pltpu.SemaphoreType.DMA,
    ],
)

_tc_finish = pl.pallas_call(
    _tc_finish_body,
    grid=(N // _BM,),
    in_specs=[
        pl.BlockSpec(memory_space=pl.ANY),
        pl.BlockSpec((NC, _BM, D), lambda i: (0, i, 0)),
        pl.BlockSpec((1, D), lambda i: (0, 0)),
    ],
    out_specs=pl.BlockSpec((_BM, D), lambda i: (i, 0)),
    out_shape=jax.ShapeDtypeStruct((N, D), jnp.float32),
    scratch_shapes=[
        pltpu.VMEM((1024,), jnp.float32),
        pltpu.VMEM((1024,), jnp.float32),
        pltpu.SemaphoreType.DMA,
        pltpu.SemaphoreType.DMA,
    ],
)


@jax.jit
def kernel(feat, edge_index, W, b):
    ei = edge_index.astype(jnp.int32)
    degs, eflat = _sc_src_degrees(ei)
    h = _tc_scale_mm(degs, feat, W)
    partials, hist = _sc_aggregate(h, eflat)
    return _tc_finish(hist, partials, b.reshape(1, D))

# --- scband reference (transcript-rebuilt; emitter-appended) ---
"""Pipeline reference for scband-gcnlayer-9010841387499 (READ-ONLY COPY).

The authoritative reference and input builder live on the scoring server;
editing this copy changes nothing except your own understanding.
"""

import jax, jax.numpy as jnp
import numpy as np

N_NODES = 10000
N_EDGES = 320000
IN_DIM = 128
OUT_DIM = 128

def setup_inputs(seed: int = 0) -> dict:
    key = jax.random.key(seed)
    k1, k2, k3, k4 = jax.random.split(key, 4)
    feat = jax.random.normal(k1, (N_NODES, IN_DIM), dtype=jnp.float32)
    edge_index = jax.random.randint(k2, (2, N_EDGES), 0, N_NODES, dtype=jnp.int64)
    # GraphConv learned parameters: weight (in_dim, out_dim) glorot, bias zeros
    limit = float(np.sqrt(6.0 / (IN_DIM + OUT_DIM)))
    W = jax.random.uniform(k3, (IN_DIM, OUT_DIM), minval=-limit, maxval=limit, dtype=jnp.float32)
    b = jnp.zeros((OUT_DIM,), dtype=jnp.float32)
    return {"feat": feat, "edge_index": edge_index, "W": W, "b": b}

def reference(feat, edge_index, W, b):
    # DGL GraphConv with norm='both' (default): h = D_in^{-1/2} A D_out^{-1/2} X W + b
    src = edge_index[0]
    dst = edge_index[1]
    n = feat.shape[0]
    ones_e = jnp.ones((src.shape[0],), dtype=feat.dtype)
    deg_out = jax.ops.segment_sum(ones_e, src, num_segments=n)
    deg_in = jax.ops.segment_sum(ones_e, dst, num_segments=n)
    norm_src = jax.lax.rsqrt(jnp.maximum(deg_out, 1.0))
    norm_dst = jax.lax.rsqrt(jnp.maximum(deg_in, 1.0))
    # in_dim <= out_dim: aggregate first, then matmul (matches DGL ordering; math identical)
    h = feat * norm_src[:, None]
    msg = jnp.take(h, src, axis=0)            # gather over edges
    agg = jax.ops.segment_sum(msg, dst, num_segments=n)  # scatter-add to dst nodes
    agg = agg * norm_dst[:, None]
    out = agg @ W + b
    out = jax.nn.relu(out)
    # dropout is identity in eval/reference mode
    return out

if __name__ == "__main__":
    import jax
    _d = setup_inputs()
    print(jax.jit(kernel)(*tuple(_d.values())))

</pallas_src>

<mosaic_0001>
#map = affine_map<(d0, d1) -> (0, 0)>
#map1 = affine_map<(d0, d1) -> (0)>
#map2 = affine_map<(d0, d1) -> (0, 0, 0)>
module attributes {stable_mosaic.version = 14 : i64} {
  func.func @_sc_aggregate(%arg0: i32, %arg1: i32, %arg2: memref<10000x128xf32, #tpu.memory_space<hbm>>, %arg3: memref<640000xi32, #tpu.memory_space<hbm>>, %arg4: memref<2x10000x128xf32, #tpu.memory_space<hbm>>, %arg5: memref<20480xf32, #tpu.memory_space<hbm>>, %arg6: memref<4x80xi32, #tpu.memory_space<vmem>>, %arg7: memref<4x80xi32, #tpu.memory_space<vmem>>, %arg8: memref<4x80x128xf32, #tpu.memory_space<vmem>>, %arg9: memref<80xf32, #tpu.memory_space<vmem>>, %arg10: memref<208xf32, #tpu.memory_space<vmem>>, %arg11: memref<10000x128xf32, #tpu.memory_space<vmem_shared>>, %arg12: memref<10000xf32, #tpu.memory_space<vmem_shared>>, %arg13: memref<4x!tpu.dma_semaphore, #tpu.memory_space<semaphore_mem>>, %arg14: memref<4x!tpu.dma_semaphore, #tpu.memory_space<semaphore_mem>>, %arg15: memref<4x!tpu.dma_semaphore, #tpu.memory_space<semaphore_mem>>, %arg16: memref<4x!tpu.dma_semaphore, #tpu.memory_space<semaphore_mem>>, %arg17: memref<4x!tpu.dma_semaphore, #tpu.memory_space<semaphore_mem>>, %arg18: memref<!tpu.dma_semaphore, #tpu.memory_space<semaphore_mem>>) attributes {dimension_semantics = [#tpu.dimension_semantics<core_parallel>, #tpu.dimension_semantics<subcore_parallel>], iteration_bounds = array<i64: 2, 16>, scalar_prefetch = 0 : i64, scratch_operands = 13 : i64, tpu.core_type = #tpu.core_type<sc_vector_subcore>, window_params = [{transform_indices = #map}, {transform_indices = #map1}, {transform_indices = #map2}, {transform_indices = #map1}]} {
    %mul3A = arith.constant 16 : i32
    %mul3A_0 = arith.muli %arg0, %mul3A : i32
    %add3A = arith.addi %mul3A_0, %arg1 : i32
    %mul3A_1 = arith.constant 125 : i32
    %mul3A_2 = arith.muli %add3A, %mul3A_1 : i32
    %mul3A_3 = arith.constant 80 : i32
    %mul3A_4 = arith.muli %mul3A_2, %mul3A_3 : i32
    %scan3A = arith.constant 0 : i32
    %scan3A_5 = arith.constant 0 : i32
    %scan3A_6 = arith.constant 5 : i32
    %scan3A_7 = arith.addi %scan3A_5, %scan3A_6 : i32
    %scan3A_8 = arith.constant 1 : i32
    %scan3A_9 = scf.for %scan3A_205 = %scan3A_5 to %scan3A_7 step %scan3A_8 iter_args(%scan3A_206 = %scan3A) -> (i32)  : i32 {
      %broadcast_in_dim3A = arith.constant 1.000000e+00 : f32
      %broadcast_in_dim3A_207 = vector.broadcast %broadcast_in_dim3A : f32 to vector<16xf32>
      %mul3A_208 = arith.constant 16 : i32
      %mul3A_209 = arith.muli %scan3A_205, %mul3A_208 : i32
      %swap3A = arith.index_cast %mul3A_209 : i32 to index
      %swap3A_210 = tpu.vector_load %arg9[%swap3A] {strides = array<i32>} : memref<80xf32, #tpu.memory_space<vmem>>, vector<16xf32>,
      %swap3A_211 = vector.shape_cast %swap3A_210 : vector<16xf32> to vector<16xf32>
      %swap3A_212 = vector.shape_cast %broadcast_in_dim3A_207 : vector<16xf32> to vector<16xf32>
      tpu.vector_store %arg9[%swap3A], %swap3A_212 {strides = array<i32>} : memref<80xf32, #tpu.memory_space<vmem>>, vector<16xf32>,
      %scan3A_213 = arith.constant 0 : i32
      scf.yield %scan3A_213 : i32
    }
    %scan3A_10 = arith.constant 5 : i32
    %scan3A_11 = arith.constant 0 : i32
    %scan3A_12 = arith.constant 0 : i32
    %scan3A_13 = arith.constant 13 : i32
    %scan3A_14 = arith.addi %scan3A_12, %scan3A_13 : i32
    %scan3A_15 = arith.constant 1 : i32
    %scan3A_16 = scf.for %scan3A_205 = %scan3A_12 to %scan3A_14 step %scan3A_15 iter_args(%scan3A_206 = %scan3A_11) -> (i32)  : i32 {
      %broadcast_in_dim3A = arith.constant 0.000000e+00 : f32
      %broadcast_in_dim3A_207 = vector.broadcast %broadcast_in_dim3A : f32 to vector<16xf32>
      %mul3A_208 = arith.constant 16 : i32
      %mul3A_209 = arith.muli %scan3A_205, %mul3A_208 : i32
      %swap3A = arith.index_cast %mul3A_209 : i32 to index
      %swap3A_210 = tpu.vector_load %arg10[%swap3A] {strides = array<i32>} : memref<208xf32, #tpu.memory_space<vmem>>, vector<16xf32>,
      %swap3A_211 = vector.shape_cast %swap3A_210 : vector<16xf32> to vector<16xf32>
      %swap3A_212 = vector.shape_cast %broadcast_in_dim3A_207 : vector<16xf32> to vector<16xf32>
      tpu.vector_store %arg10[%swap3A], %swap3A_212 {strides = array<i32>} : memref<208xf32, #tpu.memory_space<vmem>>, vector<16xf32>,
      %scan3A_213 = arith.constant 0 : i32
      scf.yield %scan3A_213 : i32
    }
    %scan3A_17 = arith.constant 13 : i32
    %scan3A_18 = arith.constant 0 : i32
    %scan3A_19 = arith.constant 0 : i32
    %scan3A_20 = arith.constant 640 : i32
    %scan3A_21 = arith.addi %scan3A_19, %scan3A_20 : i32
    %scan3A_22 = arith.constant 1 : i32
    %scan3A_23 = scf.for %scan3A_205 = %scan3A_19 to %scan3A_21 step %scan3A_22 iter_args(%scan3A_206 = %scan3A_18) -> (i32)  : i32 {
      %broadcast_in_dim3A = arith.constant 0.000000e+00 : f32
      %broadcast_in_dim3A_207 = vector.broadcast %broadcast_in_dim3A : f32 to vector<16xf32>
      %jit3A = arith.constant 8 : i32
      %div3A = arith.divsi %scan3A_205, %jit3A : i32
      %sign3A = arith.constant 0 : i32
      %sign3A_208 = arith.cmpi sgt, %scan3A_205, %sign3A : i32
      %sign3A_209 = arith.extui %sign3A_208 : i1 to i32
      %sign3A_210 = arith.constant 0 : i32
      %sign3A_211 = arith.cmpi slt, %scan3A_205, %sign3A_210 : i32
      %sign3A_212 = arith.extui %sign3A_211 : i1 to i32
      %sign3A_213 = arith.subi %sign3A_209, %sign3A_212 : i32
      %sign3A_214 = arith.constant 0 : i32
      %sign3A_215 = arith.cmpi sgt, %jit3A, %sign3A_214 : i32
      %sign3A_216 = arith.extui %sign3A_215 : i1 to i32
      %sign3A_217 = arith.constant 0 : i32
      %sign3A_218 = arith.cmpi slt, %jit3A, %sign3A_217 : i32
      %sign3A_219 = arith.extui %sign3A_218 : i1 to i32
      %sign3A_220 = arith.subi %sign3A_216, %sign3A_219 : i32
      %ne3A = arith.cmpi ne, %sign3A_213, %sign3A_220 : i32
      %rem3A = arith.remsi %scan3A_205, %jit3A : i32
      %ne3A_221 = arith.constant 0 : i32
      %ne3A_222 = arith.cmpi ne, %rem3A, %ne3A_221 : i32
      %and3A = arith.andi %ne3A, %ne3A_222 : i1
      %sub3A = arith.constant 1 : i32
      %sub3A_223 = arith.subi %div3A, %sub3A : i32
      %select_n3A = arith.select %and3A, %sub3A_223, %div3A : i32
      %jit3A_224 = arith.constant 8 : i32
      %eq3A = arith.constant 0 : i32
      %eq3A_225 = arith.cmpi eq, %jit3A_224, %eq3A : i32
      %jit3A_226 = arith.constant 1 : i32
      %select_n3A_227 = arith.select %eq3A_225, %jit3A_226, %jit3A_224 : i32
      %rem3A_228 = arith.remsi %scan3A_205, %select_n3A_227 : i32
      %ne3A_229 = arith.constant 0 : i32
      %ne3A_230 = arith.cmpi ne, %rem3A_228, %ne3A_229 : i32
      %lt3A = arith.constant 0 : i32
      %lt3A_231 = arith.cmpi slt, %rem3A_228, %lt3A : i32
      %lt3A_232 = arith.constant 0 : i32
      %lt3A_233 = arith.cmpi slt, %select_n3A_227, %lt3A_232 : i32
      %ne3A_234 = arith.xori %lt3A_231, %lt3A_233 : i1
      %and3A_235 = arith.andi %ne3A_234, %ne3A_230 : i1
      %add3A_236 = arith.addi %rem3A_228, %select_n3A_227 : i32
      %select_n3A_237 = arith.select %and3A_235, %add3A_236, %rem3A_228 : i32
      %mul3A_238 = arith.constant 16 : i32
      %mul3A_239 = arith.muli %select_n3A_237, %mul3A_238 : i32
      %swap3A = arith.constant 0 : i32
      %swap3A_240 = arith.index_cast %swap3A : i32 to index
      %swap3A_241 = arith.index_cast %select_n3A : i32 to index
      %swap3A_242 = arith.index_cast %mul3A_239 : i32 to index
      %swap3A_243 = tpu.vector_load %arg8[%swap3A_240, %swap3A_241, %swap3A_242] {strides = array<i32>} : memref<4x80x128xf32, #tpu.memory_space<vmem>>, vector<1x1x16xf32>,
      %swap3A_244 = vector.shape_cast %swap3A_243 : vector<1x1x16xf32> to vector<16xf32>
      %swap3A_245 = vector.shape_cast %broadcast_in_dim3A_207 : vector<16xf32> to vector<1x1x16xf32>
      tpu.vector_store %arg8[%swap3A_240, %swap3A_241, %swap3A_242], %swap3A_245 {strides = array<i32>} : memref<4x80x128xf32, #tpu.memory_space<vmem>>, vector<1x1x16xf32>,
      %scan3A_246 = arith.constant 0 : i32
      scf.yield %scan3A_246 : i32
    }
    %scan3A_24 = arith.constant 640 : i32
    %scan3A_25 = arith.constant 0 : i32
    %scan3A_26 = arith.constant 0 : i32
    %scan3A_27 = arith.constant 8 : i32
    %scan3A_28 = arith.addi %scan3A_26, %scan3A_27 : i32
    %scan3A_29 = arith.constant 1 : i32
    %scan3A_30 = scf.for %scan3A_205 = %scan3A_26 to %scan3A_28 step %scan3A_29 iter_args(%scan3A_206 = %scan3A_25) -> (i32)  : i32 {
      %mul3A_207 = arith.constant 16 : i32
      %mul3A_208 = arith.muli %mul3A_207, %scan3A_205 : i32
      %add3A_209 = arith.addi %arg1, %mul3A_208 : i32
      %lt3A = arith.constant 125 : i32
      %lt3A_210 = arith.cmpi slt, %add3A_209, %lt3A : i32
      %convert_element_type3A = arith.extui %lt3A_210 : i1 to i32
      %cond3A = arith.constant 0 : i32
      %cond3A_211 = arith.cmpi ne, %convert_element_type3A, %cond3A : i32
      scf.if %cond3A_211 {
        %mul3A_218 = arith.constant 80 : i32
        %mul3A_219 = arith.muli %add3A_209, %mul3A_218 : i32
        %dma_start3A_220 = arith.constant 0 : i32
        %dma_start3A_221 = arith.constant 0 : i32
        %dma_start3A_222 = arith.constant 0 : i32
        %dma_start3A_223 = tpu.memref_slice %arg8[%dma_start3A_220, %dma_start3A_221, %dma_start3A_222] : memref<4x80x128xf32, #tpu.memory_space<vmem>> -> memref<1x80x128xf32, #tpu.memory_space<vmem>>
        %dma_start3A_224 = tpu.memref_squeeze %dma_start3A_223 : memref<1x80x128xf32, #tpu.memory_space<vmem>> -> memref<80x128xf32, #tpu.memory_space<vmem>>
        %dma_start3A_225 = arith.constant 0 : i32
        %dma_start3A_226 = tpu.memref_slice %arg11[%mul3A_219, %dma_start3A_225] : memref<10000x128xf32, #tpu.memory_space<vmem_shared>> -> memref<80x128xf32, #tpu.memory_space<vmem_shared>>
        %dma_start3A_227 = arith.constant 0 : i32
        %dma_start3A_228 = tpu.memref_slice %arg11[%mul3A_219, %dma_start3A_227] : memref<10000x128xf32, #tpu.memory_space<vmem_shared>> -> memref<80x128xf32, #tpu.memory_space<vmem_shared>>
        %dma_start3A_229 = arith.constant 0 : i32
        %dma_start3A_230 = arith.constant 0 : i32
        %dma_start3A_231 = tpu.memref_slice %arg8[%dma_start3A_220, %dma_start3A_229, %dma_start3A_230] : memref<4x80x128xf32, #tpu.memory_space<vmem>> -> memref<1x80x128xf32, #tpu.memory_space<vmem>>
        %dma_start3A_232 = tpu.memref_squeeze %dma_start3A_231 : memref<1x80x128xf32, #tpu.memory_space<vmem>> -> memref<80x128xf32, #tpu.memory_space<vmem>>
        tpu.enqueue_dma source(%dma_start3A_232 : memref<80x128xf32, #tpu.memory_space<vmem>>) target(%dma_start3A_228 : memref<80x128xf32, #tpu.memory_space<vmem_shared>>) target_semaphore(%arg18 : memref<!tpu.dma_semaphore, #tpu.memory_space<semaphore_mem>>)
      } else {
      }
      %lt3A_212 = arith.constant 50 : i32
      %lt3A_213 = arith.cmpi slt, %add3A_209, %lt3A_212 : i32
      %convert_element_type3A_214 = arith.extui %lt3A_213 : i1 to i32
      %cond3A_215 = arith.constant 0 : i32
      %cond3A_216 = arith.cmpi ne, %convert_element_type3A_214, %cond3A_215 : i32
      scf.if %cond3A_216 {
        %mul3A_218 = arith.constant 200 : i32
        %mul3A_219 = arith.muli %add3A_209, %mul3A_218 : i32
        "tpu.region"() ({
          %run_scoped3A = tpu.sem_alloc : memref<!tpu.dma_semaphore, #tpu.memory_space<semaphore_mem>>
          %dma_start3A_220 = arith.constant 0 : i32
          %dma_start3A_221 = tpu.memref_slice %arg10[%dma_start3A_220] : memref<208xf32, #tpu.memory_space<vmem>> -> memref<200xf32, #tpu.memory_space<vmem>>
          %dma_start3A_222 = tpu.memref_slice %arg12[%mul3A_219] : memref<10000xf32, #tpu.memory_space<vmem_shared>> -> memref<200xf32, #tpu.memory_space<vmem_shared>>
          %dma_start3A_223 = tpu.memref_slice %arg12[%mul3A_219] : memref<10000xf32, #tpu.memory_space<vmem_shared>> -> memref<200xf32, #tpu.memory_space<vmem_shared>>
          %dma_start3A_224 = arith.constant 0 : i32
          %dma_start3A_225 = tpu.memref_slice %arg10[%dma_start3A_224] : memref<208xf32, #tpu.memory_space<vmem>> -> memref<200xf32, #tpu.memory_space<vmem>>
          tpu.enqueue_dma source(%dma_start3A_225 : memref<200xf32, #tpu.memory_space<vmem>>) target(%dma_start3A_223 : memref<200xf32, #tpu.memory_space<vmem_shared>>) target_semaphore(%run_scoped3A : memref<!tpu.dma_semaphore, #tpu.memory_space<semaphore_mem>>)
          %dma_wait3A_226 = arith.constant 0 : i32
          %dma_wait3A_227 = tpu.memref_slice %arg10[%dma_wait3A_226] : memref<208xf32, #tpu.memory_space<vmem>> -> memref<200xf32, #tpu.memory_space<vmem>>
          %dma_wait3A_228 = tpu.memref_slice %arg12[%mul3A_219] : memref<10000xf32, #tpu.memory_space<vmem_shared>> -> memref<200xf32, #tpu.memory_space<vmem_shared>>
          %dma_wait3A_229 = tpu.memref_slice %arg12[%mul3A_219] : memref<10000xf32, #tpu.memory_space<vmem_shared>> -> memref<200xf32, #tpu.memory_space<vmem_shared>>
          %dma_wait3A_230 = arith.constant 0 : i32
          %dma_wait3A_231 = tpu.memref_slice %arg10[%dma_wait3A_230] : memref<208xf32, #tpu.memory_space<vmem>> -> memref<200xf32, #tpu.memory_space<vmem>>
          tpu.wait_dma2 semaphore(%run_scoped3A : memref<!tpu.dma_semaphore, #tpu.memory_space<semaphore_mem>>) src(%dma_wait3A_231 : memref<200xf32, #tpu.memory_space<vmem>>) dst(%dma_wait3A_229 : memref<200xf32, #tpu.memory_space<vmem_shared>>)
          tpu.yield
        }) : () -> ()
      } else {
      }
      %scan3A_217 = arith.constant 0 : i32
      scf.yield %scan3A_217 : i32
    }
    %scan3A_31 = arith.constant 8 : i32
    %scan3A_32 = arith.constant 0 : i32
    %scan3A_33 = arith.constant 0 : i32
    %scan3A_34 = arith.constant 8 : i32
    %scan3A_35 = arith.addi %scan3A_33, %scan3A_34 : i32
    %scan3A_36 = arith.constant 1 : i32
    %scan3A_37 = scf.for %scan3A_205 = %scan3A_33 to %scan3A_35 step %scan3A_36 iter_args(%scan3A_206 = %scan3A_32) -> (i32)  : i32 {
      %mul3A_207 = arith.constant 16 : i32
      %mul3A_208 = arith.muli %mul3A_207, %scan3A_205 : i32
      %add3A_209 = arith.addi %arg1, %mul3A_208 : i32
      %lt3A = arith.constant 125 : i32
      %lt3A_210 = arith.cmpi slt, %add3A_209, %lt3A : i32
      %convert_element_type3A = arith.extui %lt3A_210 : i1 to i32
      %cond3A = arith.constant 0 : i32
      %cond3A_211 = arith.cmpi ne, %convert_element_type3A, %cond3A : i32
      scf.if %cond3A_211 {
        %mul3A_213 = arith.constant 80 : i32
        %mul3A_214 = arith.muli %add3A_209, %mul3A_213 : i32
        %dma_wait3A_215 = arith.constant 0 : i32
        %dma_wait3A_216 = arith.constant 0 : i32
        %dma_wait3A_217 = arith.constant 0 : i32
        %dma_wait3A_218 = tpu.memref_slice %arg8[%dma_wait3A_215, %dma_wait3A_216, %dma_wait3A_217] : memref<4x80x128xf32, #tpu.memory_space<vmem>> -> memref<1x80x128xf32, #tpu.memory_space<vmem>>
        %dma_wait3A_219 = tpu.memref_squeeze %dma_wait3A_218 : memref<1x80x128xf32, #tpu.memory_space<vmem>> -> memref<80x128xf32, #tpu.memory_space<vmem>>
        %dma_wait3A_220 = arith.constant 0 : i32
        %dma_wait3A_221 = tpu.memref_slice %arg11[%mul3A_214, %dma_wait3A_220] : memref<10000x128xf32, #tpu.memory_space<vmem_shared>> -> memref<80x128xf32, #tpu.memory_space<vmem_shared>>
        %dma_wait3A_222 = arith.constant 0 : i32
        %dma_wait3A_223 = tpu.memref_slice %arg11[%mul3A_214, %dma_wait3A_222] : memref<10000x128xf32, #tpu.memory_space<vmem_shared>> -> memref<80x128xf32, #tpu.memory_space<vmem_shared>>
        %dma_wait3A_224 = arith.constant 0 : i32
        %dma_wait3A_225 = arith.constant 0 : i32
        %dma_wait3A_226 = tpu.memref_slice %arg8[%dma_wait3A_215, %dma_wait3A_224, %dma_wait3A_225] : memref<4x80x128xf32, #tpu.memory_space<vmem>> -> memref<1x80x128xf32, #tpu.memory_space<vmem>>
        %dma_wait3A_227 = tpu.memref_squeeze %dma_wait3A_226 : memref<1x80x128xf32, #tpu.memory_space<vmem>> -> memref<80x128xf32, #tpu.memory_space<vmem>>
        tpu.wait_dma2 semaphore(%arg18 : memref<!tpu.dma_semaphore, #tpu.memory_space<semaphore_mem>>) src(%dma_wait3A_227 : memref<80x128xf32, #tpu.memory_space<vmem>>) dst(%dma_wait3A_223 : memref<80x128xf32, #tpu.memory_space<vmem_shared>>)
      } else {
      }
      %scan3A_212 = arith.constant 0 : i32
      scf.yield %scan3A_212 : i32
    }
    %scan3A_38 = arith.constant 8 : i32
    %barrier3A = arith.constant 0 : index
    tpu.barrier barrier_id(%barrier3A)
    %add3A_39 = arith.constant 0 : i32
    %add3A_40 = arith.addi %mul3A_4, %add3A_39 : i32
    %add3A_41 = arith.constant 320000 : i32
    %add3A_42 = arith.addi %add3A_41, %mul3A_4 : i32
    %add3A_43 = arith.constant 0 : i32
    %add3A_44 = arith.addi %add3A_42, %add3A_43 : i32
    %dma_start3A = arith.constant 0 : i32
    %dma_start3A_45 = arith.constant 0 : i32
    %dma_start3A_46 = arith.constant 0 : i32
    %dma_start3A_47 = tpu.memref_slice %arg6[%dma_start3A, %dma_start3A_46] : memref<4x80xi32, #tpu.memory_space<vmem>> -> memref<1x80xi32, #tpu.memory_space<vmem>>
    %dma_start3A_48 = tpu.memref_squeeze %dma_start3A_47 : memref<1x80xi32, #tpu.memory_space<vmem>> -> memref<80xi32, #tpu.memory_space<vmem>>
    %dma_start3A_49 = tpu.memref_slice %arg3[%add3A_40] : memref<640000xi32, #tpu.memory_space<hbm>> -> memref<80xi32, #tpu.memory_space<hbm>>
    %dma_start3A_50 = tpu.memref_slice %arg13[%dma_start3A_45] : memref<4x!tpu.dma_semaphore, #tpu.memory_space<semaphore_mem>> -> memref<1x!tpu.dma_semaphore, #tpu.memory_space<semaphore_mem>>
    %dma_start3A_51 = tpu.memref_squeeze %dma_start3A_50 : memref<1x!tpu.dma_semaphore, #tpu.memory_space<semaphore_mem>> -> memref<!tpu.dma_semaphore, #tpu.memory_space<semaphore_mem>>
    %dma_start3A_52 = arith.constant 0 : i32
    %dma_start3A_53 = tpu.memref_slice %arg6[%dma_start3A, %dma_start3A_52] : memref<4x80xi32, #tpu.memory_space<vmem>> -> memref<1x80xi32, #tpu.memory_space<vmem>>
    %dma_start3A_54 = tpu.memref_squeeze %dma_start3A_53 : memref<1x80xi32, #tpu.memory_space<vmem>> -> memref<80xi32, #tpu.memory_space<vmem>>
    %dma_start3A_55 = tpu.memref_slice %arg3[%add3A_40] : memref<640000xi32, #tpu.memory_space<hbm>> -> memref<80xi32, #tpu.memory_space<hbm>>
    tpu.enqueue_dma source(%dma_start3A_55 : memref<80xi32, #tpu.memory_space<hbm>>) target(%dma_start3A_54 : memref<80xi32, #tpu.memory_space<vmem>>) target_semaphore(%dma_start3A_51 : memref<!tpu.dma_semaphore, #tpu.memory_space<semaphore_mem>>)
    %dma_start3A_56 = arith.constant 0 : i32
    %dma_start3A_57 = arith.constant 0 : i32
    %dma_start3A_58 = arith.constant 0 : i32
    %dma_start3A_59 = tpu.memref_slice %arg7[%dma_start3A_56, %dma_start3A_58] : memref<4x80xi32, #tpu.memory_space<vmem>> -> memref<1x80xi32, #tpu.memory_space<vmem>>
    %dma_start3A_60 = tpu.memref_squeeze %dma_start3A_59 : memref<1x80xi32, #tpu.memory_space<vmem>> -> memref<80xi32, #tpu.memory_space<vmem>>
    %dma_start3A_61 = tpu.memref_slice %arg3[%add3A_44] : memref<640000xi32, #tpu.memory_space<hbm>> -> memref<80xi32, #tpu.memory_space<hbm>>
    %dma_start3A_62 = tpu.memref_slice %arg14[%dma_start3A_57] : memref<4x!tpu.dma_semaphore, #tpu.memory_space<semaphore_mem>> -> memref<1x!tpu.dma_semaphore, #tpu.memory_space<semaphore_mem>>
    %dma_start3A_63 = tpu.memref_squeeze %dma_start3A_62 : memref<1x!tpu.dma_semaphore, #tpu.memory_space<semaphore_mem>> -> memref<!tpu.dma_semaphore, #tpu.memory_space<semaphore_mem>>
    %dma_start3A_64 = arith.constant 0 : i32
    %dma_start3A_65 = tpu.memref_slice %arg7[%dma_start3A_56, %dma_start3A_64] : memref<4x80xi32, #tpu.memory_space<vmem>> -> memref<1x80xi32, #tpu.memory_space<vmem>>
    %dma_start3A_66 = tpu.memref_squeeze %dma_start3A_65 : memref<1x80xi32, #tpu.memory_space<vmem>> -> memref<80xi32, #tpu.memory_space<vmem>>
    %dma_start3A_67 = tpu.memref_slice %arg3[%add3A_44] : memref<640000xi32, #tpu.memory_space<hbm>> -> memref<80xi32, #tpu.memory_space<hbm>>
    tpu.enqueue_dma source(%dma_start3A_67 : memref<80xi32, #tpu.memory_space<hbm>>) target(%dma_start3A_66 : memref<80xi32, #tpu.memory_space<vmem>>) target_semaphore(%dma_start3A_63 : memref<!tpu.dma_semaphore, #tpu.memory_space<semaphore_mem>>)
    %add3A_68 = arith.constant 80 : i32
    %add3A_69 = arith.addi %mul3A_4, %add3A_68 : i32
    %add3A_70 = arith.constant 320000 : i32
    %add3A_71 = arith.addi %add3A_70, %mul3A_4 : i32
    %add3A_72 = arith.constant 80 : i32
    %add3A_73 = arith.addi %add3A_71, %add3A_72 : i32
    %dma_start3A_74 = arith.constant 1 : i32
    %dma_start3A_75 = arith.constant 1 : i32
    %dma_start3A_76 = arith.constant 0 : i32
    %dma_start3A_77 = tpu.memref_slice %arg6[%dma_start3A_74, %dma_start3A_76] : memref<4x80xi32, #tpu.memory_space<vmem>> -> memref<1x80xi32, #tpu.memory_space<vmem>>
    %dma_start3A_78 = tpu.memref_squeeze %dma_start3A_77 : memref<1x80xi32, #tpu.memory_space<vmem>> -> memref<80xi32, #tpu.memory_space<vmem>>
    %dma_start3A_79 = tpu.memref_slice %arg3[%add3A_69] : memref<640000xi32, #tpu.memory_space<hbm>> -> memref<80xi32, #tpu.memory_space<hbm>>
    %dma_start3A_80 = tpu.memref_slice %arg13[%dma_start3A_75] : memref<4x!tpu.dma_semaphore, #tpu.memory_space<semaphore_mem>> -> memref<1x!tpu.dma_semaphore, #tpu.memory_space<semaphore_mem>>
    %dma_start3A_81 = tpu.memref_squeeze %dma_start3A_80 : memref<1x!tpu.dma_semaphore, #tpu.memory_space<semaphore_mem>> -> memref<!tpu.dma_semaphore, #tpu.memory_space<semaphore_mem>>
    %dma_start3A_82 = arith.constant 0 : i32
    %dma_start3A_83 = tpu.memref_slice %arg6[%dma_start3A_74, %dma_start3A_82] : memref<4x80xi32, #tpu.memory_space<vmem>> -> memref<1x80xi32, #tpu.memory_space<vmem>>
    %dma_start3A_84 = tpu.memref_squeeze %dma_start3A_83 : memref<1x80xi32, #tpu.memory_space<vmem>> -> memref<80xi32, #tpu.memory_space<vmem>>
    %dma_start3A_85 = tpu.memref_slice %arg3[%add3A_69] : memref<640000xi32, #tpu.memory_space<hbm>> -> memref<80xi32, #tpu.memory_space<hbm>>
    tpu.enqueue_dma source(%dma_start3A_85 : memref<80xi32, #tpu.memory_space<hbm>>) target(%dma_start3A_84 : memref<80xi32, #tpu.memory_space<vmem>>) target_semaphore(%dma_start3A_81 : memref<!tpu.dma_semaphore, #tpu.memory_space<semaphore_mem>>)
    %dma_start3A_86 = arith.constant 1 : i32
    %dma_start3A_87 = arith.constant 1 : i32
    %dma_start3A_88 = arith.constant 0 : i32
    %dma_start3A_89 = tpu.memref_slice %arg7[%dma_start3A_86, %dma_start3A_88] : memref<4x80xi32, #tpu.memory_space<vmem>> -> memref<1x80xi32, #tpu.memory_space<vmem>>
    %dma_start3A_90 = tpu.memref_squeeze %dma_start3A_89 : memref<1x80xi32, #tpu.memory_space<vmem>> -> memref<80xi32, #tpu.memory_space<vmem>>
    %dma_start3A_91 = tpu.memref_slice %arg3[%add3A_73] : memref<640000xi32, #tpu.memory_space<hbm>> -> memref<80xi32, #tpu.memory_space<hbm>>
    %dma_start3A_92 = tpu.memref_slice %arg14[%dma_start3A_87] : memref<4x!tpu.dma_semaphore, #tpu.memory_space<semaphore_mem>> -> memref<1x!tpu.dma_semaphore, #tpu.memory_space<semaphore_mem>>
    %dma_start3A_93 = tpu.memref_squeeze %dma_start3A_92 : memref<1x!tpu.dma_semaphore, #tpu.memory_space<semaphore_mem>> -> memref<!tpu.dma_semaphore, #tpu.memory_space<semaphore_mem>>
    %dma_start3A_94 = arith.constant 0 : i32
    %dma_start3A_95 = tpu.memref_slice %arg7[%dma_start3A_86, %dma_start3A_94] : memref<4x80xi32, #tpu.memory_space<vmem>> -> memref<1x80xi32, #tpu.memory_space<vmem>>
    %dma_start3A_96 = tpu.memref_squeeze %dma_start3A_95 : memref<1x80xi32, #tpu.memory_space<vmem>> -> memref<80xi32, #tpu.memory_space<vmem>>
    %dma_start3A_97 = tpu.memref_slice %arg3[%add3A_73] : memref<640000xi32, #tpu.memory_space<hbm>> -> memref<80xi32, #tpu.memory_space<hbm>>
    tpu.enqueue_dma source(%dma_start3A_97 : memref<80xi32, #tpu.memory_space<hbm>>) target(%dma_start3A_96 : memref<80xi32, #tpu.memory_space<vmem>>) target_semaphore(%dma_start3A_93 : memref<!tpu.dma_semaphore, #tpu.memory_space<semaphore_mem>>)
    %add3A_98 = arith.constant 0 : i32
    %add3A_99 = arith.addi %mul3A_4, %add3A_98 : i32
    %add3A_100 = arith.constant 320000 : i32
    %add3A_101 = arith.addi %add3A_100, %mul3A_4 : i32
    %add3A_102 = arith.constant 0 : i32
    %add3A_103 = arith.addi %add3A_101, %add3A_102 : i32
    %dma_wait3A = arith.constant 0 : i32
    %dma_wait3A_104 = arith.constant 0 : i32
    %dma_wait3A_105 = arith.constant 0 : i32
    %dma_wait3A_106 = tpu.memref_slice %arg6[%dma_wait3A, %dma_wait3A_105] : memref<4x80xi32, #tpu.memory_space<vmem>> -> memref<1x80xi32, #tpu.memory_space<vmem>>
    %dma_wait3A_107 = tpu.memref_squeeze %dma_wait3A_106 : memref<1x80xi32, #tpu.memory_space<vmem>> -> memref<80xi32, #tpu.memory_space<vmem>>
    %dma_wait3A_108 = tpu.memref_slice %arg3[%add3A_99] : memref<640000xi32, #tpu.memory_space<hbm>> -> memref<80xi32, #tpu.memory_space<hbm>>
    %dma_wait3A_109 = tpu.memref_slice %arg13[%dma_wait3A_104] : memref<4x!tpu.dma_semaphore, #tpu.memory_space<semaphore_mem>> -> memref<1x!tpu.dma_semaphore, #tpu.memory_space<semaphore_mem>>
    %dma_wait3A_110 = tpu.memref_squeeze %dma_wait3A_109 : memref<1x!tpu.dma_semaphore, #tpu.memory_space<semaphore_mem>> -> memref<!tpu.dma_semaphore, #tpu.memory_space<semaphore_mem>>
    %dma_wait3A_111 = arith.constant 0 : i32
    %dma_wait3A_112 = tpu.memref_slice %arg6[%dma_wait3A, %dma_wait3A_111] : memref<4x80xi32, #tpu.memory_space<vmem>> -> memref<1x80xi32, #tpu.memory_space<vmem>>
    %dma_wait3A_113 = tpu.memref_squeeze %dma_wait3A_112 : memref<1x80xi32, #tpu.memory_space<vmem>> -> memref<80xi32, #tpu.memory_space<vmem>>
    %dma_wait3A_114 = tpu.memref_slice %arg3[%add3A_99] : memref<640000xi32, #tpu.memory_space<hbm>> -> memref<80xi32, #tpu.memory_space<hbm>>
    tpu.wait_dma2 semaphore(%dma_wait3A_110 : memref<!tpu.dma_semaphore, #tpu.memory_space<semaphore_mem>>) src(%dma_wait3A_114 : memref<80xi32, #tpu.memory_space<hbm>>) dst(%dma_wait3A_113 : memref<80xi32, #tpu.memory_space<vmem>>)
    %dma_wait3A_115 = arith.constant 0 : i32
    %dma_wait3A_116 = arith.constant 0 : i32
    %dma_wait3A_117 = arith.constant 0 : i32
    %dma_wait3A_118 = tpu.memref_slice %arg7[%dma_wait3A_115, %dma_wait3A_117] : memref<4x80xi32, #tpu.memory_space<vmem>> -> memref<1x80xi32, #tpu.memory_space<vmem>>
    %dma_wait3A_119 = tpu.memref_squeeze %dma_wait3A_118 : memref<1x80xi32, #tpu.memory_space<vmem>> -> memref<80xi32, #tpu.memory_space<vmem>>
    %dma_wait3A_120 = tpu.memref_slice %arg3[%add3A_103] : memref<640000xi32, #tpu.memory_space<hbm>> -> memref<80xi32, #tpu.memory_space<hbm>>
    %dma_wait3A_121 = tpu.memref_slice %arg14[%dma_wait3A_116] : memref<4x!tpu.dma_semaphore, #tpu.memory_space<semaphore_mem>> -> memref<1x!tpu.dma_semaphore, #tpu.memory_space<semaphore_mem>>
    %dma_wait3A_122 = tpu.memref_squeeze %dma_wait3A_121 : memref<1x!tpu.dma_semaphore, #tpu.memory_space<semaphore_mem>> -> memref<!tpu.dma_semaphore, #tpu.memory_space<semaphore_mem>>
    %dma_wait3A_123 = arith.constant 0 : i32
    %dma_wait3A_124 = tpu.memref_slice %arg7[%dma_wait3A_115, %dma_wait3A_123] : memref<4x80xi32, #tpu.memory_space<vmem>> -> memref<1x80xi32, #tpu.memory_space<vmem>>
    %dma_wait3A_125 = tpu.memref_squeeze %dma_wait3A_124 : memref<1x80xi32, #tpu.memory_space<vmem>> -> memref<80xi32, #tpu.memory_space<vmem>>
    %dma_wait3A_126 = tpu.memref_slice %arg3[%add3A_103] : memref<640000xi32, #tpu.memory_space<hbm>> -> memref<80xi32, #tpu.memory_space<hbm>>
    tpu.wait_dma2 semaphore(%dma_wait3A_122 : memref<!tpu.dma_semaphore, #tpu.memory_space<semaphore_mem>>) src(%dma_wait3A_126 : memref<80xi32, #tpu.memory_space<hbm>>) dst(%dma_wait3A_125 : memref<80xi32, #tpu.memory_space<vmem>>)
    %dma_start3A_127 = arith.constant 0 : i32
    %dma_start3A_128 = arith.constant 0 : i32
    %dma_start3A_129 = arith.constant 0 : i32
    %dma_start3A_130 = arith.constant 0 : i32
    %dma_start3A_131 = arith.constant 0 : i32
    %dma_start3A_132 = tpu.memref_slice %arg8[%dma_start3A_128, %dma_start3A_130, %dma_start3A_131] : memref<4x80x128xf32, #tpu.memory_space<vmem>> -> memref<1x80x128xf32, #tpu.memory_space<vmem>>
    %dma_start3A_133 = tpu.memref_squeeze %dma_start3A_132 : memref<1x80x128xf32, #tpu.memory_space<vmem>> -> memref<80x128xf32, #tpu.memory_space<vmem>>
    %dma_start3A_134 = arith.constant 0 : i32
    %dma_start3A_135 = tpu.memref_slice %arg6[%dma_start3A_127, %dma_start3A_134] : memref<4x80xi32, #tpu.memory_space<vmem>> -> memref<1x80xi32, #tpu.memory_space<vmem>>
    %dma_start3A_136 = tpu.memref_squeeze %dma_start3A_135 : memref<1x80xi32, #tpu.memory_space<vmem>> -> memref<80xi32, #tpu.memory_space<vmem>>
    %dma_start3A_137 = arith.constant 0 : i32
    %dma_start3A_138 = arith.constant 0 : i32
    %dma_start3A_139 = tpu.memref_slice %arg2[%dma_start3A_137, %dma_start3A_138] : memref<10000x128xf32, #tpu.memory_space<hbm>> -> memref<10000x128xf32, #tpu.memory_space<hbm>>
    %dma_start3A_140 = tpu.memref_slice %arg15[%dma_start3A_129] : memref<4x!tpu.dma_semaphore, #tpu.memory_space<semaphore_mem>> -> memref<1x!tpu.dma_semaphore, #tpu.memory_space<semaphore_mem>>
    %dma_start3A_141 = tpu.memref_squeeze %dma_start3A_140 : memref<1x!tpu.dma_semaphore, #tpu.memory_space<semaphore_mem>> -> memref<!tpu.dma_semaphore, #tpu.memory_space<semaphore_mem>>
    tpu.enqueue_indirect_dma source(%dma_start3A_139 : memref<10000x128xf32, #tpu.memory_space<hbm>>) target(%dma_start3A_133 : memref<80x128xf32, #tpu.memory_space<vmem>>) offsets(%dma_start3A_136 : memref<80xi32, #tpu.memory_space<vmem>>) semaphore(%dma_start3A_141 : memref<!tpu.dma_semaphore, #tpu.memory_space<semaphore_mem>>)
    %scan3A_142 = arith.constant 0 : i32
    %scan3A_143 = arith.constant 0 : i32
    %scan3A_144 = arith.constant 125 : i32
    %scan3A_145 = arith.addi %scan3A_143, %scan3A_144 : i32
    %scan3A_146 = arith.constant 1 : i32
    %scan3A_147 = scf.for %scan3A_205 = %scan3A_143 to %scan3A_145 step %scan3A_146 iter_args(%scan3A_206 = %scan3A_142) -> (i32)  : i32 {
      %ge3A = arith.constant 2 : i32
      %ge3A_207 = arith.cmpi sge, %scan3A_205, %ge3A : i32
      %convert_element_type3A = arith.extui %ge3A_207 : i1 to i32
      %cond3A = arith.constant 0 : i32
      %cond3A_208 = arith.cmpi ne, %convert_element_type3A, %cond3A : i32
      scf.if %cond3A_208 {
        %sub3A = arith.constant 2 : i32
        %sub3A_280 = arith.subi %scan3A_205, %sub3A : i32
        %jit3A_281 = arith.constant 4 : i32
        %eq3A_282 = arith.constant 0 : i32
        %eq3A_283 = arith.cmpi eq, %jit3A_281, %eq3A_282 : i32
        %jit3A_284 = arith.constant 1 : i32
        %select_n3A_285 = arith.select %eq3A_283, %jit3A_284, %jit3A_281 : i32
        %rem3A_286 = arith.remsi %sub3A_280, %select_n3A_285 : i32
        %ne3A_287 = arith.constant 0 : i32
        %ne3A_288 = arith.cmpi ne, %rem3A_286, %ne3A_287 : i32
        %lt3A_289 = arith.constant 0 : i32
        %lt3A_290 = arith.cmpi slt, %rem3A_286, %lt3A_289 : i32
        %lt3A_291 = arith.constant 0 : i32
        %lt3A_292 = arith.cmpi slt, %select_n3A_285, %lt3A_291 : i32
        %ne3A_293 = arith.xori %lt3A_290, %lt3A_292 : i1
        %and3A_294 = arith.andi %ne3A_293, %ne3A_288 : i1
        %add3A_295 = arith.addi %rem3A_286, %select_n3A_285 : i32
        %select_n3A_296 = arith.select %and3A_294, %add3A_295, %rem3A_286 : i32
        %dma_wait3A_297 = arith.constant 0 : i32
        %dma_wait3A_298 = arith.constant 0 : i32
        %dma_wait3A_299 = tpu.memref_slice %arg8[%select_n3A_296, %dma_wait3A_297, %dma_wait3A_298] : memref<4x80x128xf32, #tpu.memory_space<vmem>> -> memref<1x80x128xf32, #tpu.memory_space<vmem>>
        %dma_wait3A_300 = tpu.memref_squeeze %dma_wait3A_299 : memref<1x80x128xf32, #tpu.memory_space<vmem>> -> memref<80x128xf32, #tpu.memory_space<vmem>>
        %dma_wait3A_301 = arith.constant 0 : i32
        %dma_wait3A_302 = tpu.memref_slice %arg7[%select_n3A_296, %dma_wait3A_301] : memref<4x80xi32, #tpu.memory_space<vmem>> -> memref<1x80xi32, #tpu.memory_space<vmem>>
        %dma_wait3A_303 = tpu.memref_squeeze %dma_wait3A_302 : memref<1x80xi32, #tpu.memory_space<vmem>> -> memref<80xi32, #tpu.memory_space<vmem>>
        %dma_wait3A_304 = arith.constant 0 : i32
        %dma_wait3A_305 = arith.constant 0 : i32
        %dma_wait3A_306 = tpu.memref_slice %arg11[%dma_wait3A_304, %dma_wait3A_305] : memref<10000x128xf32, #tpu.memory_space<vmem_shared>> -> memref<10000x128xf32, #tpu.memory_space<vmem_shared>>
        %dma_wait3A_307 = tpu.memref_slice %arg16[%select_n3A_296] : memref<4x!tpu.dma_semaphore, #tpu.memory_space<semaphore_mem>> -> memref<1x!tpu.dma_semaphore, #tpu.memory_space<semaphore_mem>>
        %dma_wait3A_308 = tpu.memref_squeeze %dma_wait3A_307 : memref<1x!tpu.dma_semaphore, #tpu.memory_space<semaphore_mem>> -> memref<!tpu.dma_semaphore, #tpu.memory_space<semaphore_mem>>
        tpu.wait_indirect_dma semaphore(%dma_wait3A_308 : memref<!tpu.dma_semaphore, #tpu.memory_space<semaphore_mem>>) src(%dma_wait3A_300 : memref<80x128xf32, #tpu.memory_space<vmem>>) dst(%dma_wait3A_306 : memref<10000x128xf32, #tpu.memory_space<vmem_shared>>)
        %dma_wait3A_309 = arith.constant 0 : i32
        %dma_wait3A_310 = tpu.memref_slice %arg7[%select_n3A_296, %dma_wait3A_309] : memref<4x80xi32, #tpu.memory_space<vmem>> -> memref<1x80xi32, #tpu.memory_space<vmem>>
        %dma_wait3A_311 = tpu.memref_squeeze %dma_wait3A_310 : memref<1x80xi32, #tpu.memory_space<vmem>> -> memref<80xi32, #tpu.memory_space<vmem>>
        %dma_wait3A_312 = arith.constant 0 : i32
        %dma_wait3A_313 = tpu.memref_slice %arg12[%dma_wait3A_312] : memref<10000xf32, #tpu.memory_space<vmem_shared>> -> memref<10000xf32, #tpu.memory_space<vmem_shared>>
        %dma_wait3A_314 = tpu.memref_slice %arg17[%select_n3A_296] : memref<4x!tpu.dma_semaphore, #tpu.memory_space<semaphore_mem>> -> memref<1x!tpu.dma_semaphore, #tpu.memory_space<semaphore_mem>>
        %dma_wait3A_315 = tpu.memref_squeeze %dma_wait3A_314 : memref<1x!tpu.dma_semaphore, #tpu.memory_space<semaphore_mem>> -> memref<!tpu.dma_semaphore, #tpu.memory_space<semaphore_mem>>
        tpu.wait_indirect_dma semaphore(%dma_wait3A_315 : memref<!tpu.dma_semaphore, #tpu.memory_space<semaphore_mem>>) src(%arg9 : memref<80xf32, #tpu.memory_space<vmem>>) dst(%dma_wait3A_313 : memref<10000xf32, #tpu.memory_space<vmem_shared>>)
      } else {
      }
      %add3A_209 = arith.constant 2 : i32
      %add3A_210 = arith.addi %scan3A_205, %add3A_209 : i32
      %lt3A = arith.constant 125 : i32
      %lt3A_211 = arith.cmpi slt, %add3A_210, %lt3A : i32
      %convert_element_type3A_212 = arith.extui %lt3A_211 : i1 to i32
      %cond3A_213 = arith.constant 0 : i32
      %cond3A_214 = arith.cmpi ne, %convert_element_type3A_212, %cond3A_213 : i32
      scf.if %cond3A_214 {
        %add3A_280 = arith.constant 2 : i32
        %add3A_281 = arith.addi %scan3A_205, %add3A_280 : i32
        %jit3A_282 = arith.constant 4 : i32
        %eq3A_283 = arith.constant 0 : i32
        %eq3A_284 = arith.cmpi eq, %jit3A_282, %eq3A_283 : i32
        %jit3A_285 = arith.constant 1 : i32
        %select_n3A_286 = arith.select %eq3A_284, %jit3A_285, %jit3A_282 : i32
        %rem3A_287 = arith.remsi %add3A_281, %select_n3A_286 : i32
        %ne3A_288 = arith.constant 0 : i32
        %ne3A_289 = arith.cmpi ne, %rem3A_287, %ne3A_288 : i32
        %lt3A_290 = arith.constant 0 : i32
        %lt3A_291 = arith.cmpi slt, %rem3A_287, %lt3A_290 : i32
        %lt3A_292 = arith.constant 0 : i32
        %lt3A_293 = arith.cmpi slt, %select_n3A_286, %lt3A_292 : i32
        %ne3A_294 = arith.xori %lt3A_291, %lt3A_293 : i1
        %and3A_295 = arith.andi %ne3A_294, %ne3A_289 : i1
        %add3A_296 = arith.addi %rem3A_287, %select_n3A_286 : i32
        %select_n3A_297 = arith.select %and3A_295, %add3A_296, %rem3A_287 : i32
        %mul3A_298 = arith.constant 80 : i32
        %mul3A_299 = arith.muli %add3A_281, %mul3A_298 : i32
        %add3A_300 = arith.addi %mul3A_4, %mul3A_299 : i32
        %add3A_301 = arith.constant 320000 : i32
        %add3A_302 = arith.addi %add3A_301, %mul3A_4 : i32
        %mul3A_303 = arith.constant 80 : i32
        %mul3A_304 = arith.muli %add3A_281, %mul3A_303 : i32
        %add3A_305 = arith.addi %add3A_302, %mul3A_304 : i32
        %dma_start3A_306 = arith.constant 0 : i32
        %dma_start3A_307 = tpu.memref_slice %arg6[%select_n3A_297, %dma_start3A_306] : memref<4x80xi32, #tpu.memory_space<vmem>> -> memref<1x80xi32, #tpu.memory_space<vmem>>
        %dma_start3A_308 = tpu.memref_squeeze %dma_start3A_307 : memref<1x80xi32, #tpu.memory_space<vmem>> -> memref<80xi32, #tpu.memory_space<vmem>>
        %dma_start3A_309 = tpu.memref_slice %arg3[%add3A_300] : memref<640000xi32, #tpu.memory_space<hbm>> -> memref<80xi32, #tpu.memory_space<hbm>>
        %dma_start3A_310 = tpu.memref_slice %arg13[%select_n3A_297] : memref<4x!tpu.dma_semaphore, #tpu.memory_space<semaphore_mem>> -> memref<1x!tpu.dma_semaphore, #tpu.memory_space<semaphore_mem>>
        %dma_start3A_311 = tpu.memref_squeeze %dma_start3A_310 : memref<1x!tpu.dma_semaphore, #tpu.memory_space<semaphore_mem>> -> memref<!tpu.dma_semaphore, #tpu.memory_space<semaphore_mem>>
        %dma_start3A_312 = arith.constant 0 : i32
        %dma_start3A_313 = tpu.memref_slice %arg6[%select_n3A_297, %dma_start3A_312] : memref<4x80xi32, #tpu.memory_space<vmem>> -> memref<1x80xi32, #tpu.memory_space<vmem>>
        %dma_start3A_314 = tpu.memref_squeeze %dma_start3A_313 : memref<1x80xi32, #tpu.memory_space<vmem>> -> memref<80xi32, #tpu.memory_space<vmem>>
        %dma_start3A_315 = tpu.memref_slice %arg3[%add3A_300] : memref<640000xi32, #tpu.memory_space<hbm>> -> memref<80xi32, #tpu.memory_space<hbm>>
        tpu.enqueue_dma source(%dma_start3A_315 : memref<80xi32, #tpu.memory_space<hbm>>) target(%dma_start3A_314 : memref<80xi32, #tpu.memory_space<vmem>>) target_semaphore(%dma_start3A_311 : memref<!tpu.dma_semaphore, #tpu.memory_space<semaphore_mem>>)
        %dma_start3A_316 = arith.constant 0 : i32
        %dma_start3A_317 = tpu.memref_slice %arg7[%select_n3A_297, %dma_start3A_316] : memref<4x80xi32, #tpu.memory_space<vmem>> -> memref<1x80xi32, #tpu.memory_space<vmem>>
        %dma_start3A_318 = tpu.memref_squeeze %dma_start3A_317 : memref<1x80xi32, #tpu.memory_space<vmem>> -> memref<80xi32, #tpu.memory_space<vmem>>
        %dma_start3A_319 = tpu.memref_slice %arg3[%add3A_305] : memref<640000xi32, #tpu.memory_space<hbm>> -> memref<80xi32, #tpu.memory_space<hbm>>
        %dma_start3A_320 = tpu.memref_slice %arg14[%select_n3A_297] : memref<4x!tpu.dma_semaphore, #tpu.memory_space<semaphore_mem>> -> memref<1x!tpu.dma_semaphore, #tpu.memory_space<semaphore_mem>>
        %dma_start3A_321 = tpu.memref_squeeze %dma_start3A_320 : memref<1x!tpu.dma_semaphore, #tpu.memory_space<semaphore_mem>> -> memref<!tpu.dma_semaphore, #tpu.memory_space<semaphore_mem>>
        %dma_start3A_322 = arith.constant 0 : i32
        %dma_start3A_323 = tpu.memref_slice %arg7[%select_n3A_297, %dma_start3A_322] : memref<4x80xi32, #tpu.memory_space<vmem>> -> memref<1x80xi32, #tpu.memory_space<vmem>>
        %dma_start3A_324 = tpu.memref_squeeze %dma_start3A_323 : memref<1x80xi32, #tpu.memory_space<vmem>> -> memref<80xi32, #tpu.memory_space<vmem>>
        %dma_start3A_325 = tpu.memref_slice %arg3[%add3A_305] : memref<640000xi32, #tpu.memory_space<hbm>> -> memref<80xi32, #tpu.memory_space<hbm>>
        tpu.enqueue_dma source(%dma_start3A_325 : memref<80xi32, #tpu.memory_space<hbm>>) target(%dma_start3A_324 : memref<80xi32, #tpu.memory_space<vmem>>) target_semaphore(%dma_start3A_321 : memref<!tpu.dma_semaphore, #tpu.memory_space<semaphore_mem>>)
      } else {
      }
      %jit3A = arith.constant 4 : i32
      %eq3A = arith.constant 0 : i32
      %eq3A_215 = arith.cmpi eq, %jit3A, %eq3A : i32
      %jit3A_216 = arith.constant 1 : i32
      %select_n3A = arith.select %eq3A_215, %jit3A_216, %jit3A : i32
      %rem3A = arith.remsi %scan3A_205, %select_n3A : i32
      %ne3A = arith.constant 0 : i32
      %ne3A_217 = arith.cmpi ne, %rem3A, %ne3A : i32
      %lt3A_218 = arith.constant 0 : i32
      %lt3A_219 = arith.cmpi slt, %rem3A, %lt3A_218 : i32
      %lt3A_220 = arith.constant 0 : i32
      %lt3A_221 = arith.cmpi slt, %select_n3A, %lt3A_220 : i32
      %ne3A_222 = arith.xori %lt3A_219, %lt3A_221 : i1
      %and3A = arith.andi %ne3A_222, %ne3A_217 : i1
      %add3A_223 = arith.addi %rem3A, %select_n3A : i32
      %select_n3A_224 = arith.select %and3A, %add3A_223, %rem3A : i32
      %dma_wait3A_225 = arith.constant 0 : i32
      %dma_wait3A_226 = arith.constant 0 : i32
      %dma_wait3A_227 = tpu.memref_slice %arg8[%select_n3A_224, %dma_wait3A_225, %dma_wait3A_226] : memref<4x80x128xf32, #tpu.memory_space<vmem>> -> memref<1x80x128xf32, #tpu.memory_space<vmem>>
      %dma_wait3A_228 = tpu.memref_squeeze %dma_wait3A_227 : memref<1x80x128xf32, #tpu.memory_space<vmem>> -> memref<80x128xf32, #tpu.memory_space<vmem>>
      %dma_wait3A_229 = arith.constant 0 : i32
      %dma_wait3A_230 = tpu.memref_slice %arg6[%select_n3A_224, %dma_wait3A_229] : memref<4x80xi32, #tpu.memory_space<vmem>> -> memref<1x80xi32, #tpu.memory_space<vmem>>
      %dma_wait3A_231 = tpu.memref_squeeze %dma_wait3A_230 : memref<1x80xi32, #tpu.memory_space<vmem>> -> memref<80xi32, #tpu.memory_space<vmem>>
      %dma_wait3A_232 = arith.constant 0 : i32
      %dma_wait3A_233 = arith.constant 0 : i32
      %dma_wait3A_234 = tpu.memref_slice %arg2[%dma_wait3A_232, %dma_wait3A_233] : memref<10000x128xf32, #tpu.memory_space<hbm>> -> memref<10000x128xf32, #tpu.memory_space<hbm>>
      %dma_wait3A_235 = tpu.memref_slice %arg15[%select_n3A_224] : memref<4x!tpu.dma_semaphore, #tpu.memory_space<semaphore_mem>> -> memref<1x!tpu.dma_semaphore, #tpu.memory_space<semaphore_mem>>
      %dma_wait3A_236 = tpu.memref_squeeze %dma_wait3A_235 : memref<1x!tpu.dma_semaphore, #tpu.memory_space<semaphore_mem>> -> memref<!tpu.dma_semaphore, #tpu.memory_space<semaphore_mem>>
      tpu.wait_indirect_dma semaphore(%dma_wait3A_236 : memref<!tpu.dma_semaphore, #tpu.memory_space<semaphore_mem>>) src(%dma_wait3A_234 : memref<10000x128xf32, #tpu.memory_space<hbm>>) dst(%dma_wait3A_228 : memref<80x128xf32, #tpu.memory_space<vmem>>)
      %add3A_237 = arith.constant 1 : i32
      %add3A_238 = arith.addi %scan3A_205, %add3A_237 : i32
      %lt3A_239 = arith.constant 125 : i32
      %lt3A_240 = arith.cmpi slt, %add3A_238, %lt3A_239 : i32
      %convert_element_type3A_241 = arith.extui %lt3A_240 : i1 to i32
      %cond3A_242 = arith.constant 0 : i32
      %cond3A_243 = arith.cmpi ne, %convert_element_type3A_241, %cond3A_242 : i32
      scf.if %cond3A_243 {
        %add3A_280 = arith.constant 1 : i32
        %add3A_281 = arith.addi %scan3A_205, %add3A_280 : i32
        %jit3A_282 = arith.constant 4 : i32
        %eq3A_283 = arith.constant 0 : i32
        %eq3A_284 = arith.cmpi eq, %jit3A_282, %eq3A_283 : i32
        %jit3A_285 = arith.constant 1 : i32
        %select_n3A_286 = arith.select %eq3A_284, %jit3A_285, %jit3A_282 : i32
        %rem3A_287 = arith.remsi %add3A_281, %select_n3A_286 : i32
        %ne3A_288 = arith.constant 0 : i32
        %ne3A_289 = arith.cmpi ne, %rem3A_287, %ne3A_288 : i32
        %lt3A_290 = arith.constant 0 : i32
        %lt3A_291 = arith.cmpi slt, %rem3A_287, %lt3A_290 : i32
        %lt3A_292 = arith.constant 0 : i32
        %lt3A_293 = arith.cmpi slt, %select_n3A_286, %lt3A_292 : i32
        %ne3A_294 = arith.xori %lt3A_291, %lt3A_293 : i1
        %and3A_295 = arith.andi %ne3A_294, %ne3A_289 : i1
        %add3A_296 = arith.addi %rem3A_287, %select_n3A_286 : i32
        %select_n3A_297 = arith.select %and3A_295, %add3A_296, %rem3A_287 : i32
        %mul3A_298 = arith.constant 80 : i32
        %mul3A_299 = arith.muli %add3A_281, %mul3A_298 : i32
        %add3A_300 = arith.addi %mul3A_4, %mul3A_299 : i32
        %add3A_301 = arith.constant 320000 : i32
        %add3A_302 = arith.addi %add3A_301, %mul3A_4 : i32
        %mul3A_303 = arith.constant 80 : i32
        %mul3A_304 = arith.muli %add3A_281, %mul3A_303 : i32
        %add3A_305 = arith.addi %add3A_302, %mul3A_304 : i32
        %dma_wait3A_306 = arith.constant 0 : i32
        %dma_wait3A_307 = tpu.memref_slice %arg6[%select_n3A_297, %dma_wait3A_306] : memref<4x80xi32, #tpu.memory_space<vmem>> -> memref<1x80xi32, #tpu.memory_space<vmem>>
        %dma_wait3A_308 = tpu.memref_squeeze %dma_wait3A_307 : memref<1x80xi32, #tpu.memory_space<vmem>> -> memref<80xi32, #tpu.memory_space<vmem>>
        %dma_wait3A_309 = tpu.memref_slice %arg3[%add3A_300] : memref<640000xi32, #tpu.memory_space<hbm>> -> memref<80xi32, #tpu.memory_space<hbm>>
        %dma_wait3A_310 = tpu.memref_slice %arg13[%select_n3A_297] : memref<4x!tpu.dma_semaphore, #tpu.memory_space<semaphore_mem>> -> memref<1x!tpu.dma_semaphore, #tpu.memory_space<semaphore_mem>>
        %dma_wait3A_311 = tpu.memref_squeeze %dma_wait3A_310 : memref<1x!tpu.dma_semaphore, #tpu.memory_space<semaphore_mem>> -> memref<!tpu.dma_semaphore, #tpu.memory_space<semaphore_mem>>
        %dma_wait3A_312 = arith.constant 0 : i32
        %dma_wait3A_313 = tpu.memref_slice %arg6[%select_n3A_297, %dma_wait3A_312] : memref<4x80xi32, #tpu.memory_space<vmem>> -> memref<1x80xi32, #tpu.memory_space<vmem>>
        %dma_wait3A_314 = tpu.memref_squeeze %dma_wait3A_313 : memref<1x80xi32, #tpu.memory_space<vmem>> -> memref<80xi32, #tpu.memory_space<vmem>>
        %dma_wait3A_315 = tpu.memref_slice %arg3[%add3A_300] : memref<640000xi32, #tpu.memory_space<hbm>> -> memref<80xi32, #tpu.memory_space<hbm>>
        tpu.wait_dma2 semaphore(%dma_wait3A_311 : memref<!tpu.dma_semaphore, #tpu.memory_space<semaphore_mem>>) src(%dma_wait3A_315 : memref<80xi32, #tpu.memory_space<hbm>>) dst(%dma_wait3A_314 : memref<80xi32, #tpu.memory_space<vmem>>)
        %dma_wait3A_316 = arith.constant 0 : i32
        %dma_wait3A_317 = tpu.memref_slice %arg7[%select_n3A_297, %dma_wait3A_316] : memref<4x80xi32, #tpu.memory_space<vmem>> -> memref<1x80xi32, #tpu.memory_space<vmem>>
        %dma_wait3A_318 = tpu.memref_squeeze %dma_wait3A_317 : memref<1x80xi32, #tpu.memory_space<vmem>> -> memref<80xi32, #tpu.memory_space<vmem>>
        %dma_wait3A_319 = tpu.memref_slice %arg3[%add3A_305] : memref<640000xi32, #tpu.memory_space<hbm>> -> memref<80xi32, #tpu.memory_space<hbm>>
        %dma_wait3A_320 = tpu.memref_slice %arg14[%select_n3A_297] : memref<4x!tpu.dma_semaphore, #tpu.memory_space<semaphore_mem>> -> memref<1x!tpu.dma_semaphore, #tpu.memory_space<semaphore_mem>>
        %dma_wait3A_321 = tpu.memref_squeeze %dma_wait3A_320 : memref<1x!tpu.dma_semaphore, #tpu.memory_space<semaphore_mem>> -> memref<!tpu.dma_semaphore, #tpu.memory_space<semaphore_mem>>
        %dma_wait3A_322 = arith.constant 0 : i32
        %dma_wait3A_323 = tpu.memref_slice %arg7[%select_n3A_297, %dma_wait3A_322] : memref<4x80xi32, #tpu.memory_space<vmem>> -> memref<1x80xi32, #tpu.memory_space<vmem>>
        %dma_wait3A_324 = tpu.memref_squeeze %dma_wait3A_323 : memref<1x80xi32, #tpu.memory_space<vmem>> -> memref<80xi32, #tpu.memory_space<vmem>>
        %dma_wait3A_325 = tpu.memref_slice %arg3[%add3A_305] : memref<640000xi32, #tpu.memory_space<hbm>> -> memref<80xi32, #tpu.memory_space<hbm>>
        tpu.wait_dma2 semaphore(%dma_wait3A_321 : memref<!tpu.dma_semaphore, #tpu.memory_space<semaphore_mem>>) src(%dma_wait3A_325 : memref<80xi32, #tpu.memory_space<hbm>>) dst(%dma_wait3A_324 : memref<80xi32, #tpu.memory_space<vmem>>)
        %add3A_326 = arith.constant 1 : i32
        %add3A_327 = arith.addi %scan3A_205, %add3A_326 : i32
        %jit3A_328 = arith.constant 4 : i32
        %eq3A_329 = arith.constant 0 : i32
        %eq3A_330 = arith.cmpi eq, %jit3A_328, %eq3A_329 : i32
        %jit3A_331 = arith.constant 1 : i32
        %select_n3A_332 = arith.select %eq3A_330, %jit3A_331, %jit3A_328 : i32
        %rem3A_333 = arith.remsi %add3A_327, %select_n3A_332 : i32
        %ne3A_334 = arith.constant 0 : i32
        %ne3A_335 = arith.cmpi ne, %rem3A_333, %ne3A_334 : i32
        %lt3A_336 = arith.constant 0 : i32
        %lt3A_337 = arith.cmpi slt, %rem3A_333, %lt3A_336 : i32
        %lt3A_338 = arith.constant 0 : i32
        %lt3A_339 = arith.cmpi slt, %select_n3A_332, %lt3A_338 : i32
        %ne3A_340 = arith.xori %lt3A_337, %lt3A_339 : i1
        %and3A_341 = arith.andi %ne3A_340, %ne3A_335 : i1
        %add3A_342 = arith.addi %rem3A_333, %select_n3A_332 : i32
        %select_n3A_343 = arith.select %and3A_341, %add3A_342, %rem3A_333 : i32
        %dma_start3A_344 = arith.constant 0 : i32
        %dma_start3A_345 = arith.constant 0 : i32
        %dma_start3A_346 = tpu.memref_slice %arg8[%select_n3A_343, %dma_start3A_344, %dma_start3A_345] : memref<4x80x128xf32, #tpu.memory_space<vmem>> -> memref<1x80x128xf32, #tpu.memory_space<vmem>>
        %dma_start3A_347 = tpu.memref_squeeze %dma_start3A_346 : memref<1x80x128xf32, #tpu.memory_space<vmem>> -> memref<80x128xf32, #tpu.memory_space<vmem>>
        %dma_start3A_348 = arith.constant 0 : i32
        %dma_start3A_349 = tpu.memref_slice %arg6[%select_n3A_343, %dma_start3A_348] : memref<4x80xi32, #tpu.memory_space<vmem>> -> memref<1x80xi32, #tpu.memory_space<vmem>>
        %dma_start3A_350 = tpu.memref_squeeze %dma_start3A_349 : memref<1x80xi32, #tpu.memory_space<vmem>> -> memref<80xi32, #tpu.memory_space<vmem>>
        %dma_start3A_351 = arith.constant 0 : i32
        %dma_start3A_352 = arith.constant 0 : i32
        %dma_start3A_353 = tpu.memref_slice %arg2[%dma_start3A_351, %dma_start3A_352] : memref<10000x128xf32, #tpu.memory_space<hbm>> -> memref<10000x128xf32, #tpu.memory_space<hbm>>
        %dma_start3A_354 = tpu.memref_slice %arg15[%select_n3A_343] : memref<4x!tpu.dma_semaphore, #tpu.memory_space<semaphore_mem>> -> memref<1x!tpu.dma_semaphore, #tpu.memory_space<semaphore_mem>>
        %dma_start3A_355 = tpu.memref_squeeze %dma_start3A_354 : memref<1x!tpu.dma_semaphore, #tpu.memory_space<semaphore_mem>> -> memref<!tpu.dma_semaphore, #tpu.memory_space<semaphore_mem>>
        tpu.enqueue_indirect_dma source(%dma_start3A_353 : memref<10000x128xf32, #tpu.memory_space<hbm>>) target(%dma_start3A_347 : memref<80x128xf32, #tpu.memory_space<vmem>>) offsets(%dma_start3A_350 : memref<80xi32, #tpu.memory_space<vmem>>) semaphore(%dma_start3A_355 : memref<!tpu.dma_semaphore, #tpu.memory_space<semaphore_mem>>)
      } else {
      }
      %jit3A_244 = arith.constant 4 : i32
      %eq3A_245 = arith.constant 0 : i32
      %eq3A_246 = arith.cmpi eq, %jit3A_244, %eq3A_245 : i32
      %jit3A_247 = arith.constant 1 : i32
      %select_n3A_248 = arith.select %eq3A_246, %jit3A_247, %jit3A_244 : i32
      %rem3A_249 = arith.remsi %scan3A_205, %select_n3A_248 : i32
      %ne3A_250 = arith.constant 0 : i32
      %ne3A_251 = arith.cmpi ne, %rem3A_249, %ne3A_250 : i32
      %lt3A_252 = arith.constant 0 : i32
      %lt3A_253 = arith.cmpi slt, %rem3A_249, %lt3A_252 : i32
      %lt3A_254 = arith.constant 0 : i32
      %lt3A_255 = arith.cmpi slt, %select_n3A_248, %lt3A_254 : i32
      %ne3A_256 = arith.xori %lt3A_253, %lt3A_255 : i1
      %and3A_257 = arith.andi %ne3A_256, %ne3A_251 : i1
      %add3A_258 = arith.addi %rem3A_249, %select_n3A_248 : i32
      %select_n3A_259 = arith.select %and3A_257, %add3A_258, %rem3A_249 : i32
      %dma_start3A_260 = arith.constant 0 : i32
      %dma_start3A_261 = arith.constant 0 : i32
      %dma_start3A_262 = tpu.memref_slice %arg8[%select_n3A_259, %dma_start3A_260, %dma_start3A_261] : memref<4x80x128xf32, #tpu.memory_space<vmem>> -> memref<1x80x128xf32, #tpu.memory_space<vmem>>
      %dma_start3A_263 = tpu.memref_squeeze %dma_start3A_262 : memref<1x80x128xf32, #tpu.memory_space<vmem>> -> memref<80x128xf32, #tpu.memory_space<vmem>>
      %dma_start3A_264 = arith.constant 0 : i32
      %dma_start3A_265 = tpu.memref_slice %arg7[%select_n3A_259, %dma_start3A_264] : memref<4x80xi32, #tpu.memory_space<vmem>> -> memref<1x80xi32, #tpu.memory_space<vmem>>
      %dma_start3A_266 = tpu.memref_squeeze %dma_start3A_265 : memref<1x80xi32, #tpu.memory_space<vmem>> -> memref<80xi32, #tpu.memory_space<vmem>>
      %dma_start3A_267 = arith.constant 0 : i32
      %dma_start3A_268 = arith.constant 0 : i32
      %dma_start3A_269 = tpu.memref_slice %arg11[%dma_start3A_267, %dma_start3A_268] : memref<10000x128xf32, #tpu.memory_space<vmem_shared>> -> memref<10000x128xf32, #tpu.memory_space<vmem_shared>>
      %dma_start3A_270 = tpu.memref_slice %arg16[%select_n3A_259] : memref<4x!tpu.dma_semaphore, #tpu.memory_space<semaphore_mem>> -> memref<1x!tpu.dma_semaphore, #tpu.memory_space<semaphore_mem>>
      %dma_start3A_271 = tpu.memref_squeeze %dma_start3A_270 : memref<1x!tpu.dma_semaphore, #tpu.memory_space<semaphore_mem>> -> memref<!tpu.dma_semaphore, #tpu.memory_space<semaphore_mem>>
      tpu.enqueue_indirect_dma source(%dma_start3A_263 : memref<80x128xf32, #tpu.memory_space<vmem>>) target(%dma_start3A_269 : memref<10000x128xf32, #tpu.memory_space<vmem_shared>>) offsets(%dma_start3A_266 : memref<80xi32, #tpu.memory_space<vmem>>) semaphore(%dma_start3A_271 : memref<!tpu.dma_semaphore, #tpu.memory_space<semaphore_mem>>) {add = true}
      %dma_start3A_272 = arith.constant 0 : i32
      %dma_start3A_273 = tpu.memref_slice %arg7[%select_n3A_259, %dma_start3A_272] : memref<4x80xi32, #tpu.memory_space<vmem>> -> memref<1x80xi32, #tpu.memory_space<vmem>>
      %dma_start3A_274 = tpu.memref_squeeze %dma_start3A_273 : memref<1x80xi32, #tpu.memory_space<vmem>> -> memref<80xi32, #tpu.memory_space<vmem>>
      %dma_start3A_275 = arith.constant 0 : i32
      %dma_start3A_276 = tpu.memref_slice %arg12[%dma_start3A_275] : memref<10000xf32, #tpu.memory_space<vmem_shared>> -> memref<10000xf32, #tpu.memory_space<vmem_shared>>
      %dma_start3A_277 = tpu.memref_slice %arg17[%select_n3A_259] : memref<4x!tpu.dma_semaphore, #tpu.memory_space<semaphore_mem>> -> memref<1x!tpu.dma_semaphore, #tpu.memory_space<semaphore_mem>>
      %dma_start3A_278 = tpu.memref_squeeze %dma_start3A_277 : memref<1x!tpu.dma_semaphore, #tpu.memory_space<semaphore_mem>> -> memref<!tpu.dma_semaphore, #tpu.memory_space<semaphore_mem>>
      tpu.enqueue_indirect_dma source(%arg9 : memref<80xf32, #tpu.memory_space<vmem>>) target(%dma_start3A_276 : memref<10000xf32, #tpu.memory_space<vmem_shared>>) offsets(%dma_start3A_274 : memref<80xi32, #tpu.memory_space<vmem>>) semaphore(%dma_start3A_278 : memref<!tpu.dma_semaphore, #tpu.memory_space<semaphore_mem>>) {add = true}
      %scan3A_279 = arith.constant 0 : i32
      scf.yield %scan3A_279 : i32
    }
    %scan3A_148 = arith.constant 125 : i32
    %dma_wait3A_149 = arith.constant 3 : i32
    %dma_wait3A_150 = arith.constant 3 : i32
    %dma_wait3A_151 = arith.constant 3 : i32
    %dma_wait3A_152 = arith.constant 0 : i32
    %dma_wait3A_153 = arith.constant 0 : i32
    %dma_wait3A_154 = tpu.memref_slice %arg8[%dma_wait3A_149, %dma_wait3A_152, %dma_wait3A_153] : memref<4x80x128xf32, #tpu.memory_space<vmem>> -> memref<1x80x128xf32, #tpu.memory_space<vmem>>
    %dma_wait3A_155 = tpu.memref_squeeze %dma_wait3A_154 : memref<1x80x128xf32, #tpu.memory_space<vmem>> -> memref<80x128xf32, #tpu.memory_space<vmem>>
    %dma_wait3A_156 = arith.constant 0 : i32
    %dma_wait3A_157 = tpu.memref_slice %arg7[%dma_wait3A_150, %dma_wait3A_156] : memref<4x80xi32, #tpu.memory_space<vmem>> -> memref<1x80xi32, #tpu.memory_space<vmem>>
    %dma_wait3A_158 = tpu.memref_squeeze %dma_wait3A_157 : memref<1x80xi32, #tpu.memory_space<vmem>> -> memref<80xi32, #tpu.memory_space<vmem>>
    %dma_wait3A_159 = arith.constant 0 : i32
    %dma_wait3A_160 = arith.constant 0 : i32
    %dma_wait3A_161 = tpu.memref_slice %arg11[%dma_wait3A_159, %dma_wait3A_160] : memref<10000x128xf32, #tpu.memory_space<vmem_shared>> -> memref<10000x128xf32, #tpu.memory_space<vmem_shared>>
    %dma_wait3A_162 = tpu.memref_slice %arg16[%dma_wait3A_151] : memref<4x!tpu.dma_semaphore, #tpu.memory_space<semaphore_mem>> -> memref<1x!tpu.dma_semaphore, #tpu.memory_space<semaphore_mem>>
    %dma_wait3A_163 = tpu.memref_squeeze %dma_wait3A_162 : memref<1x!tpu.dma_semaphore, #tpu.memory_space<semaphore_mem>> -> memref<!tpu.dma_semaphore, #tpu.memory_space<semaphore_mem>>
    tpu.wait_indirect_dma semaphore(%dma_wait3A_163 : memref<!tpu.dma_semaphore, #tpu.memory_space<semaphore_mem>>) src(%dma_wait3A_155 : memref<80x128xf32, #tpu.memory_space<vmem>>) dst(%dma_wait3A_161 : memref<10000x128xf32, #tpu.memory_space<vmem_shared>>)
    %dma_wait3A_164 = arith.constant 3 : i32
    %dma_wait3A_165 = arith.constant 3 : i32
    %dma_wait3A_166 = arith.constant 0 : i32
    %dma_wait3A_167 = tpu.memref_slice %arg7[%dma_wait3A_164, %dma_wait3A_166] : memref<4x80xi32, #tpu.memory_space<vmem>> -> memref<1x80xi32, #tpu.memory_space<vmem>>
    %dma_wait3A_168 = tpu.memref_squeeze %dma_wait3A_167 : memref<1x80xi32, #tpu.memory_space<vmem>> -> memref<80xi32, #tpu.memory_space<vmem>>
    %dma_wait3A_169 = arith.constant 0 : i32
    %dma_wait3A_170 = tpu.memref_slice %arg12[%dma_wait3A_169] : memref<10000xf32, #tpu.memory_space<vmem_shared>> -> memref<10000xf32, #tpu.memory_space<vmem_shared>>
    %dma_wait3A_171 = tpu.memref_slice %arg17[%dma_wait3A_165] : memref<4x!tpu.dma_semaphore, #tpu.memory_space<semaphore_mem>> -> memref<1x!tpu.dma_semaphore, #tpu.memory_space<semaphore_mem>>
    %dma_wait3A_172 = tpu.memref_squeeze %dma_wait3A_171 : memref<1x!tpu.dma_semaphore, #tpu.memory_space<semaphore_mem>> -> memref<!tpu.dma_semaphore, #tpu.memory_space<semaphore_mem>>
    tpu.wait_indirect_dma semaphore(%dma_wait3A_172 : memref<!tpu.dma_semaphore, #tpu.memory_space<semaphore_mem>>) src(%arg9 : memref<80xf32, #tpu.memory_space<vmem>>) dst(%dma_wait3A_170 : memref<10000xf32, #tpu.memory_space<vmem_shared>>)
    %dma_wait3A_173 = arith.constant 0 : i32
    %dma_wait3A_174 = arith.constant 0 : i32
    %dma_wait3A_175 = arith.constant 0 : i32
    %dma_wait3A_176 = arith.constant 0 : i32
    %dma_wait3A_177 = arith.constant 0 : i32
    %dma_wait3A_178 = tpu.memref_slice %arg8[%dma_wait3A_173, %dma_wait3A_176, %dma_wait3A_177] : memref<4x80x128xf32, #tpu.memory_space<vmem>> -> memref<1x80x128xf32, #tpu.memory_space<vmem>>
    %dma_wait3A_179 = tpu.memref_squeeze %dma_wait3A_178 : memref<1x80x128xf32, #tpu.memory_space<vmem>> -> memref<80x128xf32, #tpu.memory_space<vmem>>
    %dma_wait3A_180 = arith.constant 0 : i32
    %dma_wait3A_181 = tpu.memref_slice %arg7[%dma_wait3A_174, %dma_wait3A_180] : memref<4x80xi32, #tpu.memory_space<vmem>> -> memref<1x80xi32, #tpu.memory_space<vmem>>
    %dma_wait3A_182 = tpu.memref_squeeze %dma_wait3A_181 : memref<1x80xi32, #tpu.memory_space<vmem>> -> memref<80xi32, #tpu.memory_space<vmem>>
    %dma_wait3A_183 = arith.constant 0 : i32
    %dma_wait3A_184 = arith.constant 0 : i32
    %dma_wait3A_185 = tpu.memref_slice %arg11[%dma_wait3A_183, %dma_wait3A_184] : memref<10000x128xf32, #tpu.memory_space<vmem_shared>> -> memref<10000x128xf32, #tpu.memory_space<vmem_shared>>
    %dma_wait3A_186 = tpu.memref_slice %arg16[%dma_wait3A_175] : memref<4x!tpu.dma_semaphore, #tpu.memory_space<semaphore_mem>> -> memref<1x!tpu.dma_semaphore, #tpu.memory_space<semaphore_mem>>
    %dma_wait3A_187 = tpu.memref_squeeze %dma_wait3A_186 : memref<1x!tpu.dma_semaphore, #tpu.memory_space<semaphore_mem>> -> memref<!tpu.dma_semaphore, #tpu.memory_space<semaphore_mem>>
    tpu.wait_indirect_dma semaphore(%dma_wait3A_187 : memref<!tpu.dma_semaphore, #tpu.memory_space<semaphore_mem>>) src(%dma_wait3A_179 : memref<80x128xf32, #tpu.memory_space<vmem>>) dst(%dma_wait3A_185 : memref<10000x128xf32, #tpu.memory_space<vmem_shared>>)
    %dma_wait3A_188 = arith.constant 0 : i32
    %dma_wait3A_189 = arith.constant 0 : i32
    %dma_wait3A_190 = arith.constant 0 : i32
    %dma_wait3A_191 = tpu.memref_slice %arg7[%dma_wait3A_188, %dma_wait3A_190] : memref<4x80xi32, #tpu.memory_space<vmem>> -> memref<1x80xi32, #tpu.memory_space<vmem>>
    %dma_wait3A_192 = tpu.memref_squeeze %dma_wait3A_191 : memref<1x80xi32, #tpu.memory_space<vmem>> -> memref<80xi32, #tpu.memory_space<vmem>>
    %dma_wait3A_193 = arith.constant 0 : i32
    %dma_wait3A_194 = tpu.memref_slice %arg12[%dma_wait3A_193] : memref<10000xf32, #tpu.memory_space<vmem_shared>> -> memref<10000xf32, #tpu.memory_space<vmem_shared>>
    %dma_wait3A_195 = tpu.memref_slice %arg17[%dma_wait3A_189] : memref<4x!tpu.dma_semaphore, #tpu.memory_space<semaphore_mem>> -> memref<1x!tpu.dma_semaphore, #tpu.memory_space<semaphore_mem>>
    %dma_wait3A_196 = tpu.memref_squeeze %dma_wait3A_195 : memref<1x!tpu.dma_semaphore, #tpu.memory_space<semaphore_mem>> -> memref<!tpu.dma_semaphore, #tpu.memory_space<semaphore_mem>>
    tpu.wait_indirect_dma semaphore(%dma_wait3A_196 : memref<!tpu.dma_semaphore, #tpu.memory_space<semaphore_mem>>) src(%arg9 : memref<80xf32, #tpu.memory_space<vmem>>) dst(%dma_wait3A_194 : memref<10000xf32, #tpu.memory_space<vmem_shared>>)
    %barrier3A_197 = arith.constant 0 : index
    tpu.barrier barrier_id(%barrier3A_197)
    %scan3A_198 = arith.constant 0 : i32
    %scan3A_199 = arith.constant 0 : i32
    %scan3A_200 = arith.constant 8 : i32
    %scan3A_201 = arith.addi %scan3A_199, %scan3A_200 : i32
    %scan3A_202 = arith.constant 1 : i32
    %scan3A_203 = scf.for %scan3A_205 = %scan3A_199 to %scan3A_201 step %scan3A_202 iter_args(%scan3A_206 = %scan3A_198) -> (i32)  : i32 {
      %mul3A_207 = arith.constant 16 : i32
      %mul3A_208 = arith.muli %mul3A_207, %scan3A_205 : i32
      %add3A_209 = arith.addi %arg1, %mul3A_208 : i32
      %lt3A = arith.constant 125 : i32
      %lt3A_210 = arith.cmpi slt, %add3A_209, %lt3A : i32
      %convert_element_type3A = arith.extui %lt3A_210 : i1 to i32
      %cond3A = arith.constant 0 : i32
      %cond3A_211 = arith.cmpi ne, %convert_element_type3A, %cond3A : i32
      scf.if %cond3A_211 {
        %mul3A_218 = arith.constant 80 : i32
        %mul3A_219 = arith.muli %add3A_209, %mul3A_218 : i32
        %run_scoped3A = arith.constant 0 : i32
        "tpu.region"() ({
          %run_scoped3A_223 = tpu.sem_alloc : memref<!tpu.dma_semaphore, #tpu.memory_space<semaphore_mem>>
          %dma_start3A_224 = arith.constant 0 : i32
          %dma_start3A_225 = arith.constant 0 : i32
          %dma_start3A_226 = tpu.memref_slice %arg8[%run_scoped3A, %dma_start3A_224, %dma_start3A_225] : memref<4x80x128xf32, #tpu.memory_space<vmem>> -> memref<1x80x128xf32, #tpu.memory_space<vmem>>
          %dma_start3A_227 = tpu.memref_squeeze %dma_start3A_226 : memref<1x80x128xf32, #tpu.memory_space<vmem>> -> memref<80x128xf32, #tpu.memory_space<vmem>>
          %dma_start3A_228 = arith.constant 0 : i32
          %dma_start3A_229 = tpu.memref_slice %arg11[%mul3A_219, %dma_start3A_228] : memref<10000x128xf32, #tpu.memory_space<vmem_shared>> -> memref<80x128xf32, #tpu.memory_space<vmem_shared>>
          %dma_start3A_230 = arith.constant 0 : i32
          %dma_start3A_231 = arith.constant 0 : i32
          %dma_start3A_232 = tpu.memref_slice %arg8[%run_scoped3A, %dma_start3A_230, %dma_start3A_231] : memref<4x80x128xf32, #tpu.memory_space<vmem>> -> memref<1x80x128xf32, #tpu.memory_space<vmem>>
          %dma_start3A_233 = tpu.memref_squeeze %dma_start3A_232 : memref<1x80x128xf32, #tpu.memory_space<vmem>> -> memref<80x128xf32, #tpu.memory_space<vmem>>
          %dma_start3A_234 = arith.constant 0 : i32
          %dma_start3A_235 = tpu.memref_slice %arg11[%mul3A_219, %dma_start3A_234] : memref<10000x128xf32, #tpu.memory_space<vmem_shared>> -> memref<80x128xf32, #tpu.memory_space<vmem_shared>>
          tpu.enqueue_dma source(%dma_start3A_235 : memref<80x128xf32, #tpu.memory_space<vmem_shared>>) target(%dma_start3A_233 : memref<80x128xf32, #tpu.memory_space<vmem>>) target_semaphore(%run_scoped3A_223 : memref<!tpu.dma_semaphore, #tpu.memory_space<semaphore_mem>>)
          %dma_wait3A_236 = arith.constant 0 : i32
          %dma_wait3A_237 = arith.constant 0 : i32
          %dma_wait3A_238 = tpu.memref_slice %arg8[%run_scoped3A, %dma_wait3A_236, %dma_wait3A_237] : memref<4x80x128xf32, #tpu.memory_space<vmem>> -> memref<1x80x128xf32, #tpu.memory_space<vmem>>
          %dma_wait3A_239 = tpu.memref_squeeze %dma_wait3A_238 : memref<1x80x128xf32, #tpu.memory_space<vmem>> -> memref<80x128xf32, #tpu.memory_space<vmem>>
          %dma_wait3A_240 = arith.constant 0 : i32
          %dma_wait3A_241 = tpu.memref_slice %arg11[%mul3A_219, %dma_wait3A_240] : memref<10000x128xf32, #tpu.memory_space<vmem_shared>> -> memref<80x128xf32, #tpu.memory_space<vmem_shared>>
          %dma_wait3A_242 = arith.constant 0 : i32
          %dma_wait3A_243 = arith.constant 0 : i32
          %dma_wait3A_244 = tpu.memref_slice %arg8[%run_scoped3A, %dma_wait3A_242, %dma_wait3A_243] : memref<4x80x128xf32, #tpu.memory_space<vmem>> -> memref<1x80x128xf32, #tpu.memory_space<vmem>>
          %dma_wait3A_245 = tpu.memref_squeeze %dma_wait3A_244 : memref<1x80x128xf32, #tpu.memory_space<vmem>> -> memref<80x128xf32, #tpu.memory_space<vmem>>
          %dma_wait3A_246 = arith.constant 0 : i32
          %dma_wait3A_247 = tpu.memref_slice %arg11[%mul3A_219, %dma_wait3A_246] : memref<10000x128xf32, #tpu.memory_space<vmem_shared>> -> memref<80x128xf32, #tpu.memory_space<vmem_shared>>
          tpu.wait_dma2 semaphore(%run_scoped3A_223 : memref<!tpu.dma_semaphore, #tpu.memory_space<semaphore_mem>>) src(%dma_wait3A_247 : memref<80x128xf32, #tpu.memory_space<vmem_shared>>) dst(%dma_wait3A_245 : memref<80x128xf32, #tpu.memory_space<vmem>>)
          tpu.yield
        }) : () -> ()
        %mul3A_220 = arith.constant 80 : i32
        %mul3A_221 = arith.muli %add3A_209, %mul3A_220 : i32
        %run_scoped3A_222 = arith.constant 0 : i32
        "tpu.region"() ({
          %run_scoped3A_223 = tpu.sem_alloc : memref<!tpu.dma_semaphore, #tpu.memory_space<semaphore_mem>>
          %dma_start3A_224 = arith.constant 0 : i32
          %dma_start3A_225 = arith.constant 0 : i32
          %dma_start3A_226 = tpu.memref_slice %arg8[%run_scoped3A_222, %dma_start3A_224, %dma_start3A_225] : memref<4x80x128xf32, #tpu.memory_space<vmem>> -> memref<1x80x128xf32, #tpu.memory_space<vmem>>
          %dma_start3A_227 = tpu.memref_squeeze %dma_start3A_226 : memref<1x80x128xf32, #tpu.memory_space<vmem>> -> memref<80x128xf32, #tpu.memory_space<vmem>>
          %dma_start3A_228 = arith.constant 0 : i32
          %dma_start3A_229 = tpu.memref_slice %arg4[%arg0, %mul3A_221, %dma_start3A_228] : memref<2x10000x128xf32, #tpu.memory_space<hbm>> -> memref<1x80x128xf32, #tpu.memory_space<hbm>>
          %dma_start3A_230 = tpu.memref_squeeze %dma_start3A_229 : memref<1x80x128xf32, #tpu.memory_space<hbm>> -> memref<80x128xf32, #tpu.memory_space<hbm>>
          %dma_start3A_231 = arith.constant 0 : i32
          %dma_start3A_232 = tpu.memref_slice %arg4[%arg0, %mul3A_221, %dma_start3A_231] : memref<2x10000x128xf32, #tpu.memory_space<hbm>> -> memref<1x80x128xf32, #tpu.memory_space<hbm>>
          %dma_start3A_233 = tpu.memref_squeeze %dma_start3A_232 : memref<1x80x128xf32, #tpu.memory_space<hbm>> -> memref<80x128xf32, #tpu.memory_space<hbm>>
          %dma_start3A_234 = arith.constant 0 : i32
          %dma_start3A_235 = arith.constant 0 : i32
          %dma_start3A_236 = tpu.memref_slice %arg8[%run_scoped3A_222, %dma_start3A_234, %dma_start3A_235] : memref<4x80x128xf32, #tpu.memory_space<vmem>> -> memref<1x80x128xf32, #tpu.memory_space<vmem>>
          %dma_start3A_237 = tpu.memref_squeeze %dma_start3A_236 : memref<1x80x128xf32, #tpu.memory_space<vmem>> -> memref<80x128xf32, #tpu.memory_space<vmem>>
          tpu.enqueue_dma source(%dma_start3A_237 : memref<80x128xf32, #tpu.memory_space<vmem>>) target(%dma_start3A_233 : memref<80x128xf32, #tpu.memory_space<hbm>>) target_semaphore(%run_scoped3A_223 : memref<!tpu.dma_semaphore, #tpu.memory_space<semaphore_mem>>)
          %dma_wait3A_238 = arith.constant 0 : i32
          %dma_wait3A_239 = arith.constant 0 : i32
          %dma_wait3A_240 = tpu.memref_slice %arg8[%run_scoped3A_222, %dma_wait3A_238, %dma_wait3A_239] : memref<4x80x128xf32, #tpu.memory_space<vmem>> -> memref<1x80x128xf32, #tpu.memory_space<vmem>>
          %dma_wait3A_241 = tpu.memref_squeeze %dma_wait3A_240 : memref<1x80x128xf32, #tpu.memory_space<vmem>> -> memref<80x128xf32, #tpu.memory_space<vmem>>
          %dma_wait3A_242 = arith.constant 0 : i32
          %dma_wait3A_243 = tpu.memref_slice %arg4[%arg0, %mul3A_221, %dma_wait3A_242] : memref<2x10000x128xf32, #tpu.memory_space<hbm>> -> memref<1x80x128xf32, #tpu.memory_space<hbm>>
          %dma_wait3A_244 = tpu.memref_squeeze %dma_wait3A_243 : memref<1x80x128xf32, #tpu.memory_space<hbm>> -> memref<80x128xf32, #tpu.memory_space<hbm>>
          %dma_wait3A_245 = arith.constant 0 : i32
          %dma_wait3A_246 = tpu.memref_slice %arg4[%arg0, %mul3A_221, %dma_wait3A_245] : memref<2x10000x128xf32, #tpu.memory_space<hbm>> -> memref<1x80x128xf32, #tpu.memory_space<hbm>>
          %dma_wait3A_247 = tpu.memref_squeeze %dma_wait3A_246 : memref<1x80x128xf32, #tpu.memory_space<hbm>> -> memref<80x128xf32, #tpu.memory_space<hbm>>
          %dma_wait3A_248 = arith.constant 0 : i32
          %dma_wait3A_249 = arith.constant 0 : i32
          %dma_wait3A_250 = tpu.memref_slice %arg8[%run_scoped3A_222, %dma_wait3A_248, %dma_wait3A_249] : memref<4x80x128xf32, #tpu.memory_space<vmem>> -> memref<1x80x128xf32, #tpu.memory_space<vmem>>
          %dma_wait3A_251 = tpu.memref_squeeze %dma_wait3A_250 : memref<1x80x128xf32, #tpu.memory_space<vmem>> -> memref<80x128xf32, #tpu.memory_space<vmem>>
          tpu.wait_dma2 semaphore(%run_scoped3A_223 : memref<!tpu.dma_semaphore, #tpu.memory_space<semaphore_mem>>) src(%dma_wait3A_251 : memref<80x128xf32, #tpu.memory_space<vmem>>) dst(%dma_wait3A_247 : memref<80x128xf32, #tpu.memory_space<hbm>>)
          tpu.yield
        }) : () -> ()
      } else {
      }
      %lt3A_212 = arith.constant 50 : i32
      %lt3A_213 = arith.cmpi slt, %add3A_209, %lt3A_212 : i32
      %convert_element_type3A_214 = arith.extui %lt3A_213 : i1 to i32
      %cond3A_215 = arith.constant 0 : i32
      %cond3A_216 = arith.cmpi ne, %convert_element_type3A_214, %cond3A_215 : i32
      scf.if %cond3A_216 {
        %jit3A = arith.constant 5 : i32
        %div3A = arith.divsi %add3A_209, %jit3A : i32
        %sign3A = arith.constant 0 : i32
        %sign3A_218 = arith.cmpi sgt, %add3A_209, %sign3A : i32
        %sign3A_219 = arith.extui %sign3A_218 : i1 to i32
        %sign3A_220 = arith.constant 0 : i32
        %sign3A_221 = arith.cmpi slt, %add3A_209, %sign3A_220 : i32
        %sign3A_222 = arith.extui %sign3A_221 : i1 to i32
        %sign3A_223 = arith.subi %sign3A_219, %sign3A_222 : i32
        %sign3A_224 = arith.constant 0 : i32
        %sign3A_225 = arith.cmpi sgt, %jit3A, %sign3A_224 : i32
        %sign3A_226 = arith.extui %sign3A_225 : i1 to i32
        %sign3A_227 = arith.constant 0 : i32
        %sign3A_228 = arith.cmpi slt, %jit3A, %sign3A_227 : i32
        %sign3A_229 = arith.extui %sign3A_228 : i1 to i32
        %sign3A_230 = arith.subi %sign3A_226, %sign3A_229 : i32
        %ne3A = arith.cmpi ne, %sign3A_223, %sign3A_230 : i32
        %rem3A = arith.remsi %add3A_209, %jit3A : i32
        %ne3A_231 = arith.constant 0 : i32
        %ne3A_232 = arith.cmpi ne, %rem3A, %ne3A_231 : i32
        %and3A = arith.andi %ne3A, %ne3A_232 : i1
        %sub3A = arith.constant 1 : i32
        %sub3A_233 = arith.subi %div3A, %sub3A : i32
        %select_n3A = arith.select %and3A, %sub3A_233, %div3A : i32
        %mul3A_234 = arith.constant 2048 : i32
        %mul3A_235 = arith.muli %select_n3A, %mul3A_234 : i32
        %mul3A_236 = arith.constant 1024 : i32
        %mul3A_237 = arith.muli %arg0, %mul3A_236 : i32
        %add3A_238 = arith.addi %mul3A_235, %mul3A_237 : i32
        %jit3A_239 = arith.constant 5 : i32
        %eq3A = arith.constant 0 : i32
        %eq3A_240 = arith.cmpi eq, %jit3A_239, %eq3A : i32
        %jit3A_241 = arith.constant 1 : i32
        %select_n3A_242 = arith.select %eq3A_240, %jit3A_241, %jit3A_239 : i32
        %rem3A_243 = arith.remsi %add3A_209, %select_n3A_242 : i32
        %ne3A_244 = arith.constant 0 : i32
        %ne3A_245 = arith.cmpi ne, %rem3A_243, %ne3A_244 : i32
        %lt3A_246 = arith.constant 0 : i32
        %lt3A_247 = arith.cmpi slt, %rem3A_243, %lt3A_246 : i32
        %lt3A_248 = arith.constant 0 : i32
        %lt3A_249 = arith.cmpi slt, %select_n3A_242, %lt3A_248 : i32
        %ne3A_250 = arith.xori %lt3A_247, %lt3A_249 : i1
        %and3A_251 = arith.andi %ne3A_250, %ne3A_245 : i1
        %add3A_252 = arith.addi %rem3A_243, %select_n3A_242 : i32
        %select_n3A_253 = arith.select %and3A_251, %add3A_252, %rem3A_243 : i32
        %mul3A_254 = arith.constant 200 : i32
        %mul3A_255 = arith.muli %select_n3A_253, %mul3A_254 : i32
        %add3A_256 = arith.addi %add3A_238, %mul3A_255 : i32
        %mul3A_257 = arith.constant 200 : i32
        %mul3A_258 = arith.muli %add3A_209, %mul3A_257 : i32
        "tpu.region"() ({
          %run_scoped3A = tpu.sem_alloc : memref<!tpu.dma_semaphore, #tpu.memory_space<semaphore_mem>>
          %dma_start3A_259 = arith.constant 0 : i32
          %dma_start3A_260 = tpu.memref_slice %arg10[%dma_start3A_259] : memref<208xf32, #tpu.memory_space<vmem>> -> memref<200xf32, #tpu.memory_space<vmem>>
          %dma_start3A_261 = tpu.memref_slice %arg12[%mul3A_258] : memref<10000xf32, #tpu.memory_space<vmem_shared>> -> memref<200xf32, #tpu.memory_space<vmem_shared>>
          %dma_start3A_262 = arith.constant 0 : i32
          %dma_start3A_263 = tpu.memref_slice %arg10[%dma_start3A_262] : memref<208xf32, #tpu.memory_space<vmem>> -> memref<200xf32, #tpu.memory_space<vmem>>
          %dma_start3A_264 = tpu.memref_slice %arg12[%mul3A_258] : memref<10000xf32, #tpu.memory_space<vmem_shared>> -> memref<200xf32, #tpu.memory_space<vmem_shared>>
          tpu.enqueue_dma source(%dma_start3A_264 : memref<200xf32, #tpu.memory_space<vmem_shared>>) target(%dma_start3A_263 : memref<200xf32, #tpu.memory_space<vmem>>) target_semaphore(%run_scoped3A : memref<!tpu.dma_semaphore, #tpu.memory_space<semaphore_mem>>)
          %dma_wait3A_265 = arith.constant 0 : i32
          %dma_wait3A_266 = tpu.memref_slice %arg10[%dma_wait3A_265] : memref<208xf32, #tpu.memory_space<vmem>> -> memref<200xf32, #tpu.memory_space<vmem>>
          %dma_wait3A_267 = tpu.memref_slice %arg12[%mul3A_258] : memref<10000xf32, #tpu.memory_space<vmem_shared>> -> memref<200xf32, #tpu.memory_space<vmem_shared>>
          %dma_wait3A_268 = arith.constant 0 : i32
          %dma_wait3A_269 = tpu.memref_slice %arg10[%dma_wait3A_268] : memref<208xf32, #tpu.memory_space<vmem>> -> memref<200xf32, #tpu.memory_space<vmem>>
          %dma_wait3A_270 = tpu.memref_slice %arg12[%mul3A_258] : memref<10000xf32, #tpu.memory_space<vmem_shared>> -> memref<200xf32, #tpu.memory_space<vmem_shared>>
          tpu.wait_dma2 semaphore(%run_scoped3A : memref<!tpu.dma_semaphore, #tpu.memory_space<semaphore_mem>>) src(%dma_wait3A_270 : memref<200xf32, #tpu.memory_space<vmem_shared>>) dst(%dma_wait3A_269 : memref<200xf32, #tpu.memory_space<vmem>>)
          tpu.yield
        }) : () -> ()
        "tpu.region"() ({
          %run_scoped3A = tpu.sem_alloc : memref<!tpu.dma_semaphore, #tpu.memory_space<semaphore_mem>>
          %dma_start3A_259 = arith.constant 0 : i32
          %dma_start3A_260 = tpu.memref_slice %arg10[%dma_start3A_259] : memref<208xf32, #tpu.memory_space<vmem>> -> memref<200xf32, #tpu.memory_space<vmem>>
          %dma_start3A_261 = tpu.memref_slice %arg5[%add3A_256] : memref<20480xf32, #tpu.memory_space<hbm>> -> memref<200xf32, #tpu.memory_space<hbm>>
          %dma_start3A_262 = tpu.memref_slice %arg5[%add3A_256] : memref<20480xf32, #tpu.memory_space<hbm>> -> memref<200xf32, #tpu.memory_space<hbm>>
          %dma_start3A_263 = arith.constant 0 : i32
          %dma_start3A_264 = tpu.memref_slice %arg10[%dma_start3A_263] : memref<208xf32, #tpu.memory_space<vmem>> -> memref<200xf32, #tpu.memory_space<vmem>>
          tpu.enqueue_dma source(%dma_start3A_264 : memref<200xf32, #tpu.memory_space<vmem>>) target(%dma_start3A_262 : memref<200xf32, #tpu.memory_space<hbm>>) target_semaphore(%run_scoped3A : memref<!tpu.dma_semaphore, #tpu.memory_space<semaphore_mem>>)
          %dma_wait3A_265 = arith.constant 0 : i32
          %dma_wait3A_266 = tpu.memref_slice %arg10[%dma_wait3A_265] : memref<208xf32, #tpu.memory_space<vmem>> -> memref<200xf32, #tpu.memory_space<vmem>>
          %dma_wait3A_267 = tpu.memref_slice %arg5[%add3A_256] : memref<20480xf32, #tpu.memory_space<hbm>> -> memref<200xf32, #tpu.memory_space<hbm>>
          %dma_wait3A_268 = tpu.memref_slice %arg5[%add3A_256] : memref<20480xf32, #tpu.memory_space<hbm>> -> memref<200xf32, #tpu.memory_space<hbm>>
          %dma_wait3A_269 = arith.constant 0 : i32
          %dma_wait3A_270 = tpu.memref_slice %arg10[%dma_wait3A_269] : memref<208xf32, #tpu.memory_space<vmem>> -> memref<200xf32, #tpu.memory_space<vmem>>
          tpu.wait_dma2 semaphore(%run_scoped3A : memref<!tpu.dma_semaphore, #tpu.memory_space<semaphore_mem>>) src(%dma_wait3A_270 : memref<200xf32, #tpu.memory_space<vmem>>) dst(%dma_wait3A_268 : memref<200xf32, #tpu.memory_space<hbm>>)
          tpu.yield
        }) : () -> ()
      } else {
      }
      %scan3A_217 = arith.constant 0 : i32
      scf.yield %scan3A_217 : i32
    }
    %scan3A_204 = arith.constant 8 : i32
    return
  }
}

#map = affine_map<(d0, d1) -> (0, 0)>
#map1 = affine_map<(d0, d1) -> (0)>
module attributes {stable_mosaic.version = 14 : i64} {
  func.func @_sc_src_degrees(%arg0: i32, %arg1: i32, %arg2: memref<2x320000xi32, #tpu.memory_space<hbm>>, %arg3: memref<20480xf32, #tpu.memory_space<hbm>>, %arg4: memref<640000xi32, #tpu.memory_space<hbm>>, %arg5: memref<3x2x128xi32, #tpu.memory_space<vmem>>, %arg6: memref<128xf32, #tpu.memory_space<vmem>>, %arg7: memref<208xf32, #tpu.memory_space<vmem>>, %arg8: memref<10000xf32, #tpu.memory_space<vmem_shared>>, %arg9: memref<3x!tpu.dma_semaphore, #tpu.memory_space<semaphore_mem>>, %arg10: memref<3x!tpu.dma_semaphore, #tpu.memory_space<semaphore_mem>>, %arg11: memref<3x!tpu.dma_semaphore, #tpu.memory_space<semaphore_mem>>, %arg12: memref<3x!tpu.dma_semaphore, #tpu.memory_space<semaphore_mem>>) attributes {dimension_semantics = [#tpu.dimension_semantics<core_parallel>, #tpu.dimension_semantics<subcore_parallel>], iteration_bounds = array<i64: 2, 16>, scalar_prefetch = 0 : i64, scratch_operands = 8 : i64, tpu.core_type = #tpu.core_type<sc_vector_subcore>, window_params = [{transform_indices = #map}, {transform_indices = #map1}, {transform_indices = #map1}]} {
    %mul3A = arith.constant 16 : i32
    %mul3A_0 = arith.muli %arg0, %mul3A : i32
    %add3A = arith.addi %mul3A_0, %arg1 : i32
    %lt3A = arith.constant 4 : i32
    %lt3A_1 = arith.cmpi slt, %add3A, %lt3A : i32
    %jit3A = arith.constant 1 : i32
    %jit3A_2 = arith.constant 0 : i32
    %select_n3A = arith.select %lt3A_1, %jit3A, %jit3A_2 : i32
    %add3A_3 = arith.constant 78 : i32
    %add3A_4 = arith.addi %add3A_3, %select_n3A : i32
    %scan3A = arith.constant 0 : i32
    %scan3A_5 = arith.constant 0 : i32
    %scan3A_6 = arith.constant 8 : i32
    %scan3A_7 = arith.addi %scan3A_5, %scan3A_6 : i32
    %scan3A_8 = arith.constant 1 : i32
    %scan3A_9 = scf.for %scan3A_79 = %scan3A_5 to %scan3A_7 step %scan3A_8 iter_args(%scan3A_80 = %scan3A) -> (i32)  : i32 {
      %broadcast_in_dim3A = arith.constant 1.000000e+00 : f32
      %broadcast_in_dim3A_81 = vector.broadcast %broadcast_in_dim3A : f32 to vector<16xf32>
      %mul3A_82 = arith.constant 16 : i32
      %mul3A_83 = arith.muli %scan3A_79, %mul3A_82 : i32
      %swap3A = arith.index_cast %mul3A_83 : i32 to index
      %swap3A_84 = tpu.vector_load %arg6[%swap3A] {strides = array<i32>} : memref<128xf32, #tpu.memory_space<vmem>>, vector<16xf32>,
      %swap3A_85 = vector.shape_cast %swap3A_84 : vector<16xf32> to vector<16xf32>
      %swap3A_86 = vector.shape_cast %broadcast_in_dim3A_81 : vector<16xf32> to vector<16xf32>
      tpu.vector_store %arg6[%swap3A], %swap3A_86 {strides = array<i32>} : memref<128xf32, #tpu.memory_space<vmem>>, vector<16xf32>,
      %scan3A_87 = arith.constant 0 : i32
      scf.yield %scan3A_87 : i32
    }
    %scan3A_10 = arith.constant 8 : i32
    %scan3A_11 = arith.constant 0 : i32
    %scan3A_12 = arith.constant 0 : i32
    %scan3A_13 = arith.constant 13 : i32
    %scan3A_14 = arith.addi %scan3A_12, %scan3A_13 : i32
    %scan3A_15 = arith.constant 1 : i32
    %scan3A_16 = scf.for %scan3A_79 = %scan3A_12 to %scan3A_14 step %scan3A_15 iter_args(%scan3A_80 = %scan3A_11) -> (i32)  : i32 {
      %broadcast_in_dim3A = arith.constant 0.000000e+00 : f32
      %broadcast_in_dim3A_81 = vector.broadcast %broadcast_in_dim3A : f32 to vector<16xf32>
      %mul3A_82 = arith.constant 16 : i32
      %mul3A_83 = arith.muli %scan3A_79, %mul3A_82 : i32
      %swap3A = arith.index_cast %mul3A_83 : i32 to index
      %swap3A_84 = tpu.vector_load %arg7[%swap3A] {strides = array<i32>} : memref<208xf32, #tpu.memory_space<vmem>>, vector<16xf32>,
      %swap3A_85 = vector.shape_cast %swap3A_84 : vector<16xf32> to vector<16xf32>
      %swap3A_86 = vector.shape_cast %broadcast_in_dim3A_81 : vector<16xf32> to vector<16xf32>
      tpu.vector_store %arg7[%swap3A], %swap3A_86 {strides = array<i32>} : memref<208xf32, #tpu.memory_space<vmem>>, vector<16xf32>,
      %scan3A_87 = arith.constant 0 : i32
      scf.yield %scan3A_87 : i32
    }
    %scan3A_17 = arith.constant 13 : i32
    %scan3A_18 = arith.constant 0 : i32
    %scan3A_19 = arith.constant 0 : i32
    %scan3A_20 = arith.constant 4 : i32
    %scan3A_21 = arith.addi %scan3A_19, %scan3A_20 : i32
    %scan3A_22 = arith.constant 1 : i32
    %scan3A_23 = scf.for %scan3A_79 = %scan3A_19 to %scan3A_21 step %scan3A_22 iter_args(%scan3A_80 = %scan3A_18) -> (i32)  : i32 {
      %mul3A_81 = arith.constant 16 : i32
      %mul3A_82 = arith.muli %mul3A_81, %scan3A_79 : i32
      %add3A_83 = arith.addi %arg1, %mul3A_82 : i32
      %lt3A_84 = arith.constant 50 : i32
      %lt3A_85 = arith.cmpi slt, %add3A_83, %lt3A_84 : i32
      %convert_element_type3A = arith.extui %lt3A_85 : i1 to i32
      %cond3A = arith.constant 0 : i32
      %cond3A_86 = arith.cmpi ne, %convert_element_type3A, %cond3A : i32
      scf.if %cond3A_86 {
        %mul3A_88 = arith.constant 200 : i32
        %mul3A_89 = arith.muli %add3A_83, %mul3A_88 : i32
        "tpu.region"() ({
          %run_scoped3A = tpu.sem_alloc : memref<!tpu.dma_semaphore, #tpu.memory_space<semaphore_mem>>
          %dma_start3A_90 = arith.constant 0 : i32
          %dma_start3A_91 = tpu.memref_slice %arg7[%dma_start3A_90] : memref<208xf32, #tpu.memory_space<vmem>> -> memref<200xf32, #tpu.memory_space<vmem>>
          %dma_start3A_92 = tpu.memref_slice %arg8[%mul3A_89] : memref<10000xf32, #tpu.memory_space<vmem_shared>> -> memref<200xf32, #tpu.memory_space<vmem_shared>>
          %dma_start3A_93 = tpu.memref_slice %arg8[%mul3A_89] : memref<10000xf32, #tpu.memory_space<vmem_shared>> -> memref<200xf32, #tpu.memory_space<vmem_shared>>
          %dma_start3A_94 = arith.constant 0 : i32
          %dma_start3A_95 = tpu.memref_slice %arg7[%dma_start3A_94] : memref<208xf32, #tpu.memory_space<vmem>> -> memref<200xf32, #tpu.memory_space<vmem>>
          tpu.enqueue_dma source(%dma_start3A_95 : memref<200xf32, #tpu.memory_space<vmem>>) target(%dma_start3A_93 : memref<200xf32, #tpu.memory_space<vmem_shared>>) target_semaphore(%run_scoped3A : memref<!tpu.dma_semaphore, #tpu.memory_space<semaphore_mem>>)
          %dma_wait3A = arith.constant 0 : i32
          %dma_wait3A_96 = tpu.memref_slice %arg7[%dma_wait3A] : memref<208xf32, #tpu.memory_space<vmem>> -> memref<200xf32, #tpu.memory_space<vmem>>
          %dma_wait3A_97 = tpu.memref_slice %arg8[%mul3A_89] : memref<10000xf32, #tpu.memory_space<vmem_shared>> -> memref<200xf32, #tpu.memory_space<vmem_shared>>
          %dma_wait3A_98 = tpu.memref_slice %arg8[%mul3A_89] : memref<10000xf32, #tpu.memory_space<vmem_shared>> -> memref<200xf32, #tpu.memory_space<vmem_shared>>
          %dma_wait3A_99 = arith.constant 0 : i32
          %dma_wait3A_100 = tpu.memref_slice %arg7[%dma_wait3A_99] : memref<208xf32, #tpu.memory_space<vmem>> -> memref<200xf32, #tpu.memory_space<vmem>>
          tpu.wait_dma2 semaphore(%run_scoped3A : memref<!tpu.dma_semaphore, #tpu.memory_space<semaphore_mem>>) src(%dma_wait3A_100 : memref<200xf32, #tpu.memory_space<vmem>>) dst(%dma_wait3A_98 : memref<200xf32, #tpu.memory_space<vmem_shared>>)
          tpu.yield
        }) : () -> ()
      } else {
      }
      %scan3A_87 = arith.constant 0 : i32
      scf.yield %scan3A_87 : i32
    }
    %scan3A_24 = arith.constant 4 : i32
    %barrier3A = arith.constant 0 : index
    tpu.barrier barrier_id(%barrier3A)
    %add3A_25 = arith.constant 0 : i32
    %add3A_26 = arith.addi %add3A, %add3A_25 : i32
    %mul3A_27 = arith.constant 128 : i32
    %mul3A_28 = arith.muli %add3A_26, %mul3A_27 : i32
    %dma_start3A = arith.constant 0 : i32
    %dma_start3A_29 = arith.constant 0 : i32
    %dma_start3A_30 = arith.constant 0 : i32
    %dma_start3A_31 = arith.constant 0 : i32
    %dma_start3A_32 = tpu.memref_slice %arg5[%dma_start3A, %dma_start3A_30, %dma_start3A_31] : memref<3x2x128xi32, #tpu.memory_space<vmem>> -> memref<1x2x128xi32, #tpu.memory_space<vmem>>
    %dma_start3A_33 = tpu.memref_squeeze %dma_start3A_32 : memref<1x2x128xi32, #tpu.memory_space<vmem>> -> memref<2x128xi32, #tpu.memory_space<vmem>>
    %dma_start3A_34 = arith.constant 0 : i32
    %dma_start3A_35 = tpu.memref_slice %arg2[%dma_start3A_34, %mul3A_28] : memref<2x320000xi32, #tpu.memory_space<hbm>> -> memref<2x128xi32, #tpu.memory_space<hbm>>
    %dma_start3A_36 = tpu.memref_slice %arg9[%dma_start3A_29] : memref<3x!tpu.dma_semaphore, #tpu.memory_space<semaphore_mem>> -> memref<1x!tpu.dma_semaphore, #tpu.memory_space<semaphore_mem>>
    %dma_start3A_37 = tpu.memref_squeeze %dma_start3A_36 : memref<1x!tpu.dma_semaphore, #tpu.memory_space<semaphore_mem>> -> memref<!tpu.dma_semaphore, #tpu.memory_space<semaphore_mem>>
    %dma_start3A_38 = arith.constant 0 : i32
    %dma_start3A_39 = arith.constant 0 : i32
    %dma_start3A_40 = tpu.memref_slice %arg5[%dma_start3A, %dma_start3A_38, %dma_start3A_39] : memref<3x2x128xi32, #tpu.memory_space<vmem>> -> memref<1x2x128xi32, #tpu.memory_space<vmem>>
    %dma_start3A_41 = tpu.memref_squeeze %dma_start3A_40 : memref<1x2x128xi32, #tpu.memory_space<vmem>> -> memref<2x128xi32, #tpu.memory_space<vmem>>
    %dma_start3A_42 = arith.constant 0 : i32
    %dma_start3A_43 = tpu.memref_slice %arg2[%dma_start3A_42, %mul3A_28] : memref<2x320000xi32, #tpu.memory_space<hbm>> -> memref<2x128xi32, #tpu.memory_space<hbm>>
    tpu.enqueue_dma source(%dma_start3A_43 : memref<2x128xi32, #tpu.memory_space<hbm>>) target(%dma_start3A_41 : memref<2x128xi32, #tpu.memory_space<vmem>>) target_semaphore(%dma_start3A_37 : memref<!tpu.dma_semaphore, #tpu.memory_space<semaphore_mem>>)
    %add3A_44 = arith.constant 32 : i32
    %add3A_45 = arith.addi %add3A, %add3A_44 : i32
    %mul3A_46 = arith.constant 128 : i32
    %mul3A_47 = arith.muli %add3A_45, %mul3A_46 : i32
    %dma_start3A_48 = arith.constant 1 : i32
    %dma_start3A_49 = arith.constant 1 : i32
    %dma_start3A_50 = arith.constant 0 : i32
    %dma_start3A_51 = arith.constant 0 : i32
    %dma_start3A_52 = tpu.memref_slice %arg5[%dma_start3A_48, %dma_start3A_50, %dma_start3A_51] : memref<3x2x128xi32, #tpu.memory_space<vmem>> -> memref<1x2x128xi32, #tpu.memory_space<vmem>>
    %dma_start3A_53 = tpu.memref_squeeze %dma_start3A_52 : memref<1x2x128xi32, #tpu.memory_space<vmem>> -> memref<2x128xi32, #tpu.memory_space<vmem>>
    %dma_start3A_54 = arith.constant 0 : i32
    %dma_start3A_55 = tpu.memref_slice %arg2[%dma_start3A_54, %mul3A_47] : memref<2x320000xi32, #tpu.memory_space<hbm>> -> memref<2x128xi32, #tpu.memory_space<hbm>>
    %dma_start3A_56 = tpu.memref_slice %arg9[%dma_start3A_49] : memref<3x!tpu.dma_semaphore, #tpu.memory_space<semaphore_mem>> -> memref<1x!tpu.dma_semaphore, #tpu.memory_space<semaphore_mem>>
    %dma_start3A_57 = tpu.memref_squeeze %dma_start3A_56 : memref<1x!tpu.dma_semaphore, #tpu.memory_space<semaphore_mem>> -> memref<!tpu.dma_semaphore, #tpu.memory_space<semaphore_mem>>
    %dma_start3A_58 = arith.constant 0 : i32
    %dma_start3A_59 = arith.constant 0 : i32
    %dma_start3A_60 = tpu.memref_slice %arg5[%dma_start3A_48, %dma_start3A_58, %dma_start3A_59] : memref<3x2x128xi32, #tpu.memory_space<vmem>> -> memref<1x2x128xi32, #tpu.memory_space<vmem>>
    %dma_start3A_61 = tpu.memref_squeeze %dma_start3A_60 : memref<1x2x128xi32, #tpu.memory_space<vmem>> -> memref<2x128xi32, #tpu.memory_space<vmem>>
    %dma_start3A_62 = arith.constant 0 : i32
    %dma_start3A_63 = tpu.memref_slice %arg2[%dma_start3A_62, %mul3A_47] : memref<2x320000xi32, #tpu.memory_space<hbm>> -> memref<2x128xi32, #tpu.memory_space<hbm>>
    tpu.enqueue_dma source(%dma_start3A_63 : memref<2x128xi32, #tpu.memory_space<hbm>>) target(%dma_start3A_61 : memref<2x128xi32, #tpu.memory_space<vmem>>) target_semaphore(%dma_start3A_57 : memref<!tpu.dma_semaphore, #tpu.memory_space<semaphore_mem>>)
    %scan3A_64 = arith.constant 0 : i32
    %scan3A_65 = arith.constant 0 : i32
    %scan3A_66 = arith.constant 27 : i32
    %scan3A_67 = arith.addi %scan3A_65, %scan3A_66 : i32
    %scan3A_68 = arith.constant 1 : i32
    %scan3A_69 = scf.for %scan3A_79 = %scan3A_65 to %scan3A_67 step %scan3A_68 iter_args(%scan3A_80 = %scan3A_64) -> (i32)  : i32 {
      %mul3A_81 = arith.constant 3 : i32
      %mul3A_82 = arith.muli %mul3A_81, %scan3A_79 : i32
      %add3A_83 = arith.constant 0 : i32
      %add3A_84 = arith.addi %mul3A_82, %add3A_83 : i32
      %lt3A_85 = arith.cmpi slt, %add3A_84, %add3A_4 : i32
      %convert_element_type3A = arith.extui %lt3A_85 : i1 to i32
      %cond3A = arith.constant 0 : i32
      %cond3A_86 = arith.cmpi ne, %convert_element_type3A, %cond3A : i32
      scf.if %cond3A_86 {
        %mul3A_146 = arith.constant 32 : i32
        %mul3A_147 = arith.muli %mul3A_146, %add3A_84 : i32
        %add3A_148 = arith.addi %add3A, %mul3A_147 : i32
        %mul3A_149 = arith.constant 128 : i32
        %mul3A_150 = arith.muli %add3A_148, %mul3A_149 : i32
        %dma_wait3A = arith.constant 0 : i32
        %dma_wait3A_151 = arith.constant 0 : i32
        %dma_wait3A_152 = arith.constant 0 : i32
        %dma_wait3A_153 = arith.constant 0 : i32
        %dma_wait3A_154 = tpu.memref_slice %arg5[%dma_wait3A, %dma_wait3A_152, %dma_wait3A_153] : memref<3x2x128xi32, #tpu.memory_space<vmem>> -> memref<1x2x128xi32, #tpu.memory_space<vmem>>
        %dma_wait3A_155 = tpu.memref_squeeze %dma_wait3A_154 : memref<1x2x128xi32, #tpu.memory_space<vmem>> -> memref<2x128xi32, #tpu.memory_space<vmem>>
        %dma_wait3A_156 = arith.constant 0 : i32
        %dma_wait3A_157 = tpu.memref_slice %arg2[%dma_wait3A_156, %mul3A_150] : memref<2x320000xi32, #tpu.memory_space<hbm>> -> memref<2x128xi32, #tpu.memory_space<hbm>>
        %dma_wait3A_158 = tpu.memref_slice %arg9[%dma_wait3A_151] : memref<3x!tpu.dma_semaphore, #tpu.memory_space<semaphore_mem>> -> memref<1x!tpu.dma_semaphore, #tpu.memory_space<semaphore_mem>>
        %dma_wait3A_159 = tpu.memref_squeeze %dma_wait3A_158 : memref<1x!tpu.dma_semaphore, #tpu.memory_space<semaphore_mem>> -> memref<!tpu.dma_semaphore, #tpu.memory_space<semaphore_mem>>
        %dma_wait3A_160 = arith.constant 0 : i32
        %dma_wait3A_161 = arith.constant 0 : i32
        %dma_wait3A_162 = tpu.memref_slice %arg5[%dma_wait3A, %dma_wait3A_160, %dma_wait3A_161] : memref<3x2x128xi32, #tpu.memory_space<vmem>> -> memref<1x2x128xi32, #tpu.memory_space<vmem>>
        %dma_wait3A_163 = tpu.memref_squeeze %dma_wait3A_162 : memref<1x2x128xi32, #tpu.memory_space<vmem>> -> memref<2x128xi32, #tpu.memory_space<vmem>>
        %dma_wait3A_164 = arith.constant 0 : i32
        %dma_wait3A_165 = tpu.memref_slice %arg2[%dma_wait3A_164, %mul3A_150] : memref<2x320000xi32, #tpu.memory_space<hbm>> -> memref<2x128xi32, #tpu.memory_space<hbm>>
        tpu.wait_dma2 semaphore(%dma_wait3A_159 : memref<!tpu.dma_semaphore, #tpu.memory_space<semaphore_mem>>) src(%dma_wait3A_165 : memref<2x128xi32, #tpu.memory_space<hbm>>) dst(%dma_wait3A_163 : memref<2x128xi32, #tpu.memory_space<vmem>>)
        %dma_start3A_166 = arith.constant 0 : i32
        %dma_start3A_167 = arith.constant 0 : i32
        %dma_start3A_168 = arith.constant 0 : i32
        %dma_start3A_169 = arith.constant 0 : i32
        %dma_start3A_170 = tpu.memref_slice %arg5[%dma_start3A_166, %dma_start3A_167, %dma_start3A_169] : memref<3x2x128xi32, #tpu.memory_space<vmem>> -> memref<1x1x128xi32, #tpu.memory_space<vmem>>
        %dma_start3A_171 = tpu.memref_squeeze %dma_start3A_170 : memref<1x1x128xi32, #tpu.memory_space<vmem>> -> memref<128xi32, #tpu.memory_space<vmem>>
        %dma_start3A_172 = arith.constant 0 : i32
        %dma_start3A_173 = tpu.memref_slice %arg8[%dma_start3A_172] : memref<10000xf32, #tpu.memory_space<vmem_shared>> -> memref<10000xf32, #tpu.memory_space<vmem_shared>>
        %dma_start3A_174 = tpu.memref_slice %arg10[%dma_start3A_168] : memref<3x!tpu.dma_semaphore, #tpu.memory_space<semaphore_mem>> -> memref<1x!tpu.dma_semaphore, #tpu.memory_space<semaphore_mem>>
        %dma_start3A_175 = tpu.memref_squeeze %dma_start3A_174 : memref<1x!tpu.dma_semaphore, #tpu.memory_space<semaphore_mem>> -> memref<!tpu.dma_semaphore, #tpu.memory_space<semaphore_mem>>
        tpu.enqueue_indirect_dma source(%arg6 : memref<128xf32, #tpu.memory_space<vmem>>) target(%dma_start3A_173 : memref<10000xf32, #tpu.memory_space<vmem_shared>>) offsets(%dma_start3A_171 : memref<128xi32, #tpu.memory_space<vmem>>) semaphore(%dma_start3A_175 : memref<!tpu.dma_semaphore, #tpu.memory_space<semaphore_mem>>) {add = true}
        %mul3A_176 = arith.constant 32 : i32
        %mul3A_177 = arith.muli %mul3A_176, %add3A_84 : i32
        %add3A_178 = arith.addi %add3A, %mul3A_177 : i32
        %mul3A_179 = arith.constant 128 : i32
        %mul3A_180 = arith.muli %add3A_178, %mul3A_179 : i32
        %dma_start3A_181 = arith.constant 0 : i32
        %dma_start3A_182 = arith.constant 0 : i32
        %dma_start3A_183 = arith.constant 0 : i32
        %dma_start3A_184 = arith.constant 0 : i32
        %dma_start3A_185 = tpu.memref_slice %arg5[%dma_start3A_181, %dma_start3A_182, %dma_start3A_184] : memref<3x2x128xi32, #tpu.memory_space<vmem>> -> memref<1x1x128xi32, #tpu.memory_space<vmem>>
        %dma_start3A_186 = tpu.memref_squeeze %dma_start3A_185 : memref<1x1x128xi32, #tpu.memory_space<vmem>> -> memref<128xi32, #tpu.memory_space<vmem>>
        %dma_start3A_187 = tpu.memref_slice %arg4[%mul3A_180] : memref<640000xi32, #tpu.memory_space<hbm>> -> memref<128xi32, #tpu.memory_space<hbm>>
        %dma_start3A_188 = tpu.memref_slice %arg11[%dma_start3A_183] : memref<3x!tpu.dma_semaphore, #tpu.memory_space<semaphore_mem>> -> memref<1x!tpu.dma_semaphore, #tpu.memory_space<semaphore_mem>>
        %dma_start3A_189 = tpu.memref_squeeze %dma_start3A_188 : memref<1x!tpu.dma_semaphore, #tpu.memory_space<semaphore_mem>> -> memref<!tpu.dma_semaphore, #tpu.memory_space<semaphore_mem>>
        %dma_start3A_190 = tpu.memref_slice %arg4[%mul3A_180] : memref<640000xi32, #tpu.memory_space<hbm>> -> memref<128xi32, #tpu.memory_space<hbm>>
        %dma_start3A_191 = arith.constant 0 : i32
        %dma_start3A_192 = tpu.memref_slice %arg5[%dma_start3A_181, %dma_start3A_182, %dma_start3A_191] : memref<3x2x128xi32, #tpu.memory_space<vmem>> -> memref<1x1x128xi32, #tpu.memory_space<vmem>>
        %dma_start3A_193 = tpu.memref_squeeze %dma_start3A_192 : memref<1x1x128xi32, #tpu.memory_space<vmem>> -> memref<128xi32, #tpu.memory_space<vmem>>
        tpu.enqueue_dma source(%dma_start3A_193 : memref<128xi32, #tpu.memory_space<vmem>>) target(%dma_start3A_190 : memref<128xi32, #tpu.memory_space<hbm>>) target_semaphore(%dma_start3A_189 : memref<!tpu.dma_semaphore, #tpu.memory_space<semaphore_mem>>)
        %mul3A_194 = arith.constant 32 : i32
        %mul3A_195 = arith.muli %mul3A_194, %add3A_84 : i32
        %add3A_196 = arith.addi %add3A, %mul3A_195 : i32
        %mul3A_197 = arith.constant 128 : i32
        %mul3A_198 = arith.muli %add3A_196, %mul3A_197 : i32
        %add3A_199 = arith.constant 320000 : i32
        %add3A_200 = arith.addi %add3A_199, %mul3A_198 : i32
        %dma_start3A_201 = arith.constant 0 : i32
        %dma_start3A_202 = arith.constant 1 : i32
        %dma_start3A_203 = arith.constant 0 : i32
        %dma_start3A_204 = arith.constant 0 : i32
        %dma_start3A_205 = tpu.memref_slice %arg5[%dma_start3A_201, %dma_start3A_202, %dma_start3A_204] : memref<3x2x128xi32, #tpu.memory_space<vmem>> -> memref<1x1x128xi32, #tpu.memory_space<vmem>>
        %dma_start3A_206 = tpu.memref_squeeze %dma_start3A_205 : memref<1x1x128xi32, #tpu.memory_space<vmem>> -> memref<128xi32, #tpu.memory_space<vmem>>
        %dma_start3A_207 = tpu.memref_slice %arg4[%add3A_200] : memref<640000xi32, #tpu.memory_space<hbm>> -> memref<128xi32, #tpu.memory_space<hbm>>
        %dma_start3A_208 = tpu.memref_slice %arg12[%dma_start3A_203] : memref<3x!tpu.dma_semaphore, #tpu.memory_space<semaphore_mem>> -> memref<1x!tpu.dma_semaphore, #tpu.memory_space<semaphore_mem>>
        %dma_start3A_209 = tpu.memref_squeeze %dma_start3A_208 : memref<1x!tpu.dma_semaphore, #tpu.memory_space<semaphore_mem>> -> memref<!tpu.dma_semaphore, #tpu.memory_space<semaphore_mem>>
        %dma_start3A_210 = tpu.memref_slice %arg4[%add3A_200] : memref<640000xi32, #tpu.memory_space<hbm>> -> memref<128xi32, #tpu.memory_space<hbm>>
        %dma_start3A_211 = arith.constant 0 : i32
        %dma_start3A_212 = tpu.memref_slice %arg5[%dma_start3A_201, %dma_start3A_202, %dma_start3A_211] : memref<3x2x128xi32, #tpu.memory_space<vmem>> -> memref<1x1x128xi32, #tpu.memory_space<vmem>>
        %dma_start3A_213 = tpu.memref_squeeze %dma_start3A_212 : memref<1x1x128xi32, #tpu.memory_space<vmem>> -> memref<128xi32, #tpu.memory_space<vmem>>
        tpu.enqueue_dma source(%dma_start3A_213 : memref<128xi32, #tpu.memory_space<vmem>>) target(%dma_start3A_210 : memref<128xi32, #tpu.memory_space<hbm>>) target_semaphore(%dma_start3A_209 : memref<!tpu.dma_semaphore, #tpu.memory_space<semaphore_mem>>)
      } else {
      }
      %ge3A = arith.constant 1 : i32
      %ge3A_87 = arith.cmpi sge, %add3A_84, %ge3A : i32
      %sub3A = arith.constant 1 : i32
      %sub3A_88 = arith.subi %add3A_84, %sub3A : i32
      %lt3A_89 = arith.cmpi slt, %sub3A_88, %add3A_4 : i32
      %and3A = arith.andi %ge3A_87, %lt3A_89 : i1
      %convert_element_type3A_90 = arith.extui %and3A : i1 to i32
      %cond3A_91 = arith.constant 0 : i32
      %cond3A_92 = arith.cmpi ne, %convert_element_type3A_90, %cond3A_91 : i32
      scf.if %cond3A_92 {
        %sub3A_146 = arith.constant 1 : i32
        %sub3A_147 = arith.subi %add3A_84, %sub3A_146 : i32
        %dma_wait3A = arith.constant 2 : i32
        %dma_wait3A_148 = arith.constant 0 : i32
        %dma_wait3A_149 = arith.constant 2 : i32
        %dma_wait3A_150 = arith.constant 0 : i32
        %dma_wait3A_151 = tpu.memref_slice %arg5[%dma_wait3A, %dma_wait3A_148, %dma_wait3A_150] : memref<3x2x128xi32, #tpu.memory_space<vmem>> -> memref<1x1x128xi32, #tpu.memory_space<vmem>>
        %dma_wait3A_152 = tpu.memref_squeeze %dma_wait3A_151 : memref<1x1x128xi32, #tpu.memory_space<vmem>> -> memref<128xi32, #tpu.memory_space<vmem>>
        %dma_wait3A_153 = arith.constant 0 : i32
        %dma_wait3A_154 = tpu.memref_slice %arg8[%dma_wait3A_153] : memref<10000xf32, #tpu.memory_space<vmem_shared>> -> memref<10000xf32, #tpu.memory_space<vmem_shared>>
        %dma_wait3A_155 = tpu.memref_slice %arg10[%dma_wait3A_149] : memref<3x!tpu.dma_semaphore, #tpu.memory_space<semaphore_mem>> -> memref<1x!tpu.dma_semaphore, #tpu.memory_space<semaphore_mem>>
        %dma_wait3A_156 = tpu.memref_squeeze %dma_wait3A_155 : memref<1x!tpu.dma_semaphore, #tpu.memory_space<semaphore_mem>> -> memref<!tpu.dma_semaphore, #tpu.memory_space<semaphore_mem>>
        tpu.wait_indirect_dma semaphore(%dma_wait3A_156 : memref<!tpu.dma_semaphore, #tpu.memory_space<semaphore_mem>>) src(%arg6 : memref<128xf32, #tpu.memory_space<vmem>>) dst(%dma_wait3A_154 : memref<10000xf32, #tpu.memory_space<vmem_shared>>)
        %mul3A_157 = arith.constant 32 : i32
        %mul3A_158 = arith.muli %mul3A_157, %sub3A_147 : i32
        %add3A_159 = arith.addi %add3A, %mul3A_158 : i32
        %mul3A_160 = arith.constant 128 : i32
        %mul3A_161 = arith.muli %add3A_159, %mul3A_160 : i32
        %dma_wait3A_162 = arith.constant 2 : i32
        %dma_wait3A_163 = arith.constant 0 : i32
        %dma_wait3A_164 = arith.constant 2 : i32
        %dma_wait3A_165 = arith.constant 0 : i32
        %dma_wait3A_166 = tpu.memref_slice %arg5[%dma_wait3A_162, %dma_wait3A_163, %dma_wait3A_165] : memref<3x2x128xi32, #tpu.memory_space<vmem>> -> memref<1x1x128xi32, #tpu.memory_space<vmem>>
        %dma_wait3A_167 = tpu.memref_squeeze %dma_wait3A_166 : memref<1x1x128xi32, #tpu.memory_space<vmem>> -> memref<128xi32, #tpu.memory_space<vmem>>
        %dma_wait3A_168 = tpu.memref_slice %arg4[%mul3A_161] : memref<640000xi32, #tpu.memory_space<hbm>> -> memref<128xi32, #tpu.memory_space<hbm>>
        %dma_wait3A_169 = tpu.memref_slice %arg11[%dma_wait3A_164] : memref<3x!tpu.dma_semaphore, #tpu.memory_space<semaphore_mem>> -> memref<1x!tpu.dma_semaphore, #tpu.memory_space<semaphore_mem>>
        %dma_wait3A_170 = tpu.memref_squeeze %dma_wait3A_169 : memref<1x!tpu.dma_semaphore, #tpu.memory_space<semaphore_mem>> -> memref<!tpu.dma_semaphore, #tpu.memory_space<semaphore_mem>>
        %dma_wait3A_171 = tpu.memref_slice %arg4[%mul3A_161] : memref<640000xi32, #tpu.memory_space<hbm>> -> memref<128xi32, #tpu.memory_space<hbm>>
        %dma_wait3A_172 = arith.constant 0 : i32
        %dma_wait3A_173 = tpu.memref_slice %arg5[%dma_wait3A_162, %dma_wait3A_163, %dma_wait3A_172] : memref<3x2x128xi32, #tpu.memory_space<vmem>> -> memref<1x1x128xi32, #tpu.memory_space<vmem>>
        %dma_wait3A_174 = tpu.memref_squeeze %dma_wait3A_173 : memref<1x1x128xi32, #tpu.memory_space<vmem>> -> memref<128xi32, #tpu.memory_space<vmem>>
        tpu.wait_dma2 semaphore(%dma_wait3A_170 : memref<!tpu.dma_semaphore, #tpu.memory_space<semaphore_mem>>) src(%dma_wait3A_174 : memref<128xi32, #tpu.memory_space<vmem>>) dst(%dma_wait3A_171 : memref<128xi32, #tpu.memory_space<hbm>>)
        %mul3A_175 = arith.constant 32 : i32
        %mul3A_176 = arith.muli %mul3A_175, %sub3A_147 : i32
        %add3A_177 = arith.addi %add3A, %mul3A_176 : i32
        %mul3A_178 = arith.constant 128 : i32
        %mul3A_179 = arith.muli %add3A_177, %mul3A_178 : i32
        %add3A_180 = arith.constant 320000 : i32
        %add3A_181 = arith.addi %add3A_180, %mul3A_179 : i32
        %dma_wait3A_182 = arith.constant 2 : i32
        %dma_wait3A_183 = arith.constant 1 : i32
        %dma_wait3A_184 = arith.constant 2 : i32
        %dma_wait3A_185 = arith.constant 0 : i32
        %dma_wait3A_186 = tpu.memref_slice %arg5[%dma_wait3A_182, %dma_wait3A_183, %dma_wait3A_185] : memref<3x2x128xi32, #tpu.memory_space<vmem>> -> memref<1x1x128xi32, #tpu.memory_space<vmem>>
        %dma_wait3A_187 = tpu.memref_squeeze %dma_wait3A_186 : memref<1x1x128xi32, #tpu.memory_space<vmem>> -> memref<128xi32, #tpu.memory_space<vmem>>
        %dma_wait3A_188 = tpu.memref_slice %arg4[%add3A_181] : memref<640000xi32, #tpu.memory_space<hbm>> -> memref<128xi32, #tpu.memory_space<hbm>>
        %dma_wait3A_189 = tpu.memref_slice %arg12[%dma_wait3A_184] : memref<3x!tpu.dma_semaphore, #tpu.memory_space<semaphore_mem>> -> memref<1x!tpu.dma_semaphore, #tpu.memory_space<semaphore_mem>>
        %dma_wait3A_190 = tpu.memref_squeeze %dma_wait3A_189 : memref<1x!tpu.dma_semaphore, #tpu.memory_space<semaphore_mem>> -> memref<!tpu.dma_semaphore, #tpu.memory_space<semaphore_mem>>
        %dma_wait3A_191 = tpu.memref_slice %arg4[%add3A_181] : memref<640000xi32, #tpu.memory_space<hbm>> -> memref<128xi32, #tpu.memory_space<hbm>>
        %dma_wait3A_192 = arith.constant 0 : i32
        %dma_wait3A_193 = tpu.memref_slice %arg5[%dma_wait3A_182, %dma_wait3A_183, %dma_wait3A_192] : memref<3x2x128xi32, #tpu.memory_space<vmem>> -> memref<1x1x128xi32, #tpu.memory_space<vmem>>
        %dma_wait3A_194 = tpu.memref_squeeze %dma_wait3A_193 : memref<1x1x128xi32, #tpu.memory_space<vmem>> -> memref<128xi32, #tpu.memory_space<vmem>>
        tpu.wait_dma2 semaphore(%dma_wait3A_190 : memref<!tpu.dma_semaphore, #tpu.memory_space<semaphore_mem>>) src(%dma_wait3A_194 : memref<128xi32, #tpu.memory_space<vmem>>) dst(%dma_wait3A_191 : memref<128xi32, #tpu.memory_space<hbm>>)
      } else {
      }
      %add3A_93 = arith.constant 2 : i32
      %add3A_94 = arith.addi %add3A_84, %add3A_93 : i32
      %lt3A_95 = arith.cmpi slt, %add3A_94, %add3A_4 : i32
      %convert_element_type3A_96 = arith.extui %lt3A_95 : i1 to i32
      %cond3A_97 = arith.constant 0 : i32
      %cond3A_98 = arith.cmpi ne, %convert_element_type3A_96, %cond3A_97 : i32
      scf.if %cond3A_98 {
        %add3A_146 = arith.constant 2 : i32
        %add3A_147 = arith.addi %add3A_84, %add3A_146 : i32
        %mul3A_148 = arith.constant 32 : i32
        %mul3A_149 = arith.muli %mul3A_148, %add3A_147 : i32
        %add3A_150 = arith.addi %add3A, %mul3A_149 : i32
        %mul3A_151 = arith.constant 128 : i32
        %mul3A_152 = arith.muli %add3A_150, %mul3A_151 : i32
        %dma_start3A_153 = arith.constant 2 : i32
        %dma_start3A_154 = arith.constant 2 : i32
        %dma_start3A_155 = arith.constant 0 : i32
        %dma_start3A_156 = arith.constant 0 : i32
        %dma_start3A_157 = tpu.memref_slice %arg5[%dma_start3A_153, %dma_start3A_155, %dma_start3A_156] : memref<3x2x128xi32, #tpu.memory_space<vmem>> -> memref<1x2x128xi32, #tpu.memory_space<vmem>>
        %dma_start3A_158 = tpu.memref_squeeze %dma_start3A_157 : memref<1x2x128xi32, #tpu.memory_space<vmem>> -> memref<2x128xi32, #tpu.memory_space<vmem>>
        %dma_start3A_159 = arith.constant 0 : i32
        %dma_start3A_160 = tpu.memref_slice %arg2[%dma_start3A_159, %mul3A_152] : memref<2x320000xi32, #tpu.memory_space<hbm>> -> memref<2x128xi32, #tpu.memory_space<hbm>>
        %dma_start3A_161 = tpu.memref_slice %arg9[%dma_start3A_154] : memref<3x!tpu.dma_semaphore, #tpu.memory_space<semaphore_mem>> -> memref<1x!tpu.dma_semaphore, #tpu.memory_space<semaphore_mem>>
        %dma_start3A_162 = tpu.memref_squeeze %dma_start3A_161 : memref<1x!tpu.dma_semaphore, #tpu.memory_space<semaphore_mem>> -> memref<!tpu.dma_semaphore, #tpu.memory_space<semaphore_mem>>
        %dma_start3A_163 = arith.constant 0 : i32
        %dma_start3A_164 = arith.constant 0 : i32
        %dma_start3A_165 = tpu.memref_slice %arg5[%dma_start3A_153, %dma_start3A_163, %dma_start3A_164] : memref<3x2x128xi32, #tpu.memory_space<vmem>> -> memref<1x2x128xi32, #tpu.memory_space<vmem>>
        %dma_start3A_166 = tpu.memref_squeeze %dma_start3A_165 : memref<1x2x128xi32, #tpu.memory_space<vmem>> -> memref<2x128xi32, #tpu.memory_space<vmem>>
        %dma_start3A_167 = arith.constant 0 : i32
        %dma_start3A_168 = tpu.memref_slice %arg2[%dma_start3A_167, %mul3A_152] : memref<2x320000xi32, #tpu.memory_space<hbm>> -> memref<2x128xi32, #tpu.memory_space<hbm>>
        tpu.enqueue_dma source(%dma_start3A_168 : memref<2x128xi32, #tpu.memory_space<hbm>>) target(%dma_start3A_166 : memref<2x128xi32, #tpu.memory_space<vmem>>) target_semaphore(%dma_start3A_162 : memref<!tpu.dma_semaphore, #tpu.memory_space<semaphore_mem>>)
      } else {
      }
      %mul3A_99 = arith.constant 3 : i32
      %mul3A_100 = arith.muli %mul3A_99, %scan3A_79 : i32
      %add3A_101 = arith.constant 1 : i32
      %add3A_102 = arith.addi %mul3A_100, %add3A_101 : i32
      %lt3A_103 = arith.cmpi slt, %add3A_102, %add3A_4 : i32
      %convert_element_type3A_104 = arith.extui %lt3A_103 : i1 to i32
      %cond3A_105 = arith.constant 0 : i32
      %cond3A_106 = arith.cmpi ne, %convert_element_type3A_104, %cond3A_105 : i32
      scf.if %cond3A_106 {
        %mul3A_146 = arith.constant 32 : i32
        %mul3A_147 = arith.muli %mul3A_146, %add3A_102 : i32
        %add3A_148 = arith.addi %add3A, %mul3A_147 : i32
        %mul3A_149 = arith.constant 128 : i32
        %mul3A_150 = arith.muli %add3A_148, %mul3A_149 : i32
        %dma_wait3A = arith.constant 1 : i32
        %dma_wait3A_151 = arith.constant 1 : i32
        %dma_wait3A_152 = arith.constant 0 : i32
        %dma_wait3A_153 = arith.constant 0 : i32
        %dma_wait3A_154 = tpu.memref_slice %arg5[%dma_wait3A, %dma_wait3A_152, %dma_wait3A_153] : memref<3x2x128xi32, #tpu.memory_space<vmem>> -> memref<1x2x128xi32, #tpu.memory_space<vmem>>
        %dma_wait3A_155 = tpu.memref_squeeze %dma_wait3A_154 : memref<1x2x128xi32, #tpu.memory_space<vmem>> -> memref<2x128xi32, #tpu.memory_space<vmem>>
        %dma_wait3A_156 = arith.constant 0 : i32
        %dma_wait3A_157 = tpu.memref_slice %arg2[%dma_wait3A_156, %mul3A_150] : memref<2x320000xi32, #tpu.memory_space<hbm>> -> memref<2x128xi32, #tpu.memory_space<hbm>>
        %dma_wait3A_158 = tpu.memref_slice %arg9[%dma_wait3A_151] : memref<3x!tpu.dma_semaphore, #tpu.memory_space<semaphore_mem>> -> memref<1x!tpu.dma_semaphore, #tpu.memory_space<semaphore_mem>>
        %dma_wait3A_159 = tpu.memref_squeeze %dma_wait3A_158 : memref<1x!tpu.dma_semaphore, #tpu.memory_space<semaphore_mem>> -> memref<!tpu.dma_semaphore, #tpu.memory_space<semaphore_mem>>
        %dma_wait3A_160 = arith.constant 0 : i32
        %dma_wait3A_161 = arith.constant 0 : i32
        %dma_wait3A_162 = tpu.memref_slice %arg5[%dma_wait3A, %dma_wait3A_160, %dma_wait3A_161] : memref<3x2x128xi32, #tpu.memory_space<vmem>> -> memref<1x2x128xi32, #tpu.memory_space<vmem>>
        %dma_wait3A_163 = tpu.memref_squeeze %dma_wait3A_162 : memref<1x2x128xi32, #tpu.memory_space<vmem>> -> memref<2x128xi32, #tpu.memory_space<vmem>>
        %dma_wait3A_164 = arith.constant 0 : i32
        %dma_wait3A_165 = tpu.memref_slice %arg2[%dma_wait3A_164, %mul3A_150] : memref<2x320000xi32, #tpu.memory_space<hbm>> -> memref<2x128xi32, #tpu.memory_space<hbm>>
        tpu.wait_dma2 semaphore(%dma_wait3A_159 : memref<!tpu.dma_semaphore, #tpu.memory_space<semaphore_mem>>) src(%dma_wait3A_165 : memref<2x128xi32, #tpu.memory_space<hbm>>) dst(%dma_wait3A_163 : memref<2x128xi32, #tpu.memory_space<vmem>>)
        %dma_start3A_166 = arith.constant 1 : i32
        %dma_start3A_167 = arith.constant 0 : i32
        %dma_start3A_168 = arith.constant 1 : i32
        %dma_start3A_169 = arith.constant 0 : i32
        %dma_start3A_170 = tpu.memref_slice %arg5[%dma_start3A_166, %dma_start3A_167, %dma_start3A_169] : memref<3x2x128xi32, #tpu.memory_space<vmem>> -> memref<1x1x128xi32, #tpu.memory_space<vmem>>
        %dma_start3A_171 = tpu.memref_squeeze %dma_start3A_170 : memref<1x1x128xi32, #tpu.memory_space<vmem>> -> memref<128xi32, #tpu.memory_space<vmem>>
        %dma_start3A_172 = arith.constant 0 : i32
        %dma_start3A_173 = tpu.memref_slice %arg8[%dma_start3A_172] : memref<10000xf32, #tpu.memory_space<vmem_shared>> -> memref<10000xf32, #tpu.memory_space<vmem_shared>>
        %dma_start3A_174 = tpu.memref_slice %arg10[%dma_start3A_168] : memref<3x!tpu.dma_semaphore, #tpu.memory_space<semaphore_mem>> -> memref<1x!tpu.dma_semaphore, #tpu.memory_space<semaphore_mem>>
        %dma_start3A_175 = tpu.memref_squeeze %dma_start3A_174 : memref<1x!tpu.dma_semaphore, #tpu.memory_space<semaphore_mem>> -> memref<!tpu.dma_semaphore, #tpu.memory_space<semaphore_mem>>
        tpu.enqueue_indirect_dma source(%arg6 : memref<128xf32, #tpu.memory_space<vmem>>) target(%dma_start3A_173 : memref<10000xf32, #tpu.memory_space<vmem_shared>>) offsets(%dma_start3A_171 : memref<128xi32, #tpu.memory_space<vmem>>) semaphore(%dma_start3A_175 : memref<!tpu.dma_semaphore, #tpu.memory_space<semaphore_mem>>) {add = true}
        %mul3A_176 = arith.constant 32 : i32
        %mul3A_177 = arith.muli %mul3A_176, %add3A_102 : i32
        %add3A_178 = arith.addi %add3A, %mul3A_177 : i32
        %mul3A_179 = arith.constant 128 : i32
        %mul3A_180 = arith.muli %add3A_178, %mul3A_179 : i32
        %dma_start3A_181 = arith.constant 1 : i32
        %dma_start3A_182 = arith.constant 0 : i32
        %dma_start3A_183 = arith.constant 1 : i32
        %dma_start3A_184 = arith.constant 0 : i32
        %dma_start3A_185 = tpu.memref_slice %arg5[%dma_start3A_181, %dma_start3A_182, %dma_start3A_184] : memref<3x2x128xi32, #tpu.memory_space<vmem>> -> memref<1x1x128xi32, #tpu.memory_space<vmem>>
        %dma_start3A_186 = tpu.memref_squeeze %dma_start3A_185 : memref<1x1x128xi32, #tpu.memory_space<vmem>> -> memref<128xi32, #tpu.memory_space<vmem>>
        %dma_start3A_187 = tpu.memref_slice %arg4[%mul3A_180] : memref<640000xi32, #tpu.memory_space<hbm>> -> memref<128xi32, #tpu.memory_space<hbm>>
        %dma_start3A_188 = tpu.memref_slice %arg11[%dma_start3A_183] : memref<3x!tpu.dma_semaphore, #tpu.memory_space<semaphore_mem>> -> memref<1x!tpu.dma_semaphore, #tpu.memory_space<semaphore_mem>>
        %dma_start3A_189 = tpu.memref_squeeze %dma_start3A_188 : memref<1x!tpu.dma_semaphore, #tpu.memory_space<semaphore_mem>> -> memref<!tpu.dma_semaphore, #tpu.memory_space<semaphore_mem>>
        %dma_start3A_190 = tpu.memref_slice %arg4[%mul3A_180] : memref<640000xi32, #tpu.memory_space<hbm>> -> memref<128xi32, #tpu.memory_space<hbm>>
        %dma_start3A_191 = arith.constant 0 : i32
        %dma_start3A_192 = tpu.memref_slice %arg5[%dma_start3A_181, %dma_start3A_182, %dma_start3A_191] : memref<3x2x128xi32, #tpu.memory_space<vmem>> -> memref<1x1x128xi32, #tpu.memory_space<vmem>>
        %dma_start3A_193 = tpu.memref_squeeze %dma_start3A_192 : memref<1x1x128xi32, #tpu.memory_space<vmem>> -> memref<128xi32, #tpu.memory_space<vmem>>
        tpu.enqueue_dma source(%dma_start3A_193 : memref<128xi32, #tpu.memory_space<vmem>>) target(%dma_start3A_190 : memref<128xi32, #tpu.memory_space<hbm>>) target_semaphore(%dma_start3A_189 : memref<!tpu.dma_semaphore, #tpu.memory_space<semaphore_mem>>)
        %mul3A_194 = arith.constant 32 : i32
        %mul3A_195 = arith.muli %mul3A_194, %add3A_102 : i32
        %add3A_196 = arith.addi %add3A, %mul3A_195 : i32
        %mul3A_197 = arith.constant 128 : i32
        %mul3A_198 = arith.muli %add3A_196, %mul3A_197 : i32
        %add3A_199 = arith.constant 320000 : i32
        %add3A_200 = arith.addi %add3A_199, %mul3A_198 : i32
        %dma_start3A_201 = arith.constant 1 : i32
        %dma_start3A_202 = arith.constant 1 : i32
        %dma_start3A_203 = arith.constant 1 : i32
        %dma_start3A_204 = arith.constant 0 : i32
        %dma_start3A_205 = tpu.memref_slice %arg5[%dma_start3A_201, %dma_start3A_202, %dma_start3A_204] : memref<3x2x128xi32, #tpu.memory_space<vmem>> -> memref<1x1x128xi32, #tpu.memory_space<vmem>>
        %dma_start3A_206 = tpu.memref_squeeze %dma_start3A_205 : memref<1x1x128xi32, #tpu.memory_space<vmem>> -> memref<128xi32, #tpu.memory_space<vmem>>
        %dma_start3A_207 = tpu.memref_slice %arg4[%add3A_200] : memref<640000xi32, #tpu.memory_space<hbm>> -> memref<128xi32, #tpu.memory_space<hbm>>
        %dma_start3A_208 = tpu.memref_slice %arg12[%dma_start3A_203] : memref<3x!tpu.dma_semaphore, #tpu.memory_space<semaphore_mem>> -> memref<1x!tpu.dma_semaphore, #tpu.memory_space<semaphore_mem>>
        %dma_start3A_209 = tpu.memref_squeeze %dma_start3A_208 : memref<1x!tpu.dma_semaphore, #tpu.memory_space<semaphore_mem>> -> memref<!tpu.dma_semaphore, #tpu.memory_space<semaphore_mem>>
        %dma_start3A_210 = tpu.memref_slice %arg4[%add3A_200] : memref<640000xi32, #tpu.memory_space<hbm>> -> memref<128xi32, #tpu.memory_space<hbm>>
        %dma_start3A_211 = arith.constant 0 : i32
        %dma_start3A_212 = tpu.memref_slice %arg5[%dma_start3A_201, %dma_start3A_202, %dma_start3A_211] : memref<3x2x128xi32, #tpu.memory_space<vmem>> -> memref<1x1x128xi32, #tpu.memory_space<vmem>>
        %dma_start3A_213 = tpu.memref_squeeze %dma_start3A_212 : memref<1x1x128xi32, #tpu.memory_space<vmem>> -> memref<128xi32, #tpu.memory_space<vmem>>
        tpu.enqueue_dma source(%dma_start3A_213 : memref<128xi32, #tpu.memory_space<vmem>>) target(%dma_start3A_210 : memref<128xi32, #tpu.memory_space<hbm>>) target_semaphore(%dma_start3A_209 : memref<!tpu.dma_semaphore, #tpu.memory_space<semaphore_mem>>)
      } else {
      }
      %ge3A_107 = arith.constant 1 : i32
      %ge3A_108 = arith.cmpi sge, %add3A_102, %ge3A_107 : i32
      %sub3A_109 = arith.constant 1 : i32
      %sub3A_110 = arith.subi %add3A_102, %sub3A_109 : i32
      %lt3A_111 = arith.cmpi slt, %sub3A_110, %add3A_4 : i32
      %and3A_112 = arith.andi %ge3A_108, %lt3A_111 : i1
      %convert_element_type3A_113 = arith.extui %and3A_112 : i1 to i32
      %cond3A_114 = arith.constant 0 : i32
      %cond3A_115 = arith.cmpi ne, %convert_element_type3A_113, %cond3A_114 : i32
      scf.if %cond3A_115 {
        %sub3A_146 = arith.constant 1 : i32
        %sub3A_147 = arith.subi %add3A_102, %sub3A_146 : i32
        %dma_wait3A = arith.constant 0 : i32
        %dma_wait3A_148 = arith.constant 0 : i32
        %dma_wait3A_149 = arith.constant 0 : i32
        %dma_wait3A_150 = arith.constant 0 : i32
        %dma_wait3A_151 = tpu.memref_slice %arg5[%dma_wait3A, %dma_wait3A_148, %dma_wait3A_150] : memref<3x2x128xi32, #tpu.memory_space<vmem>> -> memref<1x1x128xi32, #tpu.memory_space<vmem>>
        %dma_wait3A_152 = tpu.memref_squeeze %dma_wait3A_151 : memref<1x1x128xi32, #tpu.memory_space<vmem>> -> memref<128xi32, #tpu.memory_space<vmem>>
        %dma_wait3A_153 = arith.constant 0 : i32
        %dma_wait3A_154 = tpu.memref_slice %arg8[%dma_wait3A_153] : memref<10000xf32, #tpu.memory_space<vmem_shared>> -> memref<10000xf32, #tpu.memory_space<vmem_shared>>
        %dma_wait3A_155 = tpu.memref_slice %arg10[%dma_wait3A_149] : memref<3x!tpu.dma_semaphore, #tpu.memory_space<semaphore_mem>> -> memref<1x!tpu.dma_semaphore, #tpu.memory_space<semaphore_mem>>
        %dma_wait3A_156 = tpu.memref_squeeze %dma_wait3A_155 : memref<1x!tpu.dma_semaphore, #tpu.memory_space<semaphore_mem>> -> memref<!tpu.dma_semaphore, #tpu.memory_space<semaphore_mem>>
        tpu.wait_indirect_dma semaphore(%dma_wait3A_156 : memref<!tpu.dma_semaphore, #tpu.memory_space<semaphore_mem>>) src(%arg6 : memref<128xf32, #tpu.memory_space<vmem>>) dst(%dma_wait3A_154 : memref<10000xf32, #tpu.memory_space<vmem_shared>>)
        %mul3A_157 = arith.constant 32 : i32
        %mul3A_158 = arith.muli %mul3A_157, %sub3A_147 : i32
        %add3A_159 = arith.addi %add3A, %mul3A_158 : i32
        %mul3A_160 = arith.constant 128 : i32
        %mul3A_161 = arith.muli %add3A_159, %mul3A_160 : i32
        %dma_wait3A_162 = arith.constant 0 : i32
        %dma_wait3A_163 = arith.constant 0 : i32
        %dma_wait3A_164 = arith.constant 0 : i32
        %dma_wait3A_165 = arith.constant 0 : i32
        %dma_wait3A_166 = tpu.memref_slice %arg5[%dma_wait3A_162, %dma_wait3A_163, %dma_wait3A_165] : memref<3x2x128xi32, #tpu.memory_space<vmem>> -> memref<1x1x128xi32, #tpu.memory_space<vmem>>
        %dma_wait3A_167 = tpu.memref_squeeze %dma_wait3A_166 : memref<1x1x128xi32, #tpu.memory_space<vmem>> -> memref<128xi32, #tpu.memory_space<vmem>>
        %dma_wait3A_168 = tpu.memref_slice %arg4[%mul3A_161] : memref<640000xi32, #tpu.memory_space<hbm>> -> memref<128xi32, #tpu.memory_space<hbm>>
        %dma_wait3A_169 = tpu.memref_slice %arg11[%dma_wait3A_164] : memref<3x!tpu.dma_semaphore, #tpu.memory_space<semaphore_mem>> -> memref<1x!tpu.dma_semaphore, #tpu.memory_space<semaphore_mem>>
        %dma_wait3A_170 = tpu.memref_squeeze %dma_wait3A_169 : memref<1x!tpu.dma_semaphore, #tpu.memory_space<semaphore_mem>> -> memref<!tpu.dma_semaphore, #tpu.memory_space<semaphore_mem>>
        %dma_wait3A_171 = tpu.memref_slice %arg4[%mul3A_161] : memref<640000xi32, #tpu.memory_space<hbm>> -> memref<128xi32, #tpu.memory_space<hbm>>
        %dma_wait3A_172 = arith.constant 0 : i32
        %dma_wait3A_173 = tpu.memref_slice %arg5[%dma_wait3A_162, %dma_wait3A_163, %dma_wait3A_172] : memref<3x2x128xi32, #tpu.memory_space<vmem>> -> memref<1x1x128xi32, #tpu.memory_space<vmem>>
        %dma_wait3A_174 = tpu.memref_squeeze %dma_wait3A_173 : memref<1x1x128xi32, #tpu.memory_space<vmem>> -> memref<128xi32, #tpu.memory_space<vmem>>
        tpu.wait_dma2 semaphore(%dma_wait3A_170 : memref<!tpu.dma_semaphore, #tpu.memory_space<semaphore_mem>>) src(%dma_wait3A_174 : memref<128xi32, #tpu.memory_space<vmem>>) dst(%dma_wait3A_171 : memref<128xi32, #tpu.memory_space<hbm>>)
        %mul3A_175 = arith.constant 32 : i32
        %mul3A_176 = arith.muli %mul3A_175, %sub3A_147 : i32
        %add3A_177 = arith.addi %add3A, %mul3A_176 : i32
        %mul3A_178 = arith.constant 128 : i32
        %mul3A_179 = arith.muli %add3A_177, %mul3A_178 : i32
        %add3A_180 = arith.constant 320000 : i32
        %add3A_181 = arith.addi %add3A_180, %mul3A_179 : i32
        %dma_wait3A_182 = arith.constant 0 : i32
        %dma_wait3A_183 = arith.constant 1 : i32
        %dma_wait3A_184 = arith.constant 0 : i32
        %dma_wait3A_185 = arith.constant 0 : i32
        %dma_wait3A_186 = tpu.memref_slice %arg5[%dma_wait3A_182, %dma_wait3A_183, %dma_wait3A_185] : memref<3x2x128xi32, #tpu.memory_space<vmem>> -> memref<1x1x128xi32, #tpu.memory_space<vmem>>
        %dma_wait3A_187 = tpu.memref_squeeze %dma_wait3A_186 : memref<1x1x128xi32, #tpu.memory_space<vmem>> -> memref<128xi32, #tpu.memory_space<vmem>>
        %dma_wait3A_188 = tpu.memref_slice %arg4[%add3A_181] : memref<640000xi32, #tpu.memory_space<hbm>> -> memref<128xi32, #tpu.memory_space<hbm>>
        %dma_wait3A_189 = tpu.memref_slice %arg12[%dma_wait3A_184] : memref<3x!tpu.dma_semaphore, #tpu.memory_space<semaphore_mem>> -> memref<1x!tpu.dma_semaphore, #tpu.memory_space<semaphore_mem>>
        %dma_wait3A_190 = tpu.memref_squeeze %dma_wait3A_189 : memref<1x!tpu.dma_semaphore, #tpu.memory_space<semaphore_mem>> -> memref<!tpu.dma_semaphore, #tpu.memory_space<semaphore_mem>>
        %dma_wait3A_191 = tpu.memref_slice %arg4[%add3A_181] : memref<640000xi32, #tpu.memory_space<hbm>> -> memref<128xi32, #tpu.memory_space<hbm>>
        %dma_wait3A_192 = arith.constant 0 : i32
        %dma_wait3A_193 = tpu.memref_slice %arg5[%dma_wait3A_182, %dma_wait3A_183, %dma_wait3A_192] : memref<3x2x128xi32, #tpu.memory_space<vmem>> -> memref<1x1x128xi32, #tpu.memory_space<vmem>>
        %dma_wait3A_194 = tpu.memref_squeeze %dma_wait3A_193 : memref<1x1x128xi32, #tpu.memory_space<vmem>> -> memref<128xi32, #tpu.memory_space<vmem>>
        tpu.wait_dma2 semaphore(%dma_wait3A_190 : memref<!tpu.dma_semaphore, #tpu.memory_space<semaphore_mem>>) src(%dma_wait3A_194 : memref<128xi32, #tpu.memory_space<vmem>>) dst(%dma_wait3A_191 : memref<128xi32, #tpu.memory_space<hbm>>)
      } else {
      }
      %add3A_116 = arith.constant 2 : i32
      %add3A_117 = arith.addi %add3A_102, %add3A_116 : i32
      %lt3A_118 = arith.cmpi slt, %add3A_117, %add3A_4 : i32
      %convert_element_type3A_119 = arith.extui %lt3A_118 : i1 to i32
      %cond3A_120 = arith.constant 0 : i32
      %cond3A_121 = arith.cmpi ne, %convert_element_type3A_119, %cond3A_120 : i32
      scf.if %cond3A_121 {
        %add3A_146 = arith.constant 2 : i32
        %add3A_147 = arith.addi %add3A_102, %add3A_146 : i32
        %mul3A_148 = arith.constant 32 : i32
        %mul3A_149 = arith.muli %mul3A_148, %add3A_147 : i32
        %add3A_150 = arith.addi %add3A, %mul3A_149 : i32
        %mul3A_151 = arith.constant 128 : i32
        %mul3A_152 = arith.muli %add3A_150, %mul3A_151 : i32
        %dma_start3A_153 = arith.constant 0 : i32
        %dma_start3A_154 = arith.constant 0 : i32
        %dma_start3A_155 = arith.constant 0 : i32
        %dma_start3A_156 = arith.constant 0 : i32
        %dma_start3A_157 = tpu.memref_slice %arg5[%dma_start3A_153, %dma_start3A_155, %dma_start3A_156] : memref<3x2x128xi32, #tpu.memory_space<vmem>> -> memref<1x2x128xi32, #tpu.memory_space<vmem>>
        %dma_start3A_158 = tpu.memref_squeeze %dma_start3A_157 : memref<1x2x128xi32, #tpu.memory_space<vmem>> -> memref<2x128xi32, #tpu.memory_space<vmem>>
        %dma_start3A_159 = arith.constant 0 : i32
        %dma_start3A_160 = tpu.memref_slice %arg2[%dma_start3A_159, %mul3A_152] : memref<2x320000xi32, #tpu.memory_space<hbm>> -> memref<2x128xi32, #tpu.memory_space<hbm>>
        %dma_start3A_161 = tpu.memref_slice %arg9[%dma_start3A_154] : memref<3x!tpu.dma_semaphore, #tpu.memory_space<semaphore_mem>> -> memref<1x!tpu.dma_semaphore, #tpu.memory_space<semaphore_mem>>
        %dma_start3A_162 = tpu.memref_squeeze %dma_start3A_161 : memref<1x!tpu.dma_semaphore, #tpu.memory_space<semaphore_mem>> -> memref<!tpu.dma_semaphore, #tpu.memory_space<semaphore_mem>>
        %dma_start3A_163 = arith.constant 0 : i32
        %dma_start3A_164 = arith.constant 0 : i32
        %dma_start3A_165 = tpu.memref_slice %arg5[%dma_start3A_153, %dma_start3A_163, %dma_start3A_164] : memref<3x2x128xi32, #tpu.memory_space<vmem>> -> memref<1x2x128xi32, #tpu.memory_space<vmem>>
        %dma_start3A_166 = tpu.memref_squeeze %dma_start3A_165 : memref<1x2x128xi32, #tpu.memory_space<vmem>> -> memref<2x128xi32, #tpu.memory_space<vmem>>
        %dma_start3A_167 = arith.constant 0 : i32
        %dma_start3A_168 = tpu.memref_slice %arg2[%dma_start3A_167, %mul3A_152] : memref<2x320000xi32, #tpu.memory_space<hbm>> -> memref<2x128xi32, #tpu.memory_space<hbm>>
        tpu.enqueue_dma source(%dma_start3A_168 : memref<2x128xi32, #tpu.memory_space<hbm>>) target(%dma_start3A_166 : memref<2x128xi32, #tpu.memory_space<vmem>>) target_semaphore(%dma_start3A_162 : memref<!tpu.dma_semaphore, #tpu.memory_space<semaphore_mem>>)
      } else {
      }
      %mul3A_122 = arith.constant 3 : i32
      %mul3A_123 = arith.muli %mul3A_122, %scan3A_79 : i32
      %add3A_124 = arith.constant 2 : i32
      %add3A_125 = arith.addi %mul3A_123, %add3A_124 : i32
      %lt3A_126 = arith.cmpi slt, %add3A_125, %add3A_4 : i32
      %convert_element_type3A_127 = arith.extui %lt3A_126 : i1 to i32
      %cond3A_128 = arith.constant 0 : i32
      %cond3A_129 = arith.cmpi ne, %convert_element_type3A_127, %cond3A_128 : i32
      scf.if %cond3A_129 {
        %mul3A_146 = arith.constant 32 : i32
        %mul3A_147 = arith.muli %mul3A_146, %add3A_125 : i32
        %add3A_148 = arith.addi %add3A, %mul3A_147 : i32
        %mul3A_149 = arith.constant 128 : i32
        %mul3A_150 = arith.muli %add3A_148, %mul3A_149 : i32
        %dma_wait3A = arith.constant 2 : i32
        %dma_wait3A_151 = arith.constant 2 : i32
        %dma_wait3A_152 = arith.constant 0 : i32
        %dma_wait3A_153 = arith.constant 0 : i32
        %dma_wait3A_154 = tpu.memref_slice %arg5[%dma_wait3A, %dma_wait3A_152, %dma_wait3A_153] : memref<3x2x128xi32, #tpu.memory_space<vmem>> -> memref<1x2x128xi32, #tpu.memory_space<vmem>>
        %dma_wait3A_155 = tpu.memref_squeeze %dma_wait3A_154 : memref<1x2x128xi32, #tpu.memory_space<vmem>> -> memref<2x128xi32, #tpu.memory_space<vmem>>
        %dma_wait3A_156 = arith.constant 0 : i32
        %dma_wait3A_157 = tpu.memref_slice %arg2[%dma_wait3A_156, %mul3A_150] : memref<2x320000xi32, #tpu.memory_space<hbm>> -> memref<2x128xi32, #tpu.memory_space<hbm>>
        %dma_wait3A_158 = tpu.memref_slice %arg9[%dma_wait3A_151] : memref<3x!tpu.dma_semaphore, #tpu.memory_space<semaphore_mem>> -> memref<1x!tpu.dma_semaphore, #tpu.memory_space<semaphore_mem>>
        %dma_wait3A_159 = tpu.memref_squeeze %dma_wait3A_158 : memref<1x!tpu.dma_semaphore, #tpu.memory_space<semaphore_mem>> -> memref<!tpu.dma_semaphore, #tpu.memory_space<semaphore_mem>>
        %dma_wait3A_160 = arith.constant 0 : i32
        %dma_wait3A_161 = arith.constant 0 : i32
        %dma_wait3A_162 = tpu.memref_slice %arg5[%dma_wait3A, %dma_wait3A_160, %dma_wait3A_161] : memref<3x2x128xi32, #tpu.memory_space<vmem>> -> memref<1x2x128xi32, #tpu.memory_space<vmem>>
        %dma_wait3A_163 = tpu.memref_squeeze %dma_wait3A_162 : memref<1x2x128xi32, #tpu.memory_space<vmem>> -> memref<2x128xi32, #tpu.memory_space<vmem>>
        %dma_wait3A_164 = arith.constant 0 : i32
        %dma_wait3A_165 = tpu.memref_slice %arg2[%dma_wait3A_164, %mul3A_150] : memref<2x320000xi32, #tpu.memory_space<hbm>> -> memref<2x128xi32, #tpu.memory_space<hbm>>
        tpu.wait_dma2 semaphore(%dma_wait3A_159 : memref<!tpu.dma_semaphore, #tpu.memory_space<semaphore_mem>>) src(%dma_wait3A_165 : memref<2x128xi32, #tpu.memory_space<hbm>>) dst(%dma_wait3A_163 : memref<2x128xi32, #tpu.memory_space<vmem>>)
        %dma_start3A_166 = arith.constant 2 : i32
        %dma_start3A_167 = arith.constant 0 : i32
        %dma_start3A_168 = arith.constant 2 : i32
        %dma_start3A_169 = arith.constant 0 : i32
        %dma_start3A_170 = tpu.memref_slice %arg5[%dma_start3A_166, %dma_start3A_167, %dma_start3A_169] : memref<3x2x128xi32, #tpu.memory_space<vmem>> -> memref<1x1x128xi32, #tpu.memory_space<vmem>>
        %dma_start3A_171 = tpu.memref_squeeze %dma_start3A_170 : memref<1x1x128xi32, #tpu.memory_space<vmem>> -> memref<128xi32, #tpu.memory_space<vmem>>
        %dma_start3A_172 = arith.constant 0 : i32
        %dma_start3A_173 = tpu.memref_slice %arg8[%dma_start3A_172] : memref<10000xf32, #tpu.memory_space<vmem_shared>> -> memref<10000xf32, #tpu.memory_space<vmem_shared>>
        %dma_start3A_174 = tpu.memref_slice %arg10[%dma_start3A_168] : memref<3x!tpu.dma_semaphore, #tpu.memory_space<semaphore_mem>> -> memref<1x!tpu.dma_semaphore, #tpu.memory_space<semaphore_mem>>
        %dma_start3A_175 = tpu.memref_squeeze %dma_start3A_174 : memref<1x!tpu.dma_semaphore, #tpu.memory_space<semaphore_mem>> -> memref<!tpu.dma_semaphore, #tpu.memory_space<semaphore_mem>>
        tpu.enqueue_indirect_dma source(%arg6 : memref<128xf32, #tpu.memory_space<vmem>>) target(%dma_start3A_173 : memref<10000xf32, #tpu.memory_space<vmem_shared>>) offsets(%dma_start3A_171 : memref<128xi32, #tpu.memory_space<vmem>>) semaphore(%dma_start3A_175 : memref<!tpu.dma_semaphore, #tpu.memory_space<semaphore_mem>>) {add = true}
        %mul3A_176 = arith.constant 32 : i32
        %mul3A_177 = arith.muli %mul3A_176, %add3A_125 : i32
        %add3A_178 = arith.addi %add3A, %mul3A_177 : i32
        %mul3A_179 = arith.constant 128 : i32
        %mul3A_180 = arith.muli %add3A_178, %mul3A_179 : i32
        %dma_start3A_181 = arith.constant 2 : i32
        %dma_start3A_182 = arith.constant 0 : i32
        %dma_start3A_183 = arith.constant 2 : i32
        %dma_start3A_184 = arith.constant 0 : i32
        %dma_start3A_185 = tpu.memref_slice %arg5[%dma_start3A_181, %dma_start3A_182, %dma_start3A_184] : memref<3x2x128xi32, #tpu.memory_space<vmem>> -> memref<1x1x128xi32, #tpu.memory_space<vmem>>
        %dma_start3A_186 = tpu.memref_squeeze %dma_start3A_185 : memref<1x1x128xi32, #tpu.memory_space<vmem>> -> memref<128xi32, #tpu.memory_space<vmem>>
        %dma_start3A_187 = tpu.memref_slice %arg4[%mul3A_180] : memref<640000xi32, #tpu.memory_space<hbm>> -> memref<128xi32, #tpu.memory_space<hbm>>
        %dma_start3A_188 = tpu.memref_slice %arg11[%dma_start3A_183] : memref<3x!tpu.dma_semaphore, #tpu.memory_space<semaphore_mem>> -> memref<1x!tpu.dma_semaphore, #tpu.memory_space<semaphore_mem>>
        %dma_start3A_189 = tpu.memref_squeeze %dma_start3A_188 : memref<1x!tpu.dma_semaphore, #tpu.memory_space<semaphore_mem>> -> memref<!tpu.dma_semaphore, #tpu.memory_space<semaphore_mem>>
        %dma_start3A_190 = tpu.memref_slice %arg4[%mul3A_180] : memref<640000xi32, #tpu.memory_space<hbm>> -> memref<128xi32, #tpu.memory_space<hbm>>
        %dma_start3A_191 = arith.constant 0 : i32
        %dma_start3A_192 = tpu.memref_slice %arg5[%dma_start3A_181, %dma_start3A_182, %dma_start3A_191] : memref<3x2x128xi32, #tpu.memory_space<vmem>> -> memref<1x1x128xi32, #tpu.memory_space<vmem>>
        %dma_start3A_193 = tpu.memref_squeeze %dma_start3A_192 : memref<1x1x128xi32, #tpu.memory_space<vmem>> -> memref<128xi32, #tpu.memory_space<vmem>>
        tpu.enqueue_dma source(%dma_start3A_193 : memref<128xi32, #tpu.memory_space<vmem>>) target(%dma_start3A_190 : memref<128xi32, #tpu.memory_space<hbm>>) target_semaphore(%dma_start3A_189 : memref<!tpu.dma_semaphore, #tpu.memory_space<semaphore_mem>>)
        %mul3A_194 = arith.constant 32 : i32
        %mul3A_195 = arith.muli %mul3A_194, %add3A_125 : i32
        %add3A_196 = arith.addi %add3A, %mul3A_195 : i32
        %mul3A_197 = arith.constant 128 : i32
        %mul3A_198 = arith.muli %add3A_196, %mul3A_197 : i32
        %add3A_199 = arith.constant 320000 : i32
        %add3A_200 = arith.addi %add3A_199, %mul3A_198 : i32
        %dma_start3A_201 = arith.constant 2 : i32
        %dma_start3A_202 = arith.constant 1 : i32
        %dma_start3A_203 = arith.constant 2 : i32
        %dma_start3A_204 = arith.constant 0 : i32
        %dma_start3A_205 = tpu.memref_slice %arg5[%dma_start3A_201, %dma_start3A_202, %dma_start3A_204] : memref<3x2x128xi32, #tpu.memory_space<vmem>> -> memref<1x1x128xi32, #tpu.memory_space<vmem>>
        %dma_start3A_206 = tpu.memref_squeeze %dma_start3A_205 : memref<1x1x128xi32, #tpu.memory_space<vmem>> -> memref<128xi32, #tpu.memory_space<vmem>>
        %dma_start3A_207 = tpu.memref_slice %arg4[%add3A_200] : memref<640000xi32, #tpu.memory_space<hbm>> -> memref<128xi32, #tpu.memory_space<hbm>>
        %dma_start3A_208 = tpu.memref_slice %arg12[%dma_start3A_203] : memref<3x!tpu.dma_semaphore, #tpu.memory_space<semaphore_mem>> -> memref<1x!tpu.dma_semaphore, #tpu.memory_space<semaphore_mem>>
        %dma_start3A_209 = tpu.memref_squeeze %dma_start3A_208 : memref<1x!tpu.dma_semaphore, #tpu.memory_space<semaphore_mem>> -> memref<!tpu.dma_semaphore, #tpu.memory_space<semaphore_mem>>
        %dma_start3A_210 = tpu.memref_slice %arg4[%add3A_200] : memref<640000xi32, #tpu.memory_space<hbm>> -> memref<128xi32, #tpu.memory_space<hbm>>
        %dma_start3A_211 = arith.constant 0 : i32
        %dma_start3A_212 = tpu.memref_slice %arg5[%dma_start3A_201, %dma_start3A_202, %dma_start3A_211] : memref<3x2x128xi32, #tpu.memory_space<vmem>> -> memref<1x1x128xi32, #tpu.memory_space<vmem>>
        %dma_start3A_213 = tpu.memref_squeeze %dma_start3A_212 : memref<1x1x128xi32, #tpu.memory_space<vmem>> -> memref<128xi32, #tpu.memory_space<vmem>>
        tpu.enqueue_dma source(%dma_start3A_213 : memref<128xi32, #tpu.memory_space<vmem>>) target(%dma_start3A_210 : memref<128xi32, #tpu.memory_space<hbm>>) target_semaphore(%dma_start3A_209 : memref<!tpu.dma_semaphore, #tpu.memory_space<semaphore_mem>>)
      } else {
      }
      %ge3A_130 = arith.constant 1 : i32
      %ge3A_131 = arith.cmpi sge, %add3A_125, %ge3A_130 : i32
      %sub3A_132 = arith.constant 1 : i32
      %sub3A_133 = arith.subi %add3A_125, %sub3A_132 : i32
      %lt3A_134 = arith.cmpi slt, %sub3A_133, %add3A_4 : i32
      %and3A_135 = arith.andi %ge3A_131, %lt3A_134 : i1
      %convert_element_type3A_136 = arith.extui %and3A_135 : i1 to i32
      %cond3A_137 = arith.constant 0 : i32
      %cond3A_138 = arith.cmpi ne, %convert_element_type3A_136, %cond3A_137 : i32
      scf.if %cond3A_138 {
        %sub3A_146 = arith.constant 1 : i32
        %sub3A_147 = arith.subi %add3A_125, %sub3A_146 : i32
        %dma_wait3A = arith.constant 1 : i32
        %dma_wait3A_148 = arith.constant 0 : i32
        %dma_wait3A_149 = arith.constant 1 : i32
        %dma_wait3A_150 = arith.constant 0 : i32
        %dma_wait3A_151 = tpu.memref_slice %arg5[%dma_wait3A, %dma_wait3A_148, %dma_wait3A_150] : memref<3x2x128xi32, #tpu.memory_space<vmem>> -> memref<1x1x128xi32, #tpu.memory_space<vmem>>
        %dma_wait3A_152 = tpu.memref_squeeze %dma_wait3A_151 : memref<1x1x128xi32, #tpu.memory_space<vmem>> -> memref<128xi32, #tpu.memory_space<vmem>>
        %dma_wait3A_153 = arith.constant 0 : i32
        %dma_wait3A_154 = tpu.memref_slice %arg8[%dma_wait3A_153] : memref<10000xf32, #tpu.memory_space<vmem_shared>> -> memref<10000xf32, #tpu.memory_space<vmem_shared>>
        %dma_wait3A_155 = tpu.memref_slice %arg10[%dma_wait3A_149] : memref<3x!tpu.dma_semaphore, #tpu.memory_space<semaphore_mem>> -> memref<1x!tpu.dma_semaphore, #tpu.memory_space<semaphore_mem>>
        %dma_wait3A_156 = tpu.memref_squeeze %dma_wait3A_155 : memref<1x!tpu.dma_semaphore, #tpu.memory_space<semaphore_mem>> -> memref<!tpu.dma_semaphore, #tpu.memory_space<semaphore_mem>>
        tpu.wait_indirect_dma semaphore(%dma_wait3A_156 : memref<!tpu.dma_semaphore, #tpu.memory_space<semaphore_mem>>) src(%arg6 : memref<128xf32, #tpu.memory_space<vmem>>) dst(%dma_wait3A_154 : memref<10000xf32, #tpu.memory_space<vmem_shared>>)
        %mul3A_157 = arith.constant 32 : i32
        %mul3A_158 = arith.muli %mul3A_157, %sub3A_147 : i32
        %add3A_159 = arith.addi %add3A, %mul3A_158 : i32
        %mul3A_160 = arith.constant 128 : i32
        %mul3A_161 = arith.muli %add3A_159, %mul3A_160 : i32
        %dma_wait3A_162 = arith.constant 1 : i32
        %dma_wait3A_163 = arith.constant 0 : i32
        %dma_wait3A_164 = arith.constant 1 : i32
        %dma_wait3A_165 = arith.constant 0 : i32
        %dma_wait3A_166 = tpu.memref_slice %arg5[%dma_wait3A_162, %dma_wait3A_163, %dma_wait3A_165] : memref<3x2x128xi32, #tpu.memory_space<vmem>> -> memref<1x1x128xi32, #tpu.memory_space<vmem>>
        %dma_wait3A_167 = tpu.memref_squeeze %dma_wait3A_166 : memref<1x1x128xi32, #tpu.memory_space<vmem>> -> memref<128xi32, #tpu.memory_space<vmem>>
        %dma_wait3A_168 = tpu.memref_slice %arg4[%mul3A_161] : memref<640000xi32, #tpu.memory_space<hbm>> -> memref<128xi32, #tpu.memory_space<hbm>>
        %dma_wait3A_169 = tpu.memref_slice %arg11[%dma_wait3A_164] : memref<3x!tpu.dma_semaphore, #tpu.memory_space<semaphore_mem>> -> memref<1x!tpu.dma_semaphore, #tpu.memory_space<semaphore_mem>>
        %dma_wait3A_170 = tpu.memref_squeeze %dma_wait3A_169 : memref<1x!tpu.dma_semaphore, #tpu.memory_space<semaphore_mem>> -> memref<!tpu.dma_semaphore, #tpu.memory_space<semaphore_mem>>
        %dma_wait3A_171 = tpu.memref_slice %arg4[%mul3A_161] : memref<640000xi32, #tpu.memory_space<hbm>> -> memref<128xi32, #tpu.memory_space<hbm>>
        %dma_wait3A_172 = arith.constant 0 : i32
        %dma_wait3A_173 = tpu.memref_slice %arg5[%dma_wait3A_162, %dma_wait3A_163, %dma_wait3A_172] : memref<3x2x128xi32, #tpu.memory_space<vmem>> -> memref<1x1x128xi32, #tpu.memory_space<vmem>>
        %dma_wait3A_174 = tpu.memref_squeeze %dma_wait3A_173 : memref<1x1x128xi32, #tpu.memory_space<vmem>> -> memref<128xi32, #tpu.memory_space<vmem>>
        tpu.wait_dma2 semaphore(%dma_wait3A_170 : memref<!tpu.dma_semaphore, #tpu.memory_space<semaphore_mem>>) src(%dma_wait3A_174 : memref<128xi32, #tpu.memory_space<vmem>>) dst(%dma_wait3A_171 : memref<128xi32, #tpu.memory_space<hbm>>)
        %mul3A_175 = arith.constant 32 : i32
        %mul3A_176 = arith.muli %mul3A_175, %sub3A_147 : i32
        %add3A_177 = arith.addi %add3A, %mul3A_176 : i32
        %mul3A_178 = arith.constant 128 : i32
        %mul3A_179 = arith.muli %add3A_177, %mul3A_178 : i32
        %add3A_180 = arith.constant 320000 : i32
        %add3A_181 = arith.addi %add3A_180, %mul3A_179 : i32
        %dma_wait3A_182 = arith.constant 1 : i32
        %dma_wait3A_183 = arith.constant 1 : i32
        %dma_wait3A_184 = arith.constant 1 : i32
        %dma_wait3A_185 = arith.constant 0 : i32
        %dma_wait3A_186 = tpu.memref_slice %arg5[%dma_wait3A_182, %dma_wait3A_183, %dma_wait3A_185] : memref<3x2x128xi32, #tpu.memory_space<vmem>> -> memref<1x1x128xi32, #tpu.memory_space<vmem>>
        %dma_wait3A_187 = tpu.memref_squeeze %dma_wait3A_186 : memref<1x1x128xi32, #tpu.memory_space<vmem>> -> memref<128xi32, #tpu.memory_space<vmem>>
        %dma_wait3A_188 = tpu.memref_slice %arg4[%add3A_181] : memref<640000xi32, #tpu.memory_space<hbm>> -> memref<128xi32, #tpu.memory_space<hbm>>
        %dma_wait3A_189 = tpu.memref_slice %arg12[%dma_wait3A_184] : memref<3x!tpu.dma_semaphore, #tpu.memory_space<semaphore_mem>> -> memref<1x!tpu.dma_semaphore, #tpu.memory_space<semaphore_mem>>
        %dma_wait3A_190 = tpu.memref_squeeze %dma_wait3A_189 : memref<1x!tpu.dma_semaphore, #tpu.memory_space<semaphore_mem>> -> memref<!tpu.dma_semaphore, #tpu.memory_space<semaphore_mem>>
        %dma_wait3A_191 = tpu.memref_slice %arg4[%add3A_181] : memref<640000xi32, #tpu.memory_space<hbm>> -> memref<128xi32, #tpu.memory_space<hbm>>
        %dma_wait3A_192 = arith.constant 0 : i32
        %dma_wait3A_193 = tpu.memref_slice %arg5[%dma_wait3A_182, %dma_wait3A_183, %dma_wait3A_192] : memref<3x2x128xi32, #tpu.memory_space<vmem>> -> memref<1x1x128xi32, #tpu.memory_space<vmem>>
        %dma_wait3A_194 = tpu.memref_squeeze %dma_wait3A_193 : memref<1x1x128xi32, #tpu.memory_space<vmem>> -> memref<128xi32, #tpu.memory_space<vmem>>
        tpu.wait_dma2 semaphore(%dma_wait3A_190 : memref<!tpu.dma_semaphore, #tpu.memory_space<semaphore_mem>>) src(%dma_wait3A_194 : memref<128xi32, #tpu.memory_space<vmem>>) dst(%dma_wait3A_191 : memref<128xi32, #tpu.memory_space<hbm>>)
      } else {
      }
      %add3A_139 = arith.constant 2 : i32
      %add3A_140 = arith.addi %add3A_125, %add3A_139 : i32
      %lt3A_141 = arith.cmpi slt, %add3A_140, %add3A_4 : i32
      %convert_element_type3A_142 = arith.extui %lt3A_141 : i1 to i32
      %cond3A_143 = arith.constant 0 : i32
      %cond3A_144 = arith.cmpi ne, %convert_element_type3A_142, %cond3A_143 : i32
      scf.if %cond3A_144 {
        %add3A_146 = arith.constant 2 : i32
        %add3A_147 = arith.addi %add3A_125, %add3A_146 : i32
        %mul3A_148 = arith.constant 32 : i32
        %mul3A_149 = arith.muli %mul3A_148, %add3A_147 : i32
        %add3A_150 = arith.addi %add3A, %mul3A_149 : i32
        %mul3A_151 = arith.constant 128 : i32
        %mul3A_152 = arith.muli %add3A_150, %mul3A_151 : i32
        %dma_start3A_153 = arith.constant 1 : i32
        %dma_start3A_154 = arith.constant 1 : i32
        %dma_start3A_155 = arith.constant 0 : i32
        %dma_start3A_156 = arith.constant 0 : i32
        %dma_start3A_157 = tpu.memref_slice %arg5[%dma_start3A_153, %dma_start3A_155, %dma_start3A_156] : memref<3x2x128xi32, #tpu.memory_space<vmem>> -> memref<1x2x128xi32, #tpu.memory_space<vmem>>
        %dma_start3A_158 = tpu.memref_squeeze %dma_start3A_157 : memref<1x2x128xi32, #tpu.memory_space<vmem>> -> memref<2x128xi32, #tpu.memory_space<vmem>>
        %dma_start3A_159 = arith.constant 0 : i32
        %dma_start3A_160 = tpu.memref_slice %arg2[%dma_start3A_159, %mul3A_152] : memref<2x320000xi32, #tpu.memory_space<hbm>> -> memref<2x128xi32, #tpu.memory_space<hbm>>
        %dma_start3A_161 = tpu.memref_slice %arg9[%dma_start3A_154] : memref<3x!tpu.dma_semaphore, #tpu.memory_space<semaphore_mem>> -> memref<1x!tpu.dma_semaphore, #tpu.memory_space<semaphore_mem>>
        %dma_start3A_162 = tpu.memref_squeeze %dma_start3A_161 : memref<1x!tpu.dma_semaphore, #tpu.memory_space<semaphore_mem>> -> memref<!tpu.dma_semaphore, #tpu.memory_space<semaphore_mem>>
        %dma_start3A_163 = arith.constant 0 : i32
        %dma_start3A_164 = arith.constant 0 : i32
        %dma_start3A_165 = tpu.memref_slice %arg5[%dma_start3A_153, %dma_start3A_163, %dma_start3A_164] : memref<3x2x128xi32, #tpu.memory_space<vmem>> -> memref<1x2x128xi32, #tpu.memory_space<vmem>>
        %dma_start3A_166 = tpu.memref_squeeze %dma_start3A_165 : memref<1x2x128xi32, #tpu.memory_space<vmem>> -> memref<2x128xi32, #tpu.memory_space<vmem>>
        %dma_start3A_167 = arith.constant 0 : i32
        %dma_start3A_168 = tpu.memref_slice %arg2[%dma_start3A_167, %mul3A_152] : memref<2x320000xi32, #tpu.memory_space<hbm>> -> memref<2x128xi32, #tpu.memory_space<hbm>>
        tpu.enqueue_dma source(%dma_start3A_168 : memref<2x128xi32, #tpu.memory_space<hbm>>) target(%dma_start3A_166 : memref<2x128xi32, #tpu.memory_space<vmem>>) target_semaphore(%dma_start3A_162 : memref<!tpu.dma_semaphore, #tpu.memory_space<semaphore_mem>>)
      } else {
      }
      %scan3A_145 = arith.constant 0 : i32
      scf.yield %scan3A_145 : i32
    }
    %scan3A_70 = arith.constant 27 : i32
    %barrier3A_71 = arith.constant 0 : index
    tpu.barrier barrier_id(%barrier3A_71)
    %scan3A_72 = arith.constant 0 : i32
    %scan3A_73 = arith.constant 0 : i32
    %scan3A_74 = arith.constant 4 : i32
    %scan3A_75 = arith.addi %scan3A_73, %scan3A_74 : i32
    %scan3A_76 = arith.constant 1 : i32
    %scan3A_77 = scf.for %scan3A_79 = %scan3A_73 to %scan3A_75 step %scan3A_76 iter_args(%scan3A_80 = %scan3A_72) -> (i32)  : i32 {
      %mul3A_81 = arith.constant 16 : i32
      %mul3A_82 = arith.muli %mul3A_81, %scan3A_79 : i32
      %add3A_83 = arith.addi %arg1, %mul3A_82 : i32
      %lt3A_84 = arith.constant 50 : i32
      %lt3A_85 = arith.cmpi slt, %add3A_83, %lt3A_84 : i32
      %convert_element_type3A = arith.extui %lt3A_85 : i1 to i32
      %cond3A = arith.constant 0 : i32
      %cond3A_86 = arith.cmpi ne, %convert_element_type3A, %cond3A : i32
      scf.if %cond3A_86 {
        %jit3A_88 = arith.constant 5 : i32
        %div3A = arith.divsi %add3A_83, %jit3A_88 : i32
        %sign3A = arith.constant 0 : i32
        %sign3A_89 = arith.cmpi sgt, %add3A_83, %sign3A : i32
        %sign3A_90 = arith.extui %sign3A_89 : i1 to i32
        %sign3A_91 = arith.constant 0 : i32
        %sign3A_92 = arith.cmpi slt, %add3A_83, %sign3A_91 : i32
        %sign3A_93 = arith.extui %sign3A_92 : i1 to i32
        %sign3A_94 = arith.subi %sign3A_90, %sign3A_93 : i32
        %sign3A_95 = arith.constant 0 : i32
        %sign3A_96 = arith.cmpi sgt, %jit3A_88, %sign3A_95 : i32
        %sign3A_97 = arith.extui %sign3A_96 : i1 to i32
        %sign3A_98 = arith.constant 0 : i32
        %sign3A_99 = arith.cmpi slt, %jit3A_88, %sign3A_98 : i32
        %sign3A_100 = arith.extui %sign3A_99 : i1 to i32
        %sign3A_101 = arith.subi %sign3A_97, %sign3A_100 : i32
        %ne3A = arith.cmpi ne, %sign3A_94, %sign3A_101 : i32
        %rem3A = arith.remsi %add3A_83, %jit3A_88 : i32
        %ne3A_102 = arith.constant 0 : i32
        %ne3A_103 = arith.cmpi ne, %rem3A, %ne3A_102 : i32
        %and3A = arith.andi %ne3A, %ne3A_103 : i1
        %sub3A = arith.constant 1 : i32
        %sub3A_104 = arith.subi %div3A, %sub3A : i32
        %select_n3A_105 = arith.select %and3A, %sub3A_104, %div3A : i32
        %mul3A_106 = arith.constant 2048 : i32
        %mul3A_107 = arith.muli %select_n3A_105, %mul3A_106 : i32
        %mul3A_108 = arith.constant 1024 : i32
        %mul3A_109 = arith.muli %arg0, %mul3A_108 : i32
        %add3A_110 = arith.addi %mul3A_107, %mul3A_109 : i32
        %jit3A_111 = arith.constant 5 : i32
        %eq3A = arith.constant 0 : i32
        %eq3A_112 = arith.cmpi eq, %jit3A_111, %eq3A : i32
        %jit3A_113 = arith.constant 1 : i32
        %select_n3A_114 = arith.select %eq3A_112, %jit3A_113, %jit3A_111 : i32
        %rem3A_115 = arith.remsi %add3A_83, %select_n3A_114 : i32
        %ne3A_116 = arith.constant 0 : i32
        %ne3A_117 = arith.cmpi ne, %rem3A_115, %ne3A_116 : i32
        %lt3A_118 = arith.constant 0 : i32
        %lt3A_119 = arith.cmpi slt, %rem3A_115, %lt3A_118 : i32
        %lt3A_120 = arith.constant 0 : i32
        %lt3A_121 = arith.cmpi slt, %select_n3A_114, %lt3A_120 : i32
        %ne3A_122 = arith.xori %lt3A_119, %lt3A_121 : i1
        %and3A_123 = arith.andi %ne3A_122, %ne3A_117 : i1
        %add3A_124 = arith.addi %rem3A_115, %select_n3A_114 : i32
        %select_n3A_125 = arith.select %and3A_123, %add3A_124, %rem3A_115 : i32
        %mul3A_126 = arith.constant 200 : i32
        %mul3A_127 = arith.muli %select_n3A_125, %mul3A_126 : i32
        %add3A_128 = arith.addi %add3A_110, %mul3A_127 : i32
        %mul3A_129 = arith.constant 200 : i32
        %mul3A_130 = arith.muli %add3A_83, %mul3A_129 : i32
        "tpu.region"() ({
          %run_scoped3A = tpu.sem_alloc : memref<!tpu.dma_semaphore, #tpu.memory_space<semaphore_mem>>
          %dma_start3A_131 = arith.constant 0 : i32
          %dma_start3A_132 = tpu.memref_slice %arg7[%dma_start3A_131] : memref<208xf32, #tpu.memory_space<vmem>> -> memref<200xf32, #tpu.memory_space<vmem>>
          %dma_start3A_133 = tpu.memref_slice %arg8[%mul3A_130] : memref<10000xf32, #tpu.memory_space<vmem_shared>> -> memref<200xf32, #tpu.memory_space<vmem_shared>>
          %dma_start3A_134 = arith.constant 0 : i32
          %dma_start3A_135 = tpu.memref_slice %arg7[%dma_start3A_134] : memref<208xf32, #tpu.memory_space<vmem>> -> memref<200xf32, #tpu.memory_space<vmem>>
          %dma_start3A_136 = tpu.memref_slice %arg8[%mul3A_130] : memref<10000xf32, #tpu.memory_space<vmem_shared>> -> memref<200xf32, #tpu.memory_space<vmem_shared>>
          tpu.enqueue_dma source(%dma_start3A_136 : memref<200xf32, #tpu.memory_space<vmem_shared>>) target(%dma_start3A_135 : memref<200xf32, #tpu.memory_space<vmem>>) target_semaphore(%run_scoped3A : memref<!tpu.dma_semaphore, #tpu.memory_space<semaphore_mem>>)
          %dma_wait3A = arith.constant 0 : i32
          %dma_wait3A_137 = tpu.memref_slice %arg7[%dma_wait3A] : memref<208xf32, #tpu.memory_space<vmem>> -> memref<200xf32, #tpu.memory_space<vmem>>
          %dma_wait3A_138 = tpu.memref_slice %arg8[%mul3A_130] : memref<10000xf32, #tpu.memory_space<vmem_shared>> -> memref<200xf32, #tpu.memory_space<vmem_shared>>
          %dma_wait3A_139 = arith.constant 0 : i32
          %dma_wait3A_140 = tpu.memref_slice %arg7[%dma_wait3A_139] : memref<208xf32, #tpu.memory_space<vmem>> -> memref<200xf32, #tpu.memory_space<vmem>>
          %dma_wait3A_141 = tpu.memref_slice %arg8[%mul3A_130] : memref<10000xf32, #tpu.memory_space<vmem_shared>> -> memref<200xf32, #tpu.memory_space<vmem_shared>>
          tpu.wait_dma2 semaphore(%run_scoped3A : memref<!tpu.dma_semaphore, #tpu.memory_space<semaphore_mem>>) src(%dma_wait3A_141 : memref<200xf32, #tpu.memory_space<vmem_shared>>) dst(%dma_wait3A_140 : memref<200xf32, #tpu.memory_space<vmem>>)
          tpu.yield
        }) : () -> ()
        "tpu.region"() ({
          %run_scoped3A = tpu.sem_alloc : memref<!tpu.dma_semaphore, #tpu.memory_space<semaphore_mem>>
          %dma_start3A_131 = arith.constant 0 : i32
          %dma_start3A_132 = tpu.memref_slice %arg7[%dma_start3A_131] : memref<208xf32, #tpu.memory_space<vmem>> -> memref<200xf32, #tpu.memory_space<vmem>>
          %dma_start3A_133 = tpu.memref_slice %arg3[%add3A_128] : memref<20480xf32, #tpu.memory_space<hbm>> -> memref<200xf32, #tpu.memory_space<hbm>>
          %dma_start3A_134 = tpu.memref_slice %arg3[%add3A_128] : memref<20480xf32, #tpu.memory_space<hbm>> -> memref<200xf32, #tpu.memory_space<hbm>>
          %dma_start3A_135 = arith.constant 0 : i32
          %dma_start3A_136 = tpu.memref_slice %arg7[%dma_start3A_135] : memref<208xf32, #tpu.memory_space<vmem>> -> memref<200xf32, #tpu.memory_space<vmem>>
          tpu.enqueue_dma source(%dma_start3A_136 : memref<200xf32, #tpu.memory_space<vmem>>) target(%dma_start3A_134 : memref<200xf32, #tpu.memory_space<hbm>>) target_semaphore(%run_scoped3A : memref<!tpu.dma_semaphore, #tpu.memory_space<semaphore_mem>>)
          %dma_wait3A = arith.constant 0 : i32
          %dma_wait3A_137 = tpu.memref_slice %arg7[%dma_wait3A] : memref<208xf32, #tpu.memory_space<vmem>> -> memref<200xf32, #tpu.memory_space<vmem>>
          %dma_wait3A_138 = tpu.memref_slice %arg3[%add3A_128] : memref<20480xf32, #tpu.memory_space<hbm>> -> memref<200xf32, #tpu.memory_space<hbm>>
          %dma_wait3A_139 = tpu.memref_slice %arg3[%add3A_128] : memref<20480xf32, #tpu.memory_space<hbm>> -> memref<200xf32, #tpu.memory_space<hbm>>
          %dma_wait3A_140 = arith.constant 0 : i32
          %dma_wait3A_141 = tpu.memref_slice %arg7[%dma_wait3A_140] : memref<208xf32, #tpu.memory_space<vmem>> -> memref<200xf32, #tpu.memory_space<vmem>>
          tpu.wait_dma2 semaphore(%run_scoped3A : memref<!tpu.dma_semaphore, #tpu.memory_space<semaphore_mem>>) src(%dma_wait3A_141 : memref<200xf32, #tpu.memory_space<vmem>>) dst(%dma_wait3A_139 : memref<200xf32, #tpu.memory_space<hbm>>)
          tpu.yield
        }) : () -> ()
      } else {
      }
      %scan3A_87 = arith.constant 0 : i32
      scf.yield %scan3A_87 : i32
    }
    %scan3A_78 = arith.constant 4 : i32
    return
  }
}

module attributes {stable_mosaic.version = 14 : i64} {
  func.func @_tc_finish_body(%arg0: i32, %arg1: memref<20480xf32, #tpu.memory_space<any>>, %arg2: memref<2x1000x128xf32, #tpu.memory_space<vmem>>, %arg3: memref<1x128xf32, #tpu.memory_space<vmem>>, %arg4: memref<1000x128xf32, #tpu.memory_space<vmem>>, %arg5: memref<1024xf32, #tpu.memory_space<vmem>>, %arg6: memref<1024xf32, #tpu.memory_space<vmem>>, %arg7: memref<!tpu.dma_semaphore, #tpu.memory_space<semaphore_mem>>, %arg8: memref<!tpu.dma_semaphore, #tpu.memory_space<semaphore_mem>>) attributes {dimension_semantics = [#tpu.dimension_semantics<arbitrary>], iteration_bounds = array<i64: 10>, scalar_prefetch = 0 : i64, scratch_operands = 4 : i64, tpu.core_type = #tpu.core_type<tc>, window_params = [{}, {transform_indices = @transform_1, window_bounds = array<i64: 2, 1000, 128>}, {pipeline_mode = #tpu.pipeline_mode<synchronous>, transform_indices = @transform_2, window_bounds = array<i64: 1, 128>}, {transform_indices = @transform_3, window_bounds = array<i64: 1000, 128>}]} {
    %mul3A = arith.constant 2048 : i32
    %mul3A_0 = arith.muli %arg0, %mul3A : i32
    %mul3A_1 = arith.constant 2048 : i32
    %mul3A_2 = arith.muli %arg0, %mul3A_1 : i32
    %add3A = arith.constant 1024 : i32
    %add3A_3 = arith.addi %mul3A_2, %add3A : i32
    %dma_start3A = tpu.memref_slice %arg1[%mul3A_0] : memref<20480xf32, #tpu.memory_space<any>> -> memref<1024xf32, #tpu.memory_space<any>>
    tpu.enqueue_dma source(%dma_start3A : memref<1024xf32, #tpu.memory_space<any>>) target(%arg5 : memref<1024xf32, #tpu.memory_space<vmem>>) target_semaphore(%arg7 : memref<!tpu.dma_semaphore, #tpu.memory_space<semaphore_mem>>)
    %dma_start3A_4 = tpu.memref_slice %arg1[%add3A_3] : memref<20480xf32, #tpu.memory_space<any>> -> memref<1024xf32, #tpu.memory_space<any>>
    tpu.enqueue_dma source(%dma_start3A_4 : memref<1024xf32, #tpu.memory_space<any>>) target(%arg6 : memref<1024xf32, #tpu.memory_space<vmem>>) target_semaphore(%arg8 : memref<!tpu.dma_semaphore, #tpu.memory_space<semaphore_mem>>)
    %dma_wait3A = tpu.memref_slice %arg1[%mul3A_0] : memref<20480xf32, #tpu.memory_space<any>> -> memref<1024xf32, #tpu.memory_space<any>>
    tpu.wait_dma2 semaphore(%arg7 : memref<!tpu.dma_semaphore, #tpu.memory_space<semaphore_mem>>) src(%dma_wait3A : memref<1024xf32, #tpu.memory_space<any>>) dst(%arg5 : memref<1024xf32, #tpu.memory_space<vmem>>)
    %dma_wait3A_5 = tpu.memref_slice %arg1[%add3A_3] : memref<20480xf32, #tpu.memory_space<any>> -> memref<1024xf32, #tpu.memory_space<any>>
    tpu.wait_dma2 semaphore(%arg8 : memref<!tpu.dma_semaphore, #tpu.memory_space<semaphore_mem>>) src(%dma_wait3A_5 : memref<1024xf32, #tpu.memory_space<any>>) dst(%arg6 : memref<1024xf32, #tpu.memory_space<vmem>>)
    %get3A = arith.constant 0 : index
    %get3A_6 = vector.load %arg5[%get3A] : memref<1024xf32, #tpu.memory_space<vmem>>, vector<1024xf32>
    %get3A_7 = arith.constant 0 : index
    %get3A_8 = vector.load %arg6[%get3A_7] : memref<1024xf32, #tpu.memory_space<vmem>>, vector<1024xf32>
    %add3A_9 = arith.addf %get3A_6, %get3A_8 : vector<1024xf32>
    %max3A = arith.constant 1.000000e+00 : f32
    %max3A_10 = vector.broadcast %max3A : f32 to vector<1024xf32>
    %max3A_11 = arith.maximumf %add3A_9, %max3A_10 : vector<1024xf32>
    %rsqrt3A = math.rsqrt %max3A_11 : vector<1024xf32>
    %slice3A = vector.extract_strided_slice %rsqrt3A {offsets = [0], sizes = [1000], strides = [1]} : vector<1024xf32> to vector<1000xf32>
    %reshape3A = vector.shape_cast %slice3A : vector<1000xf32> to vector<1000x1xf32>
    %get3A_12 = arith.constant 0 : index
    %get3A_13 = arith.constant 0 : index
    %get3A_14 = arith.constant 0 : index
    %get3A_15 = vector.load %arg2[%get3A_12, %get3A_13, %get3A_14] : memref<2x1000x128xf32, #tpu.memory_space<vmem>>, vector<1x1000x128xf32>
    %get3A_16 = vector.shape_cast %get3A_15 : vector<1x1000x128xf32> to vector<1000x128xf32>
    %get3A_17 = arith.constant 1 : index
    %get3A_18 = arith.constant 0 : index
    %get3A_19 = arith.constant 0 : index
    %get3A_20 = vector.load %arg2[%get3A_17, %get3A_18, %get3A_19] : memref<2x1000x128xf32, #tpu.memory_space<vmem>>, vector<1x1000x128xf32>
    %get3A_21 = vector.shape_cast %get3A_20 : vector<1x1000x128xf32> to vector<1000x128xf32>
    %add3A_22 = arith.addf %get3A_16, %get3A_21 : vector<1000x128xf32>
    %mul3A_23 = vector.broadcast %reshape3A : vector<1000x1xf32> to vector<1000x128xf32>
    %mul3A_24 = arith.mulf %add3A_22, %mul3A_23 : vector<1000x128xf32>
    %get3A_25 = arith.constant 0 : index
    %get3A_26 = arith.constant 0 : index
    %get3A_27 = vector.load %arg3[%get3A_25, %get3A_26] : memref<1x128xf32, #tpu.memory_space<vmem>>, vector<1x128xf32>
    %add3A_28 = vector.broadcast %get3A_27 : vector<1x128xf32> to vector<1000x128xf32>
    %add3A_29 = arith.addf %mul3A_24, %add3A_28 : vector<1000x128xf32>
    %max3A_30 = arith.constant 0.000000e+00 : f32
    %max3A_31 = vector.broadcast %max3A_30 : f32 to vector<1000x128xf32>
    %max3A_32 = arith.maximumf %add3A_29, %max3A_31 : vector<1000x128xf32>
    %swap3A = arith.constant 0 : index
    %swap3A_33 = arith.constant 0 : index
    %swap3A_34 = vector.load %arg4[%swap3A, %swap3A_33] : memref<1000x128xf32, #tpu.memory_space<vmem>>, vector<1000x128xf32>
    tpu.vector_store %arg4[%swap3A, %swap3A_33], %max3A_32 {strides = array<i32>} : memref<1000x128xf32, #tpu.memory_space<vmem>>, vector<1000x128xf32>,
    return
  }
  func.func @transform_1(%arg0: i32) -> (i32, i32, i32) {
    %c0_i32 = arith.constant 0 : i32
    %c0_i32_0 = arith.constant 0 : i32
    %c0_i32_1 = arith.constant 0 : i32
    return %c0_i32, %arg0, %c0_i32_0 : i32, i32, i32
  }
  func.func @transform_2(%arg0: i32) -> (i32, i32) {
    %c0_i32 = arith.constant 0 : i32
    %c0_i32_0 = arith.constant 0 : i32
    %c0_i32_1 = arith.constant 0 : i32
    return %c0_i32, %c0_i32_0 : i32, i32
  }
  func.func @transform_3(%arg0: i32) -> (i32, i32) {
    %c0_i32 = arith.constant 0 : i32
    %c0_i32_0 = arith.constant 0 : i32
    return %arg0, %c0_i32 : i32, i32
  }
}

module attributes {stable_mosaic.version = 14 : i64} {
  func.func @_tc_scale_mm_body(%arg0: i32, %arg1: memref<20480xf32, #tpu.memory_space<any>>, %arg2: memref<1000x128xf32, #tpu.memory_space<vmem>>, %arg3: memref<128x128xf32, #tpu.memory_space<vmem>>, %arg4: memref<1000x128xf32, #tpu.memory_space<vmem>>, %arg5: memref<1024xf32, #tpu.memory_space<vmem>>, %arg6: memref<1024xf32, #tpu.memory_space<vmem>>, %arg7: memref<!tpu.dma_semaphore, #tpu.memory_space<semaphore_mem>>, %arg8: memref<!tpu.dma_semaphore, #tpu.memory_space<semaphore_mem>>) attributes {dimension_semantics = [#tpu.dimension_semantics<arbitrary>], iteration_bounds = array<i64: 10>, scalar_prefetch = 0 : i64, scratch_operands = 4 : i64, tpu.core_type = #tpu.core_type<tc>, window_params = [{}, {transform_indices = @transform_1, window_bounds = array<i64: 1000, 128>}, {pipeline_mode = #tpu.pipeline_mode<synchronous>, transform_indices = @transform_2, window_bounds = array<i64: 128, 128>}, {transform_indices = @transform_3, window_bounds = array<i64: 1000, 128>}]} {
    %mul3A = arith.constant 2048 : i32
    %mul3A_0 = arith.muli %arg0, %mul3A : i32
    %mul3A_1 = arith.constant 2048 : i32
    %mul3A_2 = arith.muli %arg0, %mul3A_1 : i32
    %add3A = arith.constant 1024 : i32
    %add3A_3 = arith.addi %mul3A_2, %add3A : i32
    %dma_start3A = tpu.memref_slice %arg1[%mul3A_0] : memref<20480xf32, #tpu.memory_space<any>> -> memref<1024xf32, #tpu.memory_space<any>>
    tpu.enqueue_dma source(%dma_start3A : memref<1024xf32, #tpu.memory_space<any>>) target(%arg5 : memref<1024xf32, #tpu.memory_space<vmem>>) target_semaphore(%arg7 : memref<!tpu.dma_semaphore, #tpu.memory_space<semaphore_mem>>)
    %dma_start3A_4 = tpu.memref_slice %arg1[%add3A_3] : memref<20480xf32, #tpu.memory_space<any>> -> memref<1024xf32, #tpu.memory_space<any>>
    tpu.enqueue_dma source(%dma_start3A_4 : memref<1024xf32, #tpu.memory_space<any>>) target(%arg6 : memref<1024xf32, #tpu.memory_space<vmem>>) target_semaphore(%arg8 : memref<!tpu.dma_semaphore, #tpu.memory_space<semaphore_mem>>)
    %dma_wait3A = tpu.memref_slice %arg1[%mul3A_0] : memref<20480xf32, #tpu.memory_space<any>> -> memref<1024xf32, #tpu.memory_space<any>>
    tpu.wait_dma2 semaphore(%arg7 : memref<!tpu.dma_semaphore, #tpu.memory_space<semaphore_mem>>) src(%dma_wait3A : memref<1024xf32, #tpu.memory_space<any>>) dst(%arg5 : memref<1024xf32, #tpu.memory_space<vmem>>)
    %dma_wait3A_5 = tpu.memref_slice %arg1[%add3A_3] : memref<20480xf32, #tpu.memory_space<any>> -> memref<1024xf32, #tpu.memory_space<any>>
    tpu.wait_dma2 semaphore(%arg8 : memref<!tpu.dma_semaphore, #tpu.memory_space<semaphore_mem>>) src(%dma_wait3A_5 : memref<1024xf32, #tpu.memory_space<any>>) dst(%arg6 : memref<1024xf32, #tpu.memory_space<vmem>>)
    %get3A = arith.constant 0 : index
    %get3A_6 = vector.load %arg5[%get3A] : memref<1024xf32, #tpu.memory_space<vmem>>, vector<1024xf32>
    %get3A_7 = arith.constant 0 : index
    %get3A_8 = vector.load %arg6[%get3A_7] : memref<1024xf32, #tpu.memory_space<vmem>>, vector<1024xf32>
    %add3A_9 = arith.addf %get3A_6, %get3A_8 : vector<1024xf32>
    %max3A = arith.constant 1.000000e+00 : f32
    %max3A_10 = vector.broadcast %max3A : f32 to vector<1024xf32>
    %max3A_11 = arith.maximumf %add3A_9, %max3A_10 : vector<1024xf32>
    %rsqrt3A = math.rsqrt %max3A_11 : vector<1024xf32>
    %slice3A = vector.extract_strided_slice %rsqrt3A {offsets = [0], sizes = [1000], strides = [1]} : vector<1024xf32> to vector<1000xf32>
    %reshape3A = vector.shape_cast %slice3A : vector<1000xf32> to vector<1000x1xf32>
    %get3A_12 = arith.constant 0 : index
    %get3A_13 = arith.constant 0 : index
    %get3A_14 = vector.load %arg2[%get3A_12, %get3A_13] : memref<1000x128xf32, #tpu.memory_space<vmem>>, vector<1000x128xf32>
    %mul3A_15 = vector.broadcast %reshape3A : vector<1000x1xf32> to vector<1000x128xf32>
    %mul3A_16 = arith.mulf %get3A_14, %mul3A_15 : vector<1000x128xf32>
    %get3A_17 = arith.constant 0 : index
    %get3A_18 = arith.constant 0 : index
    %get3A_19 = vector.load %arg3[%get3A_17, %get3A_18] : memref<128x128xf32, #tpu.memory_space<vmem>>, vector<128x128xf32>
    %dot_general3A = arith.constant dense<0.000000e+00> : vector<1000x128xf32>
    %dot_general3A_20 = tpu.matmul %mul3A_16, %get3A_19, %dot_general3A {dimension_numbers = #tpu.dot_dimension_numbers<[1], [0], [0], [1], [0, 0, 1, 1], [], []>, transpose_lhs_hint = false} : vector<1000x128xf32>, vector<128x128xf32>, vector<1000x128xf32> -> vector<1000x128xf32>
    %swap3A = arith.constant 0 : index
    %swap3A_21 = arith.constant 0 : index
    %swap3A_22 = vector.load %arg4[%swap3A, %swap3A_21] : memref<1000x128xf32, #tpu.memory_space<vmem>>, vector<1000x128xf32>
    tpu.vector_store %arg4[%swap3A, %swap3A_21], %dot_general3A_20 {strides = array<i32>} : memref<1000x128xf32, #tpu.memory_space<vmem>>, vector<1000x128xf32>,
    return
  }
  func.func @transform_1(%arg0: i32) -> (i32, i32) {
    %c0_i32 = arith.constant 0 : i32
    %c0_i32_0 = arith.constant 0 : i32
    return %arg0, %c0_i32 : i32, i32
  }
  func.func @transform_2(%arg0: i32) -> (i32, i32) {
    %c0_i32 = arith.constant 0 : i32
    %c0_i32_0 = arith.constant 0 : i32
    %c0_i32_1 = arith.constant 0 : i32
    return %c0_i32, %c0_i32_0 : i32, i32
  }
  func.func @transform_3(%arg0: i32) -> (i32, i32) {
    %c0_i32 = arith.constant 0 : i32
    %c0_i32_0 = arith.constant 0 : i32
    return %arg0, %c0_i32 : i32, i32
  }
}

</mosaic_0001>

<sc_bundles>
// kernel: kernel.6.cloned.1.call-start
scs
__scs_entry_jumppad:
0x0: {  	(pc) =	sbr.rel $0x88, $3  }
0x1: {  	(tag) =	ssettag $0x0;
	lr =	simm.s32 $0x1  }
0x2: {  	[smem:$0x3F9D] =	sst lr;
	_ =	strace $0xD0000000  }
0x3: {  	_ = 	snop  }
0x4: {  	_ = 	snop  }
0x5: {  	_ = 	snop  }
0x6: {  	_ = 	snop  }
0x7: {  	_ = 	snop  }
__scs_overlays_trampoline_lowered:
0x8: {  	[smem:$0x3FAC] =	sst s0  }
0x9: {  	[smem:$0x3FAD] =	sst s1  }
0xa: {  	[smem:$0x3FAE] =	sst s2  }
0xb: {  	[smem:$0x3FAF] =	sst s3  }
0xc: {  	[smem:$0x3FB0] =	sst s4  }
0xd: {  	[smem:$0x3FB1] =	sst s5  }
0xe: {  	[smem:$0x3FB2] =	sst s6  }
0xf: {  	[smem:$0x3FB3] =	sst s7  }
0x10: {  	[smem:$0x3FB4] =	sst s8  }
0x11: {  	[smem:$0x3FB5] =	sst s9;
	s0 =	simm.s32 @!p0 $0x0  }
0x12: {  	s1 =	sld [smem:$0x3F9B];
	s0 =	simm.s32 @p0 $0x1  }
0x13: {  	[smem:$0x3FB6] =	sst s0;
	s0 =	simm.s32 @!p1 $0x0  }
0x14: {  	s2 =	sld [smem:$0x3F9A];
	s0 =	simm.s32 @p1 $0x1  }
0x15: {  	[smem:$0x3FB7] =	sst s0;
	s0 =	simm.s32 @!p2 $0x0  }
0x16: {  	s3 =	sld [smem:$0x3FDB];
	s0 =	simm.s32 @p2 $0x1  }
0x17: {  	s4 =	simm.s32 $0x1BF5;
	[smem:$0x3FB9] =	sst s0  }
0x18: {  	s0 =	sld [smem:$0x3F9C];
	_ =	swait.ge [sflag:s4], $0x0  }
0x19: {  	s7 =	sld [smem:$0x3F9D]  }
0x1a: {  	s8 =	sadd.s32 $0xFFFFE003, lr  }
0x1b: {  	s9 =	sadd.s32 $0xFFFFFEF7, lr;
	s5 =	simm.s32 $0xFFFFFFFF;
	p2 =	slt.u32 s8, $0xFFFFF086  }
0x1c: {  	p1 =	slt.u32 s9, $0xF7A;
	s5 =	simm.s32 @!p2 $0x0  }
0x1d: {  	s5 =	simm.s32 @p1 $0x1;
	p0 =	seq.s32 s7, s2  }
0x1e: {  	s7 =	smul.u32 @!p0 $0xF7A, s2;
	p2 =	seq.s32 @!p0 s5, $0x0  }
0x1f: {  	s9 =	smul.u32 $0xF7A, s1;
	s8 =	simm.s32 @!p0 $0x1BF5;
	p2 =	por !p2, p0  }
0x20: {  	[sflag:s8] =	ssyncset.s32 @!p0 $0xFFFFF086;
	s6 =	sadd.s32 @!p0 s3, s7;
	s7 =	simm.s32 @!p0 $0x108  }
0x21: {  	s3 =	sadd.s32 s3, s9;
	s6 =	sadd.s32 @!p0 $0x88, s6;
	s7 =	simm.s32 @p2 $0x1082  }
0x22: {  	[simem:s7], [sflag:s8] =	dma.local @!p0 [hbm:s6], $0xF7A  }
0x23: {  	s9 =	sor.u32 $0xD0000000, s2;
	s6 =	simm.s32 $0x108;
	_ =	swait.ge @!p0 [sflag:s8], $0x0  }
0x24: {  	s3 =	sadd.s32 $0x88, s3;
	s6 =	simm.s32 @!p1 $0x1082;
	[sflag:s4] =	ssyncset.s32 $0xFFFFF086  }
0x25: {  	[simem:s6], [sflag:s4] =	dma.local [hbm:s3], $0xF7A  }
0x26: {  	[smem:$0x3F9D] =	sst s1;
	(tag) =	ssettag s2;
	_ =	strace s9  }
0x27: {  	s1 =	sld [smem:$0x3FAD]  }
0x28: {  	s2 =	sld [smem:$0x3FAE]  }
0x29: {  	s4 =	sld [smem:$0x3FB0]  }
0x2a: {  	p0 =	seq.s32 s5, $0x0;
	s5 =	sld [smem:$0x3FB1]  }
0x2b: {  	s6 =	sld [smem:$0x3FB2]  }
0x2c: {  	s7 =	sld [smem:$0x3FB3]  }
0x2d: {  	s3 =	simm.s32 $0x108;
	s8 =	sld [smem:$0x3FB4]  }
0x2e: {  	s3 =	simm.s32 @!p0 $0x1082;
	s9 =	sld [smem:$0x3FB5]  }
0x2f: {  	lr =	sadd.s32 s0, s3;
	s0 =	sld [smem:$0x3FAC]  }
0x30: {  	s3 =	sld [smem:$0x3FAF]  }
0x31: {  	[smem:$0x3FB8] =	sst s10  }
0x32: {  	s10 =	sld [smem:$0x3FB6];
	_ =	sdelay $0x3  }
0x33: {  	p0 =	seq.s32 s10, $0x1;
	s10 =	sld [smem:$0x3FB8];
	_ =	sdelay $0x3  }
0x34: {  	[smem:$0x3FB8] =	sst s10  }
0x35: {  	s10 =	sld [smem:$0x3FB7];
	_ =	sdelay $0x3  }
0x36: {  	p1 =	seq.s32 s10, $0x1;
	s10 =	sld [smem:$0x3FB8];
	_ =	sdelay $0x3  }
0x37: {  	[smem:$0x3FB8] =	sst s10  }
0x38: {  	s10 =	sld [smem:$0x3FB9]  }
0x39: {  	_ = 	snop;
	(pc) =	sbr.ind lr, $3  }
0x3a: {  	_ = 	snop  }
0x3b: {  	_ = 	snop  }
0x3c: {  	p2 =	seq.s32 s10, $0x1;
	s10 =	sld [smem:$0x3FB8]  }
0x3d: {  	_ =	shalt  }
0x3e: {  	_ =	shalt  }
0x3f: {  	_ =	shalt  }
0x40: {  	_ =	shalt  }
0x41: {  	_ =	shalt  }
0x42: {  	_ =	shalt  }
0x43: {  	_ =	shalt  }
0x44: {  	_ =	shalt  }
0x45: {  	_ =	shalt  }
0x46: {  	_ =	shalt  }
0x47: {  	_ =	shalt  }
0x48: {  	_ =	shalt  }
0x49: {  	_ =	shalt  }
0x4a: {  	_ =	shalt  }
0x4b: {  	_ =	shalt  }
0x4c: {  	_ =	shalt  }
0x4d: {  	_ =	shalt  }
0x4e: {  	_ =	shalt  }
0x4f: {  	_ =	shalt  }
0x50: {  	_ =	shalt  }
0x51: {  	_ =	shalt  }
0x52: {  	_ =	shalt  }
0x53: {  	_ =	shalt  }
0x54: {  	_ =	shalt  }
0x55: {  	_ =	shalt  }
0x56: {  	_ =	shalt  }
0x57: {  	_ =	shalt  }
0x58: {  	_ =	shalt  }
0x59: {  	_ =	shalt  }
0x5a: {  	_ =	shalt  }
0x5b: {  	_ =	shalt  }
0x5c: {  	_ =	shalt  }
0x5d: {  	_ =	shalt  }
0x5e: {  	_ =	shalt  }
0x5f: {  	_ =	shalt  }
0x60: {  	_ =	shalt  }
0x61: {  	_ =	shalt  }
0x62: {  	_ =	shalt  }
0x63: {  	_ =	shalt  }
0x64: {  	_ =	shalt  }
0x65: {  	_ =	shalt  }
0x66: {  	_ =	shalt  }
0x67: {  	_ =	shalt  }
0x68: {  	_ =	shalt  }
0x69: {  	_ =	shalt  }
0x6a: {  	_ =	shalt  }
0x6b: {  	_ =	shalt  }
0x6c: {  	_ =	shalt  }
0x6d: {  	_ =	shalt  }
0x6e: {  	_ =	shalt  }
0x6f: {  	_ =	shalt  }
0x70: {  	_ =	shalt  }
0x71: {  	_ =	shalt  }
0x72: {  	_ =	shalt  }
0x73: {  	_ =	shalt  }
0x74: {  	_ =	shalt  }
0x75: {  	_ =	shalt  }
0x76: {  	_ =	shalt  }
0x77: {  	_ =	shalt  }
0x78: {  	_ =	shalt  }
0x79: {  	_ =	shalt  }
0x7a: {  	_ =	shalt  }
0x7b: {  	_ =	shalt  }
0x7c: {  	_ =	shalt  }
0x7d: {  	_ =	shalt  }
0x7e: {  	_ =	shalt  }
0x7f: {  	_ =	shalt  }
0x80: {  	_ =	shalt  }
0x81: {  	_ =	shalt  }
0x82: {  	_ =	shalt  }
0x83: {  	_ =	shalt  }
0x84: {  	_ =	shalt  }
0x85: {  	_ =	shalt  }
0x86: {  	_ =	shalt  }
0x87: {  	_ =	shalt  }
.Lfunc_end0:
.L_simem_size_0:
called_computation_lowered:
.L_overlay_start_0:
0x88: {  	s2 =	sld [smem:$0x3FD9]  }
0x89: {  	s3 =	sld [smem:$0x3FFE];
	_ =	sdelay $0x1  }
0x8a: {  	s1 =	srdreg.scid  }
0x8b: {  	s0 =	sand.u32 $0x1, s1  }
0x8c: {  	s17 =	sshll.u32 s0, $0xA;
	s2 =	sadd.s32 s3, s2  }
0x8d: {  	s2 =	sadd.s32 s2, s17  }
0x8e: {  	[smem:$0x3FC4] =	sst s2  }
0x8f: {  	_ = 	snop  }
0x90: {  	s2 =	sld [smem:$0x3FC8]  }
0x91: {  	s18 =	sld [smem:$0x3FD0];
	(tm) =	ssettm $0x1  }
0x92: {  	s4 =	sld [smem:$0x3FFB];
	_ =	sdelay $0x3  }
0x93: {  	_ =	strace s4  }
0x94: {  	s4 =	sld [smem:$0x3FFC];
	_ =	sdelay $0x3  }
0x95: {  	_ =	strace s4  }
0x96: {  	s4 =	sld [smem:$0x3FFD];
	_ =	sdelay $0x3  }
0x97: {  	_ =	strace s4  }
0x98: {  	_ =	strace $0x8FFFFFFF  }
0x99: {  	s19 =	sld [smem:$0x3FDB];
	_ =	sdelay $0x1  }
0x9a: {  	s5 =	simm.s32 $_scs_section_size  }
0x9b: {  	s6 =	simm.s32 $_size__tile_overlayer_lowered;
	s7 =	simm.s32 $_tile_overlayer_lowered  }
0x9c: {  	s22 =	simm.s32 $0x1BFF;
	s21 =	sshll.u32 s7, $0x1;
	s4 =	sadd.s32 s5, s19  }
0x9d: {  	s8 =	simm.s32 $0x0;
	s20 =	sshll.u32 s6, $0x1;
	s6 =	sadd.s32 s21, s4  }
0x9e: {  	[timem:s8], [sflag:s22] =	dma.local [hbm:s6], s20  }
0x9f: {  	_ =	swait.ge [sflag:s22], s20  }
0xa0: {  	s5 =	ssub.s32 $0x0, s20;
	[sflag:s22] =	ssyncset.done $0x0  }
0xa1: {  	[sflag:s22] =	ssyncadd.s32 s5;
	_ =	sdelay $0x1  }
0xa2: {  	s23 =	simm.s32 $0x1B8B  }
0xa3: {  	_ =	swait.ge [sflag:s23], $0x1  }
0xa4: {  	[sflag:s23] =	ssyncset.done $0x0  }
0xa5: {  	s25 =	simm.s32 $0x1B8E;
	s24 =	sld [smem:$0x3FFE];
	[sflag:s23] =	ssyncadd.s32 $0xFFFFFFFF  }
0xa6: {  	s26 =	simm.s32 $execute0_lowered;
	[smem:$0x3FD2] =	sst s25  }
0xa7: {  	s6 =	sshll.u32 s26, $0x1;
	_ =	strace $0x80000046;
	[dreg:$0x1] =	wrdreg $0xFFFFFFFF  }
0xa8: {  	s28 =	simm.s32 $_size_execute0_lowered;
	s4 =	sadd.s32 s4, s6;
	[dreg:$0x0] =	wrdreg $0x0  }
0xa9: {  	s6 =	sshll.u32 s28, $0x1;
	[dreg:$0x2] =	wrdreg s4  }
0xaa: {  	[dreg:$0x3] =	wrdreg s6  }
0xab: {  	[dreg:$0x4] =	wrdreg $0xC0  }
0xac: {  	_ =	task [dreg:s8], $0x5FFFF  }
0xad: {  	[dreg:$0x1] =	wrdreg $0xFFFFFFFF  }
0xae: {  	[dreg:$0x0] =	wrdreg $0x60  }
0xaf: {  	[dreg:$0x2] =	wrdreg s2  }
0xb0: {  	[dreg:$0x3] =	wrdreg s18  }
0xb1: {  	[dreg:$0x4] =	wrdreg s24  }
0xb2: {  	[dreg:$0x5] =	wrdreg $0x4800  }
0xb3: {  	[dreg:$0x6] =	wrdreg $0x9  }
0xb4: {  	_ =	task.clear_ibuf [dreg:s8], $0x7FFFF;
	_ =	strace $0x90000046  }
0xb5: {  	s29 =	simm.s32 $0x9;
	_ =	strace $0x80000048  }
0xb6: {  	_ =	swait.ge [sflag:s29], $0x1  }
0xb7: {  	[sflag:s29] =	ssyncadd.s32 $0xFFFFFFFF  }
0xb8: {  	_ =	strace $0x90000048  }
0xb9: {  	_ =	sfence  }
0xba: {  	s30 =	sld [smem:$0x0];
	_ =	sdelay $0x2  }
0xbb: {  	s31 =	sshll.u32 s1, $0xD;
	s1 =	sshrl.u32 s1, $0x2  }
0xbc: {  	s3 =	sand.u32 $0x4000, s31;
	s1 =	sadd.s32 s1, s30  }
0xbd: {  	s0 =	sor.u32 s3, s0;
	s1 =	sshll.u32 s1, $0x11  }
0xbe: {  	s0 =	sor.u32 s1, s0  }
0xbf: {  	s0 =	sadd.s32 $0x8F2B, s0  }
0xc0: {  	[sflag:s0] =	ssyncadd.remote.s32 $0x1  }
0xc1: {  	_ =	sfence.sel $0xFFFF  }
0xc2: {  	[dreg:$0x0] =	wrdreg $0xFFFFFFFF;
	(pc) =	sbr.abs _section_cstart, $3  }
0xc3: {  	[dreg:$0x1] =	wrdreg $0xFFFFFFFF  }
0xc4: {  	_ =	task.clear_ibuf [dreg:s8], $0x2FFFF;
	_ =	strace $0x9FFFFFFF  }
0xc5: {  	(tm) =	ssettm $0x7FFFFFFF  }
tec
execute0_lowered:
.L_overlay_start_1:
0x0: {  	(tag) =	ssettag $0x1  }
0x1: {  	s14 =	rddreg [dreg:$0x0]  }
0x2: {  	s1 =	rddreg [dreg:$0x1]  }
0x3: {  	s5 =	rddreg [dreg:$0x2]  }
0x4: {  	s2 =	rddreg [dreg:$0x3];
	s3 =	srdreg.scid;
	s0 =	simm.s32 $0x0  }
0x5: {  	s15 =	sand.u32 $0x1, s3;
	[smem:$0x7FF] =	sst s0;
	s3 =	stileid.u32  }
0x6: {  	s16 =	sadd.s32 $0x1E00, s5;
	s5 =	simm.s32 $0x4F;
	s6 =	sshll.u32 s15, $0x4  }
0x7: {  	_ =	strace $0x80000047;
	s7 =	ssub.s32 $0x2, s15;
	s9 =	smul.u32 $0x320, s3  }
0x8: {  	s17 =	sor.u32 $0x30, s3;
	s13 =	sshll.u32 s15, $0x8;
	s4 =	sshll.u32 s3, $0x4  }
0x9: {  	s20 =	sshll.u32 s3, $0x7;
	s22 =	sshll.u32 s3, $0x5;
	s6 =	sor.u32 s3, s6  }
0xa: {  	s8 =	sshrl.u32 s7, $0x1;
	s12 =	smul.u32 $0x320, s17;
	s0 =	sadd.s32 s13, s16  }
0xb: {  	s13 =	sshll.u32 s15, $0xB;
	p0 =	slt.u32 s6, $0x4;
	s6 =	sshll.u32 s6, $0x5  }
0xc: {  	s10 =	ssub.s32 s7, s8;
	s9 =	sshrl.u32 s9, $0x2;
	s8 =	sshll.u32 s15, $0xA  }
0xd: {  	s19 =	sadd.s32 s4, s0;
	s20 =	sor.u32 s20, s13;
	s15 =	sshll.u32 s15, $0x9  }
0xe: {  	s5 =	simm.s32 @!p0 $0x4E;
	s6 =	sadd.s32 s14, s6;
	s9 =	sadd.s32 s9, s2  }
0xf: {  	s10 =	smax.u32 s10, $0x1;
	s18 =	sshrl.u32 s12, $0x2;
	[dreg:$0x5] =	wrdreg s19  }
0x10: {  	s21 =	sadd.s32 $0x4F200, s20;
	s14 =	sadd.s32 s15, s14;
	s24 =	sor.u32 $0x1000, s20  }
0x11: {  	s26 =	sadd.s32 $0x50200, s20;
	s28 =	sor.u32 $0x2000, s20;
	p0 =	sgt.u32 s17, $0x31  }
0x12: {  	s7 =	sadd.s32 $0x400, s6;
	s11 =	sadd.s32 $0xC80, s9;
	s12 =	sadd.s32 $0x1900, s9  }
0x13: {  	s13 =	sadd.s32 s18, s2;
	s18 =	sshrl.u32 s21, $0x3;
	s14 =	sadd.s32 s22, s14  }
0x14: {  	s25 =	sshrl.u32 s24, $0x3;
	s30 =	sshrl.u32 s28, $0x3;
	s23 =	sadd.s32 s18, s16  }
0x15: {  	s15 =	sadd.s32 s25, s16;
	s18 =	sshrl.u32 s26, $0x3;
	[dreg:$0x7] =	wrdreg s23  }
0x16: {  	s14 =	sadd.s32 $0x1000, s14;
	s31 =	sadd.s32 s30, s16;
	[dreg:$0x6] =	wrdreg s15  }
0x17: {  	s29 =	sadd.s32 s18, s16;
	[dreg:$0x8] =	wrdreg s31;
	s15 =	simm.s32 $0x380  }
0x18: {  	v0 =	vimm.f32 $1.000000000e+00;
	v1 =	vimm.f32 $0.0e+00;
	s16 =	simm.s32 $0xD;
	s18 =	simm.s32 $0x0;
	[dreg:$0x9] =	wrdreg s29  }
.LBB2_1:
0x19: {  	[tilespmem:$0x300] =	vst v0  }
0x1a: {  	[tilespmem:$0x310] =	vst v0  }
0x1b: {  	[tilespmem:$0x320] =	vst v0  }
0x1c: {  	[tilespmem:$0x330] =	vst v0  }
0x1d: {  	[tilespmem:$0x340] =	vst v0  }
0x1e: {  	[tilespmem:$0x350] =	vst v0  }
0x1f: {  	[tilespmem:$0x360] =	vst v0  }
0x20: {  	[tilespmem:$0x370] =	vst v0  }
0x21: {  	[tilespmem:$0x380] =	vst v1  }
0x22: {  	[tilespmem:$0x390] =	vst v1  }
0x23: {  	[tilespmem:$0x3A0] =	vst v1  }
0x24: {  	[tilespmem:$0x3B0] =	vst v1  }
0x25: {  	[tilespmem:$0x3C0] =	vst v1  }
0x26: {  	[tilespmem:$0x3D0] =	vst v1  }
0x27: {  	[tilespmem:$0x3E0] =	vst v1  }
0x28: {  	[tilespmem:$0x3F0] =	vst v1  }
0x29: {  	[tilespmem:$0x400] =	vst v1  }
0x2a: {  	[tilespmem:$0x410] =	vst v1  }
0x2b: {  	[tilespmem:$0x420] =	vst v1  }
0x2c: {  	[tilespmem:$0x430] =	vst v1  }
0x2d: {  	[tilespmem:$0x440] =	vst v1  }
0x2e: {  	[spmem:s9] =	stream.linear.scatter [tilespmem:s15], [sflag:$0xD], $0xC8, $0x38;
	[tilespmem:$0x6F8] =	vst v63  }
0x2f: {  	_ =	swait.ge [sflag:s16], $0xC8  }
0x30: {  	[sflag:s16] =	ssyncset.done $0x0  }
0x31: {  	[sflag:s16] =	ssyncadd.s32 $0xFFFFFF38  }
0x32: {  	[spmem:s11] =	stream.linear.scatter [tilespmem:s15], [sflag:$0xD], $0xC8, $0x38;
	[tilespmem:$0x6F8] =	vst v63  }
0x33: {  	_ =	swait.ge [sflag:s16], $0xC8  }
0x34: {  	[sflag:s16] =	ssyncset.done $0x0  }
0x35: {  	[sflag:s16] =	ssyncadd.s32 $0xFFFFFF38  }
0x36: {  	[spmem:s12] =	stream.linear.scatter [tilespmem:s15], [sflag:$0xD], $0xC8, $0x38;
	[tilespmem:$0x6F8] =	vst v63  }
0x37: {  	_ =	swait.ge [sflag:s16], $0xC8  }
0x38: {  	[sflag:s16] =	ssyncset.done $0x0  }
0x39: {  	s19 =	simm.s32 @!p0 $0x380;
	[sflag:s16] =	ssyncadd.s32 $0xFFFFFF38  }
0x3a: {  	[spmem:s13] =	stream.linear.scatter @!p0 [tilespmem:s19], [sflag:$0xD], $0xC8, $0x38;
	[tilespmem:$0x6F8] =	vst v63  }
0x3b: {  	s19 =	simm.s32 @!p0 $0xD  }
0x3c: {  	_ =	swait.ge @!p0 [sflag:s19], $0xC8  }
0x3d: {  	[sflag:s19] =	ssyncset.done @!p0 $0x0  }
0x3e: {  	[sflag:s19] =	ssyncadd.s32 @!p0 $0xFFFFFF38  }
0x3f: {  	s0 =	simm.s32 $0x0;
	p2 =	sle.u32 s5, $0x0;
	[bflag:$0x0] =	sbarrier.arrive $0xFFFF  }
0x40: {  	[tilespmem:s0], [sflag:$0x1] =	stream.linear.gather [hbm4b:s6+s0], $0x100, $0x38;
	[tilespmem:$0x6F8] =	vst v63  }
0x41: {  	s4 =	simm.s32 $0x100;
	s19 =	simm.s32 @!p2 $0x1  }
0x42: {  	[tilespmem:s4], [sflag:$0x2] =	stream.linear.gather [hbm4b:s7+s0], $0x100, $0x38;
	[tilespmem:$0x6F8] =	vst v63  }
0x43: {  	_ =	swait.ge @!p2 [sflag:s19], $0x100  }
0x44: {  	s20 =	simm.s32 @!p2 $0x80;
	s22 =	simm.s32 @!p2 $0x0;
	[sflag:s19] =	ssyncset.done @!p2 $0x0  }
0x45: {  	s21 =	rddreg [dreg:$0x5];
	[sflag:s19] =	ssyncadd.s32 @!p2 $0xFFFFFF00;
	s19 =	simm.s32 @!p2 $0x300  }
0x46: {  	[spmem:s2] =	stream.indirect.scatter.add.f32 @!p2 [tilespmem:s19], [sflag:$0x4], $0x1, s22, s20, $0xb8;
	[tilespmem:$0x6F8] =	vst v63  }
0x47: {  	p4 =	por $0x1, $0x1;
	s19 =	sadd.s32 @!p2 $0x0, s21  }
0x48: {  	[hbm4b:s19+s22] =	stream.linear.scatter @!p2 [tilespmem:s22], [sflag:$0x7], $0x80, $0x38;
	[tilespmem:$0x6F8] =	vst v63  }
0x49: {  	s21 =	simm.s32 @!p4 $0x6;
	s19 =	sadd.s32 @!p2 $0x9C40, s19  }
0x4a: {  	[hbm4b:s19+s22] =	stream.linear.scatter @!p2 [tilespmem:s20], [sflag:$0xA], $0x80, $0x38;
	[tilespmem:$0x6F8] =	vst v63  }
0x4b: {  	_ =	swait.ge @!p4 [sflag:s21], $0x80  }
0x4c: {  	[sflag:s21] =	ssyncset.done @!p4 $0x0  }
0x4d: {  	s19 =	simm.s32 @!p4 $0x9;
	[sflag:s21] =	ssyncadd.s32 @!p4 $0xFFFFFF80  }
0x4e: {  	_ =	swait.ge @!p4 [sflag:s19], $0x80  }
0x4f: {  	[sflag:s19] =	ssyncset.done @!p4 $0x0  }
0x50: {  	s20 =	simm.s32 @!p4 $0xC;
	[sflag:s19] =	ssyncadd.s32 @!p4 $0xFFFFFF80  }
0x51: {  	p3 =	sle.u32 s5, $0x2;
	p1 =	sle.u32 s5, $0x1;
	_ =	swait.ge @!p4 [sflag:s20], $0x80  }
0x52: {  	s24 =	simm.s32 @!p3 $0x0;
	s23 =	simm.s32 @!p3 $0x200;
	[sflag:s20] =	ssyncset.done @!p4 $0x0  }
0x53: {  	s19 =	sadd.s32 @!p3 $0xFFFFF800, s14;
	[sflag:s20] =	ssyncadd.s32 @!p4 $0xFFFFFF80;
	s20 =	simm.s32 @!p1 $0x2  }
0x54: {  	[tilespmem:s23], [sflag:$0x3] =	stream.linear.gather @!p3 [hbm4b:s19+s24], $0x100, $0x38;
	[tilespmem:$0x6F8] =	vst v63  }
0x55: {  	_ =	swait.ge @!p1 [sflag:s20], $0x100  }
0x56: {  	s21 =	simm.s32 @!p1 $0x80;
	s19 =	simm.s32 @!p1 $0x300;
	[sflag:s20] =	ssyncset.done @!p1 $0x0  }
0x57: {  	s22 =	rddreg [dreg:$0x6];
	[sflag:s20] =	ssyncadd.s32 @!p1 $0xFFFFFF00;
	s20 =	simm.s32 @!p1 $0x100  }
0x58: {  	[spmem:s2] =	stream.indirect.scatter.add.f32 @!p1 [tilespmem:s19], [sflag:$0x5], $0x1, s20, s21, $0xb8;
	[tilespmem:$0x6F8] =	vst v63  }
0x59: {  	s25 =	rddreg [dreg:$0x7];
	s19 =	sadd.s32 @!p1 $0x0, s22;
	s21 =	simm.s32 @!p1 $0x0  }
0x5a: {  	[hbm4b:s19+s21] =	stream.linear.scatter @!p1 [tilespmem:s20], [sflag:$0x8], $0x80, $0x38;
	[tilespmem:$0x6F8] =	vst v63  }
0x5b: {  	s22 =	simm.s32 @!p2 $0x4;
	s19 =	sadd.s32 @!p1 $0x0, s25;
	s20 =	simm.s32 @!p1 $0x180  }
0x5c: {  	[hbm4b:s19+s21] =	stream.linear.scatter @!p1 [tilespmem:s20], [sflag:$0xB], $0x80, $0x38;
	[tilespmem:$0x6F8] =	vst v63  }
0x5d: {  	_ =	swait.ge @!p2 [sflag:s22], $0x80  }
0x5e: {  	[sflag:s22] =	ssyncset.done @!p2 $0x0  }
0x5f: {  	s19 =	simm.s32 @!p2 $0x7;
	[sflag:s22] =	ssyncadd.s32 @!p2 $0xFFFFFF80  }
0x60: {  	_ =	swait.ge @!p2 [sflag:s19], $0x80  }
0x61: {  	[sflag:s19] =	ssyncset.done @!p2 $0x0  }
0x62: {  	[sflag:s19] =	ssyncadd.s32 @!p2 $0xFFFFFF80;
	s19 =	simm.s32 @!p2 $0xA  }
0x63: {  	_ =	swait.ge @!p2 [sflag:s19], $0x80  }
0x64: {  	p4 =	sle.u32 s5, $0x3;
	s20 =	simm.s32 @!p3 $0x3;
	[sflag:s19] =	ssyncset.done @!p2 $0x0  }
0x65: {  	s21 =	sadd.s32 @!p4 $0xFFFFFC00, s14;
	s22 =	simm.s32 @!p4 $0x0;
	[sflag:s19] =	ssyncadd.s32 @!p2 $0xFFFFFF80  }
0x66: {  	[tilespmem:s22], [sflag:$0x1] =	stream.linear.gather @!p4 [hbm4b:s21+s22], $0x100, $0x38;
	[tilespmem:$0x6F8] =	vst v63  }
0x67: {  	s29 =	simm.s32 @!p1 $0x5;
	_ =	swait.ge @!p3 [sflag:s20], $0x100  }
0x68: {  	s19 =	simm.s32 @!p3 $0x300;
	s22 =	simm.s32 $0x4;
	[sflag:s20] =	ssyncset.done @!p3 $0x0  }
0x69: {  	s25 =	rddreg [dreg:$0x8];
	[sflag:s20] =	ssyncadd.s32 @!p3 $0xFFFFFF00;
	s20 =	simm.s32 @!p3 $0x80  }
0x6a: {  	[spmem:s2] =	stream.indirect.scatter.add.f32 @!p3 [tilespmem:s19], [sflag:$0x6], $0x1, s23, s20, $0xb8;
	[tilespmem:$0x6F8] =	vst v63  }
0x6b: {  	s21 =	simm.s32 $0x600;
	s26 =	rddreg [dreg:$0x9];
	s19 =	sadd.s32 @!p3 $0x0, s25  }
0x6c: {  	[hbm4b:s19+s24] =	stream.linear.scatter @!p3 [tilespmem:s23], [sflag:$0x9], $0x80, $0x38;
	[tilespmem:$0x6F8] =	vst v63  }
0x6d: {  	s20 =	sadd.s32 @!p3 $0x0, s26;
	s26 =	simm.s32 @!p1 $0x8;
	s19 =	simm.s32 @!p3 $0x280  }
0x6e: {  	[hbm4b:s20+s24] =	stream.linear.scatter @!p3 [tilespmem:s19], [sflag:$0xC], $0x80, $0x38;
	[tilespmem:$0x6F8] =	vst v63  }
0x6f: {  	s25 =	simm.s32 $0x3;
	s23 =	simm.s32 $0xC00;
	s20 =	simm.s32 $0x7  }
0x70: {  	s19 =	sadd.s32 $0xC00, s14;
	s24 =	smov.u32 s14;
	_ =	swait.ge @!p1 [sflag:s29], $0x80  }
.LBB2_2:
0x71: {  	[sflag:s29] =	ssyncset.done @!p1 $0x0  }
0x72: {  	[sflag:s29] =	ssyncadd.s32 @!p1 $0xFFFFFF80  }
0x73: {  	_ =	swait.ge @!p1 [sflag:s26], $0x80  }
0x74: {  	[sflag:s26] =	ssyncset.done @!p1 $0x0  }
0x75: {  	s29 =	simm.s32 @!p1 $0xB;
	[sflag:s26] =	ssyncadd.s32 @!p1 $0xFFFFFF80  }
0x76: {  	p3 =	sge.u32 s25, s5;
	_ =	swait.ge @!p1 [sflag:s29], $0x80  }
0x77: {  	p4 =	sge.u32 s22, s5;
	s28 =	simm.s32 @!p3 $0x1;
	[sflag:s29] =	ssyncset.done @!p1 $0x0  }
0x78: {  	s30 =	simm.s32 @!p4 $0x100;
	s26 =	simm.s32 @!p4 $0x0;
	[sflag:s29] =	ssyncadd.s32 @!p1 $0xFFFFFF80  }
0x79: {  	[tilespmem:s30], [sflag:$0x2] =	stream.linear.gather @!p4 [hbm4b:s24+s26], $0x100, $0x38;
	[tilespmem:$0x6F8] =	vst v63  }
0x7a: {  	s25 =	smov.u32 s21;
	_ =	swait.ge @!p3 [sflag:s28], $0x100  }
0x7b: {  	s29 =	simm.s32 @!p3 $0x0;
	s26 =	simm.s32 @!p3 $0x80;
	[sflag:s28] =	ssyncset.done @!p3 $0x0  }
0x7c: {  	s30 =	rddreg [dreg:$0x5];
	[sflag:s28] =	ssyncadd.s32 @!p3 $0xFFFFFF00;
	s28 =	simm.s32 @!p3 $0x300  }
0x7d: {  	[spmem:s2] =	stream.indirect.scatter.add.f32 @!p3 [tilespmem:s28], [sflag:$0x4], $0x1, s29, s26, $0xb8;
	[tilespmem:$0x6F8] =	vst v63  }
0x7e: {  	p5 =	seq.s32 s25, $0x0;
	s28 =	sadd.s32 @!p3 s25, s30  }
0x7f: {  	[hbm4b:s28+s29] =	stream.linear.scatter @!p3 [tilespmem:s29], [sflag:$0x7], $0x80, $0x38;
	[tilespmem:$0x6F8] =	vst v63  }
0x80: {  	s30 =	simm.s32 @!p5 $0x6;
	s28 =	sadd.s32 @!p3 $0x9C40, s28  }
0x81: {  	[hbm4b:s28+s29] =	stream.linear.scatter @!p3 [tilespmem:s26], [sflag:$0xA], $0x80, $0x38;
	[tilespmem:$0x6F8] =	vst v63  }
0x82: {  	_ =	swait.ge @!p5 [sflag:s30], $0x80  }
0x83: {  	[sflag:s30] =	ssyncset.done @!p5 $0x0  }
0x84: {  	s26 =	simm.s32 @!p5 $0x9;
	[sflag:s30] =	ssyncadd.s32 @!p5 $0xFFFFFF80  }
0x85: {  	_ =	swait.ge @!p5 [sflag:s26], $0x80  }
0x86: {  	s4 =	sadd.s32 $0xFFFFFFFE, s20;
	[sflag:s26] =	ssyncset.done @!p5 $0x0  }
0x87: {  	s17 =	sadd.s32 $0xFFFFFFFD, s20;
	s30 =	simm.s32 @!p5 $0xC;
	[sflag:s26] =	ssyncadd.s32 @!p5 $0xFFFFFF80  }
0x88: {  	p1 =	sge.u32 s17, s5;
	p4 =	sge.u32 s4, s5;
	_ =	swait.ge @!p5 [sflag:s30], $0x80  }
0x89: {  	s31 =	sadd.s32 @!p4 $0xFFFFF800, s19;
	s28 =	simm.s32 @!p4 $0x0;
	[sflag:s30] =	ssyncset.done @!p5 $0x0  }
0x8a: {  	s29 =	simm.s32 @!p4 $0x200;
	[sflag:s30] =	ssyncadd.s32 @!p5 $0xFFFFFF80;
	s30 =	simm.s32 @!p1 $0x2  }
0x8b: {  	[tilespmem:s29], [sflag:$0x3] =	stream.linear.gather @!p4 [hbm4b:s31+s28], $0x100, $0x38;
	[tilespmem:$0x6F8] =	vst v63  }
0x8c: {  	_ =	swait.ge @!p1 [sflag:s30], $0x100  }
0x8d: {  	s0 =	simm.s32 @!p1 $0x80;
	s31 =	simm.s32 @!p1 $0x300;
	[sflag:s30] =	ssyncset.done @!p1 $0x0  }
0x8e: {  	s17 =	rddreg [dreg:$0x6];
	[sflag:s30] =	ssyncadd.s32 @!p1 $0xFFFFFF00;
	s30 =	simm.s32 @!p1 $0x100  }
0x8f: {  	[spmem:s2] =	stream.indirect.scatter.add.f32 @!p1 [tilespmem:s31], [sflag:$0x5], $0x1, s30, s0, $0xb8;
	[tilespmem:$0x6F8] =	vst v63  }
0x90: {  	s4 =	rddreg [dreg:$0x7];
	s0 =	sadd.s32 @!p1 s25, s17;
	s17 =	simm.s32 @!p1 $0x0  }
0x91: {  	[hbm4b:s0+s17] =	stream.linear.scatter @!p1 [tilespmem:s30], [sflag:$0x8], $0x80, $0x38;
	[tilespmem:$0x6F8] =	vst v63  }
0x92: {  	s4 =	sadd.s32 @!p1 s25, s4;
	s31 =	simm.s32 @!p1 $0x180;
	s0 =	simm.s32 @!p3 $0x4  }
0x93: {  	[hbm4b:s4+s17] =	stream.linear.scatter @!p1 [tilespmem:s31], [sflag:$0xB], $0x80, $0x38;
	[tilespmem:$0x6F8] =	vst v63  }
0x94: {  	_ =	swait.ge @!p3 [sflag:s0], $0x80  }
0x95: {  	[sflag:s0] =	ssyncset.done @!p3 $0x0  }
0x96: {  	[sflag:s0] =	ssyncadd.s32 @!p3 $0xFFFFFF80;
	s0 =	simm.s32 @!p3 $0x7  }
0x97: {  	_ =	swait.ge @!p3 [sflag:s0], $0x80  }
0x98: {  	s21 =	smov.u32 s23;
	s23 =	sadd.s32 $0x600, s23;
	[sflag:s0] =	ssyncset.done @!p3 $0x0  }
0x99: {  	s22 =	smov.u32 s20;
	[sflag:s0] =	ssyncadd.s32 @!p3 $0xFFFFFF80;
	s0 =	simm.s32 @!p3 $0xA  }
0x9a: {  	p2 =	sne.s32 s23, $0xA200;
	s31 =	sadd.s32 $0xFFFFFFFF, s20;
	_ =	swait.ge @!p3 [sflag:s0], $0x80  }
0x9b: {  	s4 =	simm.s32 @!p4 $0x3;
	p5 =	sge.u32 s31, s5;
	[sflag:s0] =	ssyncset.done @!p3 $0x0  }
0x9c: {  	s17 =	sadd.s32 @!p5 $0xFFFFFC00, s19;
	s30 =	simm.s32 @!p5 $0x0;
	[sflag:s0] =	ssyncadd.s32 @!p3 $0xFFFFFF80  }
0x9d: {  	[tilespmem:s30], [sflag:$0x1] =	stream.linear.gather @!p5 [hbm4b:s17+s30], $0x100, $0x38;
	[tilespmem:$0x6F8] =	vst v63  }
0x9e: {  	s24 =	smov.u32 s19;
	s26 =	simm.s32 @!p1 $0x8;
	_ =	swait.ge @!p4 [sflag:s4], $0x100  }
0x9f: {  	s20 =	sadd.s32 $0x3, s20;
	s0 =	simm.s32 @!p4 $0x300;
	[sflag:s4] =	ssyncset.done @!p4 $0x0  }
0xa0: {  	s17 =	rddreg [dreg:$0x8];
	[sflag:s4] =	ssyncadd.s32 @!p4 $0xFFFFFF00;
	s4 =	simm.s32 @!p4 $0x80  }
0xa1: {  	[spmem:s2] =	stream.indirect.scatter.add.f32 @!p4 [tilespmem:s0], [sflag:$0x6], $0x1, s29, s4, $0xb8;
	[tilespmem:$0x6F8] =	vst v63  }
.Ltmp0:
0xa2: {  	s30 =	rddreg [dreg:$0x9];
	s0 =	sadd.s32 @!p4 s25, s17;
	(pc) =	sbr.rel @p2 .LBB2_2-.Ltmp0, $4  }
0xa3: {  	[hbm4b:s0+s28] =	stream.linear.scatter @!p4 [tilespmem:s29], [sflag:$0x9], $0x80, $0x38;
	[tilespmem:$0x6F8] =	vst v63  }
0xa4: {  	s4 =	simm.s32 @!p4 $0x280;
	s0 =	sadd.s32 @!p4 s25, s30;
	s29 =	simm.s32 @!p1 $0x5  }
0xa5: {  	[hbm4b:s0+s28] =	stream.linear.scatter @!p4 [tilespmem:s4], [sflag:$0xC], $0x80, $0x38;
	[tilespmem:$0x6F8] =	vst v63  }
0xa6: {  	s19 =	sadd.s32 $0xC00, s19;
	s25 =	sadd.s32 $0xFFFFFFFC, s20;
	_ =	swait.ge @!p1 [sflag:s29], $0x80  }
0xa7: {  	[sflag:s29] =	ssyncset.done @!p1 $0x0  }
0xa8: {  	[sflag:s29] =	ssyncadd.s32 @!p1 $0xFFFFFF80  }
0xa9: {  	_ =	swait.ge @!p1 [sflag:s26], $0x80  }
0xaa: {  	[sflag:s26] =	ssyncset.done @!p1 $0x0  }
0xab: {  	s0 =	simm.s32 @!p1 $0xB;
	[sflag:s26] =	ssyncadd.s32 @!p1 $0xFFFFFF80  }
0xac: {  	p2 =	sge.u32 s25, s5;
	_ =	swait.ge @!p1 [sflag:s0], $0x80  }
0xad: {  	p3 =	sge.u32 s22, s5;
	s4 =	simm.s32 @!p2 $0x1;
	[sflag:s0] =	ssyncset.done @!p1 $0x0  }
0xae: {  	s17 =	simm.s32 @!p3 $0x0;
	s22 =	simm.s32 @!p3 $0x100;
	[sflag:s0] =	ssyncadd.s32 @!p1 $0xFFFFFF80  }
0xaf: {  	[tilespmem:s22], [sflag:$0x2] =	stream.linear.gather @!p3 [hbm4b:s24+s17], $0x100, $0x38;
	[tilespmem:$0x6F8] =	vst v63  }
0xb0: {  	_ =	swait.ge @!p2 [sflag:s4], $0x100  }
0xb1: {  	s0 =	simm.s32 @!p2 $0x80;
	s22 =	simm.s32 @!p2 $0x0;
	[sflag:s4] =	ssyncset.done @!p2 $0x0  }
0xb2: {  	s17 =	rddreg [dreg:$0x5];
	[sflag:s4] =	ssyncadd.s32 @!p2 $0xFFFFFF00;
	s4 =	simm.s32 @!p2 $0x300  }
0xb3: {  	[spmem:s2] =	stream.indirect.scatter.add.f32 @!p2 [tilespmem:s4], [sflag:$0x4], $0x1, s22, s0, $0xb8;
	[tilespmem:$0x6F8] =	vst v63  }
0xb4: {  	p4 =	seq.s32 s21, $0x0;
	s4 =	sadd.s32 @!p2 s21, s17  }
0xb5: {  	[hbm4b:s4+s22] =	stream.linear.scatter @!p2 [tilespmem:s22], [sflag:$0x7], $0x80, $0x38;
	[tilespmem:$0x6F8] =	vst v63  }
0xb6: {  	s17 =	simm.s32 @!p4 $0x6;
	s4 =	sadd.s32 @!p2 $0x9C40, s4  }
0xb7: {  	[hbm4b:s4+s22] =	stream.linear.scatter @!p2 [tilespmem:s0], [sflag:$0xA], $0x80, $0x38;
	[tilespmem:$0x6F8] =	vst v63  }
0xb8: {  	_ =	swait.ge @!p4 [sflag:s17], $0x80  }
0xb9: {  	[sflag:s17] =	ssyncset.done @!p4 $0x0  }
0xba: {  	s0 =	simm.s32 @!p4 $0x9;
	[sflag:s17] =	ssyncadd.s32 @!p4 $0xFFFFFF80  }
0xbb: {  	_ =	swait.ge @!p4 [sflag:s0], $0x80  }
0xbc: {  	s30 =	sadd.s32 $0xFFFFFFFD, s20;
	[sflag:s0] =	ssyncset.done @!p4 $0x0  }
0xbd: {  	s29 =	sadd.s32 $0xFFFFFFFE, s20;
	s17 =	simm.s32 @!p4 $0xC;
	[sflag:s0] =	ssyncadd.s32 @!p4 $0xFFFFFF80  }
0xbe: {  	p1 =	sge.u32 s30, s5;
	p3 =	sge.u32 s29, s5;
	_ =	swait.ge @!p4 [sflag:s17], $0x80  }
0xbf: {  	s22 =	simm.s32 @!p3 $0x0;
	s4 =	simm.s32 @!p3 $0x200;
	[sflag:s17] =	ssyncset.done @!p4 $0x0  }
0xc0: {  	s0 =	sadd.s32 @!p3 $0xFFFFF800, s19;
	[sflag:s17] =	ssyncadd.s32 @!p4 $0xFFFFFF80;
	s17 =	simm.s32 @!p1 $0x2  }
0xc1: {  	[tilespmem:s4], [sflag:$0x3] =	stream.linear.gather @!p3 [hbm4b:s0+s22], $0x100, $0x38;
	[tilespmem:$0x6F8] =	vst v63  }
0xc2: {  	_ =	swait.ge @!p1 [sflag:s17], $0x100  }
0xc3: {  	s23 =	simm.s32 @!p1 $0x80;
	s0 =	simm.s32 @!p1 $0x300;
	[sflag:s17] =	ssyncset.done @!p1 $0x0  }
0xc4: {  	s24 =	rddreg [dreg:$0x6];
	[sflag:s17] =	ssyncadd.s32 @!p1 $0xFFFFFF00;
	s17 =	simm.s32 @!p1 $0x100  }
0xc5: {  	[spmem:s2] =	stream.indirect.scatter.add.f32 @!p1 [tilespmem:s0], [sflag:$0x5], $0x1, s17, s23, $0xb8;
	[tilespmem:$0x6F8] =	vst v63  }
0xc6: {  	s25 =	rddreg [dreg:$0x7];
	s0 =	sadd.s32 @!p1 s21, s24;
	s23 =	simm.s32 @!p1 $0x0  }
0xc7: {  	[hbm4b:s0+s23] =	stream.linear.scatter @!p1 [tilespmem:s17], [sflag:$0x8], $0x80, $0x38;
	[tilespmem:$0x6F8] =	vst v63  }
0xc8: {  	s24 =	simm.s32 @!p2 $0x4;
	s0 =	sadd.s32 @!p1 s21, s25;
	s17 =	simm.s32 @!p1 $0x180  }
0xc9: {  	[hbm4b:s0+s23] =	stream.linear.scatter @!p1 [tilespmem:s17], [sflag:$0xB], $0x80, $0x38;
	[tilespmem:$0x6F8] =	vst v63  }
0xca: {  	_ =	swait.ge @!p2 [sflag:s24], $0x80  }
0xcb: {  	[sflag:s24] =	ssyncset.done @!p2 $0x0  }
0xcc: {  	s0 =	simm.s32 @!p2 $0x7;
	[sflag:s24] =	ssyncadd.s32 @!p2 $0xFFFFFF80  }
0xcd: {  	_ =	swait.ge @!p2 [sflag:s0], $0x80  }
0xce: {  	[sflag:s0] =	ssyncset.done @!p2 $0x0  }
0xcf: {  	[sflag:s0] =	ssyncadd.s32 @!p2 $0xFFFFFF80;
	s0 =	simm.s32 @!p2 $0xA  }
0xd0: {  	s31 =	sadd.s32 $0xFFFFFFFF, s20;
	_ =	swait.ge @!p2 [sflag:s0], $0x80  }
0xd1: {  	p4 =	sge.u32 s31, s5;
	s17 =	simm.s32 @!p3 $0x3;
	[sflag:s0] =	ssyncset.done @!p2 $0x0  }
0xd2: {  	s23 =	sadd.s32 @!p4 $0xFFFFFC00, s19;
	s24 =	simm.s32 @!p4 $0x0;
	[sflag:s0] =	ssyncadd.s32 @!p2 $0xFFFFFF80  }
0xd3: {  	[tilespmem:s24], [sflag:$0x1] =	stream.linear.gather @!p4 [hbm4b:s23+s24], $0x100, $0x38;
	[tilespmem:$0x6F8] =	vst v63  }
0xd4: {  	_ =	swait.ge @!p3 [sflag:s17], $0x100  }
0xd5: {  	s0 =	simm.s32 @!p3 $0x300;
	[sflag:s17] =	ssyncset.done @!p3 $0x0  }
0xd6: {  	s23 =	rddreg [dreg:$0x8];
	[sflag:s17] =	ssyncadd.s32 @!p3 $0xFFFFFF00;
	s17 =	simm.s32 @!p3 $0x80  }
0xd7: {  	[spmem:s2] =	stream.indirect.scatter.add.f32 @!p3 [tilespmem:s0], [sflag:$0x6], $0x1, s4, s17, $0xb8;
	[tilespmem:$0x6F8] =	vst v63  }
0xd8: {  	s24 =	rddreg [dreg:$0x9];
	s0 =	sadd.s32 @!p3 s21, s23  }
0xd9: {  	[hbm4b:s0+s22] =	stream.linear.scatter @!p3 [tilespmem:s4], [sflag:$0x9], $0x80, $0x38;
	[tilespmem:$0x6F8] =	vst v63  }
0xda: {  	s17 =	simm.s32 @!p1 $0x5;
	s0 =	simm.s32 @!p3 $0x280;
	s4 =	sadd.s32 @!p3 s21, s24  }
0xdb: {  	[hbm4b:s4+s22] =	stream.linear.scatter @!p3 [tilespmem:s0], [sflag:$0xC], $0x80, $0x38;
	[tilespmem:$0x6F8] =	vst v63  }
0xdc: {  	_ =	swait.ge @!p1 [sflag:s17], $0x80  }
0xdd: {  	[sflag:s17] =	ssyncset.done @!p1 $0x0  }
0xde: {  	s0 =	simm.s32 @!p1 $0x8;
	[sflag:s17] =	ssyncadd.s32 @!p1 $0xFFFFFF80  }
0xdf: {  	_ =	swait.ge @!p1 [sflag:s0], $0x80  }
0xe0: {  	[sflag:s0] =	ssyncset.done @!p1 $0x0  }
0xe1: {  	s4 =	simm.s32 @!p1 $0xB;
	[sflag:s0] =	ssyncadd.s32 @!p1 $0xFFFFFF80  }
0xe2: {  	p3 =	sge.u32 s20, s5;
	s0 =	sadd.s32 $0x0, s3;
	_ =	swait.ge @!p1 [sflag:s4], $0x80  }
0xe3: {  	s20 =	simm.s32 @!p3 $0x100;
	p2 =	sgt.u32 s0, $0x31;
	[sflag:s4] =	ssyncset.done @!p1 $0x0  }
0xe4: {  	s17 =	simm.s32 @!p3 $0x0;
	[sflag:s4] =	ssyncadd.s32 @!p1 $0xFFFFFF80;
	s4 =	smul.u32 @!p2 $0xCD, s0  }
0xe5: {  	[tilespmem:s20], [sflag:$0x2] =	stream.linear.gather @!p3 [hbm4b:s19+s17], $0x100, $0x38;
	[tilespmem:$0x6F8] =	vst v63  }
0xe6: {  	s17 =	sshrl.u32 @!p2 s4, $0xA  }
0xe7: {  	s21 =	sadd.s32 $0x10, s3;
	s17 =	sand.u32 @!p2 $0x3F, s17  }
0xe8: {  	s19 =	simm.s32 @!p2 $0x380;
	[bflag:$0x0] =	sbarrier.arrive $0xFFFF;
	s17 =	smul.u32 @!p2 $0x5, s17  }
0xe9: {  	[tilespmem:s19], [sflag:$0xE] =	stream.linear.gather @!p2 [spmem:s9], $0xC8, $0x38;
	[tilespmem:$0x6F8] =	vst v63  }
0xea: {  	s22 =	simm.s32 $0x20;
	p1 =	por p2, p2;
	s0 =	ssub.s32 @!p2 s0, s17  }
0xeb: {  	s4 =	sshll.u32 @!p2 s4, $0x1;
	s17 =	simm.s32 @!p2 $0xE;
	s0 =	sand.u32 @!p1 $0xFF, s0  }
0xec: {  	s4 =	sand.u32 @!p1 $0x1F800, s4;
	_ =	swait.ge @!p1 [sflag:s17], $0xC8;
	s0 =	smul.u32 @!p1 $0xC8, s0  }
0xed: {  	s4 =	sor.u32 @!p1 s8, s4;
	p2 =	sgt.u32 s21, $0x31;
	[sflag:s17] =	ssyncset.done @!p1 $0x0  }
0xee: {  	[sflag:s17] =	ssyncadd.s32 @!p1 $0xFFFFFF38;
	s17 =	smul.u32 @!p2 $0xCD, s21;
	s0 =	sadd.s32 @!p1 s0, s4  }
0xef: {  	s24 =	simm.s32 @!p1 $0xD;
	s20 =	smov.u32 s11;
	s0 =	sshrl.u32 @!p1 s0, $0x3  }
0xf0: {  	s4 =	simm.s32 @!p1 $0x0;
	s23 =	sshll.u32 @!p2 s17, $0x1;
	s0 =	sadd.s32 @!p1 s1, s0  }
0xf1: {  	[hbm4b:s0+s4] =	stream.linear.scatter @!p1 [tilespmem:s19], [sflag:$0xD], $0xC8, $0x38;
	[tilespmem:$0x6F8] =	vst v63  }
0xf2: {  	s25 =	sshrl.u32 @!p2 s17, $0xA;
	s19 =	simm.s32 @!p2 $0xE;
	_ =	swait.ge @!p1 [sflag:s24], $0xC8  }
.LBB2_4:
0xf3: {  	s0 =	sand.u32 @!p2 $0x3F, s25  }
0xf4: {  	[sflag:s24] =	ssyncset.done @!p1 $0x0;
	s4 =	smov.u32 s22;
	s22 =	sadd.s32 $0x10, s22  }
0xf5: {  	s17 =	simm.s32 @!p2 $0x380;
	s0 =	smul.u32 @!p2 $0x5, s0;
	[sflag:s24] =	ssyncadd.s32 @!p1 $0xFFFFFF38  }
0xf6: {  	[tilespmem:s17], [sflag:$0xE] =	stream.linear.gather @!p2 [spmem:s20], $0xC8, $0x38;
	[tilespmem:$0x6F8] =	vst v63  }
0xf7: {  	p3 =	sne.s32 s22, $0x40;
	p1 =	por p2, p2;
	s0 =	ssub.s32 @!p2 s21, s0  }
0xf8: {  	s0 =	sand.u32 @!p1 $0xFF, s0  }
0xf9: {  	s21 =	sand.u32 @!p1 $0x1F800, s23;
	s0 =	smul.u32 @!p1 $0xC8, s0  }
0xfa: {  	s20 =	sadd.s32 $0xC80, s20;
	s23 =	simm.s32 @!p1 $0x0;
	s21 =	sor.u32 @!p1 s8, s21  }
0xfb: {  	_ =	swait.ge @!p1 [sflag:s19], $0xC8;
	s0 =	sadd.s32 @!p1 s0, s21;
	s21 =	sadd.s32 s4, s3  }
.Ltmp1:
0xfc: {  	[sflag:s19] =	ssyncset.done @!p1 $0x0;
	s0 =	sshrl.u32 @!p1 s0, $0x3;
	(pc) =	sbr.rel @p3 .LBB2_4-.Ltmp1, $4  }
0xfd: {  	p2 =	sgt.u32 s21, $0x31;
	[sflag:s19] =	ssyncadd.s32 @!p1 $0xFFFFFF38;
	s0 =	sadd.s32 @!p1 s1, s0  }
0xfe: {  	s24 =	simm.s32 @!p1 $0xD;
	s19 =	simm.s32 @!p2 $0xE;
	s4 =	smul.u32 @!p2 $0xCD, s21  }
0xff: {  	[hbm4b:s0+s23] =	stream.linear.scatter @!p1 [tilespmem:s17], [sflag:$0xD], $0xC8, $0x38;
	[tilespmem:$0x6F8] =	vst v63  }
0x100: {  	s23 =	sshll.u32 @!p2 s4, $0x1;
	s25 =	sshrl.u32 @!p2 s4, $0xA;
	_ =	swait.ge @!p1 [sflag:s24], $0xC8  }
0x101: {  	s0 =	sand.u32 @!p2 $0x3F, s25;
	[sflag:s24] =	ssyncset.done @!p1 $0x0  }
0x102: {  	s4 =	simm.s32 @!p2 $0x380;
	s0 =	smul.u32 @!p2 $0x5, s0;
	[sflag:s24] =	ssyncadd.s32 @!p1 $0xFFFFFF38  }
0x103: {  	[tilespmem:s4], [sflag:$0xE] =	stream.linear.gather @!p2 [spmem:s20], $0xC8, $0x38;
	[tilespmem:$0x6F8] =	vst v63  }
0x104: {  	p1 =	por p2, p2;
	s0 =	ssub.s32 @!p2 s21, s0  }
0x105: {  	s0 =	sand.u32 @!p1 $0xFF, s0  }
0x106: {  	s17 =	sand.u32 @!p1 $0x1F800, s23;
	s0 =	smul.u32 @!p1 $0xC8, s0  }
0x107: {  	s18 =	sadd.s32 $0x1, s18;
	s17 =	sor.u32 @!p1 s8, s17;
	_ =	swait.ge @!p1 [sflag:s19], $0xC8  }
0x108: {  	p2 =	sne.s32 s18, s10;
	[sflag:s19] =	ssyncset.done @!p1 $0x0;
	s0 =	sadd.s32 @!p1 s0, s17  }
0x109: {  	[sflag:s19] =	ssyncadd.s32 @!p1 $0xFFFFFF38;
	s19 =	simm.s32 @!p1 $0xD;
	s0 =	sshrl.u32 @!p1 s0, $0x3  }
.Ltmp2:
0x10a: {  	s17 =	simm.s32 @!p1 $0x0;
	s0 =	sadd.s32 @!p1 s1, s0;
	(pc) =	sbr.rel @p2 .LBB2_1-.Ltmp2, $4  }
0x10b: {  	[hbm4b:s0+s17] =	stream.linear.scatter @!p1 [tilespmem:s4], [sflag:$0xD], $0xC8, $0x38;
	[tilespmem:$0x6F8] =	vst v63  }
0x10c: {  	_ =	swait.ge @!p1 [sflag:s19], $0xC8  }
0x10d: {  	[sflag:s19] =	ssyncset.done @!p1 $0x0  }
0x10e: {  	[sflag:s19] =	ssyncadd.s32 @!p1 $0xFFFFFF38  }
0x10f: {  	_ =	sfence.sel $0x180000  }
0x110: {  	[bflag:$0x0] =	sbarrier.arrive $0xFFFF  }
0x111: {  	_ =	strace $0x90000047  }
0x112: {  	[bflag:$0x2] =	sbarrier.arrive $0xFFFF  }
0x113: {  	p0 =	sne.s32 s3, $0x0;
	s0 =	rddreg [dreg:$0x4]  }
0x114: {  	s0 =	sadd.s32 @!p0 $0x100000, s0  }
0x115: {  	[sflag:s0] =	ssyncadd.tile.s32 @!p0 $0x1;
	_ =	shalt  }
.Lfunc_end2:
_tile_overlayer_lowered:
.L_overlay_start_2:
0x116: {  	(tag) =	ssettag $0x2  }
0x117: {  	s0 =	rddreg [dreg:$0x0];
	s2 =	stileid.u32  }
0x118: {  	s1 =	rddreg [dreg:$0x1];
	p0 =	sne.s32 s2, $0x0  }
0x119: {  	s3 =	rddreg [dreg:$0x2];
	[bflag:$0x3] =	sbarrier.arrive $0xFFFF;
	s2 =	simm.s32 @!p0 $0x1C0D  }
0x11a: {  	[timem:s3], [sflag:s2] =	dma.local @!p0 [hbm:s0], s1  }
0x11b: {  	s0 =	simm.s32 @!p0 $0xD  }
0x11c: {  	_ =	swait.ge @!p0 [sflag:s0], s1  }
0x11d: {  	s1 =	ssub.s32 @!p0 $0x0, s1;
	[sflag:s0] =	ssyncset.done @!p0 $0x0  }
0x11e: {  	[sflag:s0] =	ssyncadd.s32 @!p0 s1  }
0x11f: {  	[bflag:$0x3] =	sbarrier.arrive $0xFFFF  }
0x120: {  	_ =	shalt  }

// kernel: kernel.9.cloned.1.call-start
scs
__scs_entry_jumppad:
0x0: {  	(pc) =	sbr.rel $0x88, $3  }
0x1: {  	(tag) =	ssettag $0x0;
	lr =	simm.s32 $0x1  }
0x2: {  	[smem:$0x3F9D] =	sst lr;
	_ =	strace $0xD0000000  }
0x3: {  	_ = 	snop  }
0x4: {  	_ = 	snop  }
0x5: {  	_ = 	snop  }
0x6: {  	_ = 	snop  }
0x7: {  	_ = 	snop  }
__scs_overlays_trampoline_lowered:
0x8: {  	[smem:$0x3FAC] =	sst s0  }
0x9: {  	[smem:$0x3FAD] =	sst s1  }
0xa: {  	[smem:$0x3FAE] =	sst s2  }
0xb: {  	[smem:$0x3FAF] =	sst s3  }
0xc: {  	[smem:$0x3FB0] =	sst s4  }
0xd: {  	[smem:$0x3FB1] =	sst s5  }
0xe: {  	[smem:$0x3FB2] =	sst s6  }
0xf: {  	[smem:$0x3FB3] =	sst s7  }
0x10: {  	[smem:$0x3FB4] =	sst s8  }
0x11: {  	[smem:$0x3FB5] =	sst s9;
	s0 =	simm.s32 @!p0 $0x0  }
0x12: {  	s1 =	sld [smem:$0x3F9B];
	s0 =	simm.s32 @p0 $0x1  }
0x13: {  	[smem:$0x3FB6] =	sst s0;
	s0 =	simm.s32 @!p1 $0x0  }
0x14: {  	s2 =	sld [smem:$0x3F9A];
	s0 =	simm.s32 @p1 $0x1  }
0x15: {  	[smem:$0x3FB7] =	sst s0;
	s0 =	simm.s32 @!p2 $0x0  }
0x16: {  	s3 =	sld [smem:$0x3FDB];
	s0 =	simm.s32 @p2 $0x1  }
0x17: {  	s4 =	simm.s32 $0x1BF5;
	[smem:$0x3FB9] =	sst s0  }
0x18: {  	s0 =	sld [smem:$0x3F9C];
	_ =	swait.ge [sflag:s4], $0x0  }
0x19: {  	s7 =	sld [smem:$0x3F9D]  }
0x1a: {  	s8 =	sadd.s32 $0xFFFFE003, lr  }
0x1b: {  	s9 =	sadd.s32 $0xFFFFFEF7, lr;
	s5 =	simm.s32 $0xFFFFFFFF;
	p2 =	slt.u32 s8, $0xFFFFF086  }
0x1c: {  	p1 =	slt.u32 s9, $0xF7A;
	s5 =	simm.s32 @!p2 $0x0  }
0x1d: {  	s5 =	simm.s32 @p1 $0x1;
	p0 =	seq.s32 s7, s2  }
0x1e: {  	s7 =	smul.u32 @!p0 $0xF7A, s2;
	p2 =	seq.s32 @!p0 s5, $0x0  }
0x1f: {  	s9 =	smul.u32 $0xF7A, s1;
	s8 =	simm.s32 @!p0 $0x1BF5;
	p2 =	por !p2, p0  }
0x20: {  	[sflag:s8] =	ssyncset.s32 @!p0 $0xFFFFF086;
	s6 =	sadd.s32 @!p0 s3, s7;
	s7 =	simm.s32 @!p0 $0x108  }
0x21: {  	s3 =	sadd.s32 s3, s9;
	s6 =	sadd.s32 @!p0 $0x88, s6;
	s7 =	simm.s32 @p2 $0x1082  }
0x22: {  	[simem:s7], [sflag:s8] =	dma.local @!p0 [hbm:s6], $0xF7A  }
0x23: {  	s9 =	sor.u32 $0xD0000000, s2;
	s6 =	simm.s32 $0x108;
	_ =	swait.ge @!p0 [sflag:s8], $0x0  }
0x24: {  	s3 =	sadd.s32 $0x88, s3;
	s6 =	simm.s32 @!p1 $0x1082;
	[sflag:s4] =	ssyncset.s32 $0xFFFFF086  }
0x25: {  	[simem:s6], [sflag:s4] =	dma.local [hbm:s3], $0xF7A  }
0x26: {  	[smem:$0x3F9D] =	sst s1;
	(tag) =	ssettag s2;
	_ =	strace s9  }
0x27: {  	s1 =	sld [smem:$0x3FAD]  }
0x28: {  	s2 =	sld [smem:$0x3FAE]  }
0x29: {  	s4 =	sld [smem:$0x3FB0]  }
0x2a: {  	p0 =	seq.s32 s5, $0x0;
	s5 =	sld [smem:$0x3FB1]  }
0x2b: {  	s6 =	sld [smem:$0x3FB2]  }
0x2c: {  	s7 =	sld [smem:$0x3FB3]  }
0x2d: {  	s3 =	simm.s32 $0x108;
	s8 =	sld [smem:$0x3FB4]  }
0x2e: {  	s3 =	simm.s32 @!p0 $0x1082;
	s9 =	sld [smem:$0x3FB5]  }
0x2f: {  	lr =	sadd.s32 s0, s3;
	s0 =	sld [smem:$0x3FAC]  }
0x30: {  	s3 =	sld [smem:$0x3FAF]  }
0x31: {  	[smem:$0x3FB8] =	sst s10  }
0x32: {  	s10 =	sld [smem:$0x3FB6];
	_ =	sdelay $0x3  }
0x33: {  	p0 =	seq.s32 s10, $0x1;
	s10 =	sld [smem:$0x3FB8];
	_ =	sdelay $0x3  }
0x34: {  	[smem:$0x3FB8] =	sst s10  }
0x35: {  	s10 =	sld [smem:$0x3FB7];
	_ =	sdelay $0x3  }
0x36: {  	p1 =	seq.s32 s10, $0x1;
	s10 =	sld [smem:$0x3FB8];
	_ =	sdelay $0x3  }
0x37: {  	[smem:$0x3FB8] =	sst s10  }
0x38: {  	s10 =	sld [smem:$0x3FB9]  }
0x39: {  	_ = 	snop;
	(pc) =	sbr.ind lr, $3  }
0x3a: {  	_ = 	snop  }
0x3b: {  	_ = 	snop  }
0x3c: {  	p2 =	seq.s32 s10, $0x1;
	s10 =	sld [smem:$0x3FB8]  }
0x3d: {  	_ =	shalt  }
0x3e: {  	_ =	shalt  }
0x3f: {  	_ =	shalt  }
0x40: {  	_ =	shalt  }
0x41: {  	_ =	shalt  }
0x42: {  	_ =	shalt  }
0x43: {  	_ =	shalt  }
0x44: {  	_ =	shalt  }
0x45: {  	_ =	shalt  }
0x46: {  	_ =	shalt  }
0x47: {  	_ =	shalt  }
0x48: {  	_ =	shalt  }
0x49: {  	_ =	shalt  }
0x4a: {  	_ =	shalt  }
0x4b: {  	_ =	shalt  }
0x4c: {  	_ =	shalt  }
0x4d: {  	_ =	shalt  }
0x4e: {  	_ =	shalt  }
0x4f: {  	_ =	shalt  }
0x50: {  	_ =	shalt  }
0x51: {  	_ =	shalt  }
0x52: {  	_ =	shalt  }
0x53: {  	_ =	shalt  }
0x54: {  	_ =	shalt  }
0x55: {  	_ =	shalt  }
0x56: {  	_ =	shalt  }
0x57: {  	_ =	shalt  }
0x58: {  	_ =	shalt  }
0x59: {  	_ =	shalt  }
0x5a: {  	_ =	shalt  }
0x5b: {  	_ =	shalt  }
0x5c: {  	_ =	shalt  }
0x5d: {  	_ =	shalt  }
0x5e: {  	_ =	shalt  }
0x5f: {  	_ =	shalt  }
0x60: {  	_ =	shalt  }
0x61: {  	_ =	shalt  }
0x62: {  	_ =	shalt  }
0x63: {  	_ =	shalt  }
0x64: {  	_ =	shalt  }
0x65: {  	_ =	shalt  }
0x66: {  	_ =	shalt  }
0x67: {  	_ =	shalt  }
0x68: {  	_ =	shalt  }
0x69: {  	_ =	shalt  }
0x6a: {  	_ =	shalt  }
0x6b: {  	_ =	shalt  }
0x6c: {  	_ =	shalt  }
0x6d: {  	_ =	shalt  }
0x6e: {  	_ =	shalt  }
0x6f: {  	_ =	shalt  }
0x70: {  	_ =	shalt  }
0x71: {  	_ =	shalt  }
0x72: {  	_ =	shalt  }
0x73: {  	_ =	shalt  }
0x74: {  	_ =	shalt  }
0x75: {  	_ =	shalt  }
0x76: {  	_ =	shalt  }
0x77: {  	_ =	shalt  }
0x78: {  	_ =	shalt  }
0x79: {  	_ =	shalt  }
0x7a: {  	_ =	shalt  }
0x7b: {  	_ =	shalt  }
0x7c: {  	_ =	shalt  }
0x7d: {  	_ =	shalt  }
0x7e: {  	_ =	shalt  }
0x7f: {  	_ =	shalt  }
0x80: {  	_ =	shalt  }
0x81: {  	_ =	shalt  }
0x82: {  	_ =	shalt  }
0x83: {  	_ =	shalt  }
0x84: {  	_ =	shalt  }
0x85: {  	_ =	shalt  }
0x86: {  	_ =	shalt  }
0x87: {  	_ =	shalt  }
.Lfunc_end0:
.L_simem_size_0:
called_computation.1_lowered:
.L_overlay_start_0:
0x88: {  	s2 =	sld [smem:$0x3FD9]  }
0x89: {  	s3 =	sld [smem:$0x3FFE];
	_ =	sdelay $0x1  }
0x8a: {  	s1 =	srdreg.scid  }
0x8b: {  	s0 =	sand.u32 $0x1, s1  }
0x8c: {  	s17 =	sshll.u32 s0, $0xA;
	s2 =	sadd.s32 s3, s2  }
0x8d: {  	s2 =	sadd.s32 s2, s17  }
0x8e: {  	[smem:$0x3FC4] =	sst s2  }
0x8f: {  	_ = 	snop  }
0x90: {  	s2 =	sld [smem:$0x3FD0];
	(tm) =	ssettm $0x1  }
0x91: {  	s18 =	sld [smem:$0x3FFB];
	_ =	sdelay $0x3  }
0x92: {  	_ =	strace s18  }
0x93: {  	s3 =	sld [smem:$0x3FFC];
	_ =	sdelay $0x3  }
0x94: {  	_ =	strace s3  }
0x95: {  	s3 =	sld [smem:$0x3FFD];
	_ =	sdelay $0x3  }
0x96: {  	_ =	strace s3  }
0x97: {  	_ =	strace $0x8FFFFFFF  }
0x98: {  	s19 =	sld [smem:$0x3FDB];
	_ =	sdelay $0x1  }
0x99: {  	s4 =	simm.s32 $_scs_section_size  }
0x9a: {  	s5 =	simm.s32 $_size__tile_overlayer_lowered;
	s6 =	simm.s32 $_tile_overlayer_lowered  }
0x9b: {  	s22 =	simm.s32 $0x1BFF;
	s21 =	sshll.u32 s6, $0x1;
	s3 =	sadd.s32 s4, s19  }
0x9c: {  	s7 =	simm.s32 $0x0;
	s20 =	sshll.u32 s5, $0x1;
	s5 =	sadd.s32 s21, s3  }
0x9d: {  	[timem:s7], [sflag:s22] =	dma.local [hbm:s5], s20  }
0x9e: {  	_ =	swait.ge [sflag:s22], s20  }
0x9f: {  	s4 =	ssub.s32 $0x0, s20;
	[sflag:s22] =	ssyncset.done $0x0  }
0xa0: {  	[sflag:s22] =	ssyncadd.s32 s4;
	_ =	sdelay $0x1  }
0xa1: {  	s23 =	simm.s32 $0x1B8B  }
0xa2: {  	_ =	swait.ge [sflag:s23], $0x1  }
0xa3: {  	[sflag:s23] =	ssyncset.done $0x0  }
0xa4: {  	s25 =	simm.s32 $0x1B8E;
	s24 =	sld [smem:$0x3FFE];
	[sflag:s23] =	ssyncadd.s32 $0xFFFFFFFF  }
0xa5: {  	s26 =	simm.s32 $execute0_lowered;
	[smem:$0x3FD2] =	sst s25  }
0xa6: {  	s5 =	sshll.u32 s26, $0x1;
	_ =	strace $0x80000049;
	[dreg:$0x1] =	wrdreg $0xFFFFFFFF  }
0xa7: {  	s28 =	simm.s32 $_size_execute0_lowered;
	s3 =	sadd.s32 s3, s5;
	[dreg:$0x0] =	wrdreg $0x0  }
0xa8: {  	s5 =	sshll.u32 s28, $0x1;
	[dreg:$0x2] =	wrdreg s3  }
0xa9: {  	[dreg:$0x3] =	wrdreg s5  }
0xaa: {  	[dreg:$0x4] =	wrdreg $0xC0  }
0xab: {  	_ =	task [dreg:s7], $0x5FFFF  }
0xac: {  	[dreg:$0x1] =	wrdreg $0xFFFFFFFF  }
0xad: {  	[dreg:$0x0] =	wrdreg $0x60  }
0xae: {  	[dreg:$0x2] =	wrdreg s2  }
0xaf: {  	[dreg:$0x3] =	wrdreg s24  }
0xb0: {  	[dreg:$0x4] =	wrdreg $0xA5800  }
0xb1: {  	[dreg:$0x5] =	wrdreg $0x1DE000  }
0xb2: {  	[dreg:$0x6] =	wrdreg $0x9  }
0xb3: {  	_ =	task.clear_ibuf [dreg:s7], $0x7FFFF;
	_ =	strace $0x90000049  }
0xb4: {  	s29 =	simm.s32 $0x9;
	_ =	strace $0x8000004B  }
0xb5: {  	_ =	swait.ge [sflag:s29], $0x1  }
0xb6: {  	[sflag:s29] =	ssyncadd.s32 $0xFFFFFFFF  }
0xb7: {  	_ =	strace $0x9000004B  }
0xb8: {  	_ =	sfence  }
0xb9: {  	s30 =	sld [smem:$0x0];
	_ =	sdelay $0x2  }
0xba: {  	s31 =	sshll.u32 s1, $0xD;
	s1 =	sshrl.u32 s1, $0x2  }
0xbb: {  	s3 =	sand.u32 $0x4000, s31;
	s1 =	sadd.s32 s1, s30  }
0xbc: {  	s0 =	sor.u32 s3, s0;
	s1 =	sshll.u32 s1, $0x11  }
0xbd: {  	s0 =	sor.u32 s1, s0  }
0xbe: {  	s0 =	sadd.s32 $0x8F2B, s0  }
0xbf: {  	[sflag:s0] =	ssyncadd.remote.s32 $0x1  }
0xc0: {  	_ =	sfence.sel $0xFFFF  }
0xc1: {  	[dreg:$0x0] =	wrdreg $0xFFFFFFFF;
	(pc) =	sbr.abs _section_cstart, $3  }
0xc2: {  	[dreg:$0x1] =	wrdreg $0xFFFFFFFF  }
0xc3: {  	_ =	task.clear_ibuf [dreg:s7], $0x2FFFF;
	_ =	strace $0x9FFFFFFF  }
0xc4: {  	(tm) =	ssettm $0x7FFFFFFF  }
0xc5: {  	_ =	shalt  }
tec
execute0_lowered:
.L_overlay_start_1:
0x0: {  	(tag) =	ssettag $0x1  }
0x1: {  	s0 =	rddreg [dreg:$0x0]  }
0x2: {  	s2 =	rddreg [dreg:$0x1]  }
0x3: {  	s1 =	srdreg.scid;
	s3 =	rddreg [dreg:$0x2]  }
0x4: {  	s4 =	rddreg [dreg:$0x3];
	s7 =	sand.u32 $0x1, s1  }
0x5: {  	s1 =	stileid.u32;
	s6 =	smul.u32 $0x138800, s7  }
0x6: {  	s5 =	simm.s32 $0x0;
	s29 =	simm.s32 $0x400;
	s8 =	smul.u32 $0x2800, s1  }
0x7: {  	s31 =	simm.s32 $0x16;
	s30 =	simm.s32 $0x0;
	s25 =	smul.u32 $0xA000, s1  }
0x8: {  	[smem:$0x7FF] =	sst s5;
	s26 =	smul.u32 $0x320, s1;
	s13 =	sor.u32 $0x10, s1  }
0x9: {  	s9 =	sshll.u32 s7, $0x4;
	_ =	strace $0x8000004A;
	s15 =	smul.u32 $0xA000, s13  }
0xa: {  	s11 =	ssub.s32 $0x2, s7;
	s28 =	sor.u32 $0x20, s1;
	s16 =	smul.u32 $0x320, s13  }
0xb: {  	p2 =	sgt.u32 s1, $0xC;
	s22 =	sor.u32 s1, s9;
	s18 =	smul.u32 $0xA000, s28  }
0xc: {  	s9 =	sadd.s32 $0x1E00, s2;
	s23 =	sshrl.u32 s11, $0x1;
	s20 =	smul.u32 $0x320, s28  }
0xd: {  	s28 =	sor.u32 $0x30, s1;
	s6 =	sadd.s32 s8, s6;
	s8 =	smul.u32 $0x2710, s22  }
0xe: {  	s17 =	sshrl.u32 s25, $0x2;
	s19 =	sshrl.u32 s26, $0x2;
	p0 =	sgt.u32 s28, $0x31  }
0xf: {  	s6 =	sshrl.u32 s6, $0x3;
	s22 =	sshrl.u32 s16, $0x2;
	s16 =	smul.u32 $0xA000, s28  }
0x10: {  	s13 =	sadd.s32 s17, s3;
	s17 =	smul.u32 $0x320, s28;
	s10 =	sadd.s32 s6, s2  }
0x11: {  	s6 =	sadd.s32 $0x63A00, s2;
	s8 =	sshrl.u32 s8, $0x3;
	s28 =	sadd.s32 $0xF0000, s13  }
0x12: {  	s2 =	ssub.s32 s11, s23;
	s24 =	sadd.s32 s9, s8;
	[dreg:$0x15] =	wrdreg s28  }
0x13: {  	s21 =	sshrl.u32 s15, $0x2;
	s2 =	smax.u32 s2, $0x1;
	[dreg:$0x5] =	wrdreg s24  }
0x14: {  	s26 =	sshrl.u32 s20, $0x2;
	s12 =	sadd.s32 $0x9C40, s24;
	[dreg:$0x9] =	wrdreg s2  }
0x15: {  	s23 =	smul.u32 $0x2710, s1;
	s14 =	sadd.s32 $0xA, s24;
	[dreg:$0x6] =	wrdreg s12  }
0x16: {  	s8 =	sshrl.u32 s18, $0x2;
	s11 =	sadd.s32 $0x9C4A, s24;
	[dreg:$0x7] =	wrdreg s14  }
0x17: {  	s20 =	sshrl.u32 s16, $0x2;
	s2 =	sadd.s32 s21, s3;
	[dreg:$0x8] =	wrdreg s11  }
0x18: {  	s24 =	sadd.s32 s22, s4;
	s25 =	sadd.s32 s8, s3;
	[dreg:$0xa] =	wrdreg s2  }
0x19: {  	s22 =	sadd.s32 s20, s3;
	s11 =	sshll.u32 s7, $0xA;
	[dreg:$0xb] =	wrdreg s24  }
0x1a: {  	s14 =	sadd.s32 s19, s4;
	s7 =	smul.u32 $0x27100, s7;
	[dreg:$0xc] =	wrdreg s25  }
0x1b: {  	s19 =	sor.u32 $0x70, s1;
	s2 =	sadd.s32 s26, s4;
	[dreg:$0x10] =	wrdreg s22  }
0x1c: {  	s25 =	sadd.s32 $0xA0000, s13;
	s26 =	sadd.s32 $0xC8000, s13;
	s12 =	simm.s32 $0x50  }
0x1d: {  	s21 =	smul.u32 $0xA000, s19;
	[dreg:$0xf] =	wrdreg s2;
	p1 =	sgt.u32 s19, $0x7C  }
0x1e: {  	[dreg:$0x12] =	wrdreg s25;
	s25 =	sadd.s32 $0x15800, s10;
	s7 =	sadd.s32 s23, s7  }
0x1f: {  	[dreg:$0x14] =	wrdreg s26;
	s23 =	sshrl.u32 s17, $0x2;
	s18 =	sadd.s32 $0x4E2A0, s7  }
0x20: {  	s7 =	sadd.s32 $0xA0, s7;
	s2 =	sadd.s32 s23, s4;
	s24 =	sshrl.u32 s21, $0x2  }
0x21: {  	s15 =	sshrl.u32 s18, $0x3;
	[dreg:$0x11] =	wrdreg s2;
	s2 =	sadd.s32 s24, s3  }
0x22: {  	s7 =	sshrl.u32 s7, $0x3;
	s15 =	sadd.s32 s15, s9;
	[dreg:$0x13] =	wrdreg s2  }
0x23: {  	s23 =	simm.s32 $0x200;
	s7 =	sadd.s32 s7, s9;
	[dreg:$0xd] =	wrdreg s15  }
0x24: {  	v0 =	vimm.f32 $1.000000000e+00;
	v1 =	vimm.f32 $0.0e+00;
	s2 =	simm.s32 $0x15;
	[dreg:$0xe] =	wrdreg s7;
	s15 =	simm.s32 $0xA400  }
.LBB2_1:
0x25: {  	[tilespmem:$0xA400] =	vst v0  }
0x26: {  	[tilespmem:$0xA410] =	vst v0  }
0x27: {  	[tilespmem:$0xA420] =	vst v0  }
0x28: {  	[tilespmem:$0xA430] =	vst v0  }
0x29: {  	[tilespmem:$0xA440] =	vst v0  }
0x2a: {  	[tilespmem:$0xA480] =	vst v1  }
0x2b: {  	[tilespmem:$0xA490] =	vst v1  }
0x2c: {  	[tilespmem:$0xA4A0] =	vst v1  }
0x2d: {  	[tilespmem:$0xA4B0] =	vst v1  }
0x2e: {  	[tilespmem:$0xA4C0] =	vst v1  }
0x2f: {  	[tilespmem:$0xA4D0] =	vst v1  }
0x30: {  	[tilespmem:$0xA4E0] =	vst v1  }
0x31: {  	[tilespmem:$0xA4F0] =	vst v1  }
0x32: {  	[tilespmem:$0xA500] =	vst v1  }
0x33: {  	[tilespmem:$0xA510] =	vst v1  }
0x34: {  	[tilespmem:$0xA520] =	vst v1;
	s7 =	sand.u32 $0xFE00, s5  }
0x35: {  	[tilespmem:$0xA530] =	vst v1;
	s8 =	sand.u32 $0x70, s5;
	s9 =	sshrl.u32 s7, $0x2  }
0x36: {  	[tilespmem:$0xA540] =	vst v1;
	s7 =	simm.s32 $0x40;
	s9 =	sor.u32 s8, s9;
	s8 =	simm.s32 $0x0  }
.LBB2_2:
0x37: {  	p3 =	sne.s32 s7, $0x9FC0  }
0x38: {  	[tilespmem:s9+$0x400] =	vst v1;
	s8 =	sadd.s32 $0x10, s8;
	s9 =	smov.u32 s7;
	s7 =	sadd.s32 $0x40, s7  }
.Ltmp0:
0x39: {  	(pc) =	sbr.rel @p3 .LBB2_2-.Ltmp0, $4  }
0x3a: {  	_ = 	snop  }
0x3b: {  	s9 =	sand.u32 $0xFE00, s9  }
0x3c: {  	s10 =	sand.u32 $0x70, s8;
	s9 =	sshrl.u32 s9, $0x2  }
0x3d: {  	s9 =	sor.u32 s10, s9  }
0x3e: {  	[tilespmem:s9+$0x400] =	vst v1  }
0x3f: {  	[spmem:s13] =	stream.linear.scatter [tilespmem:s29], [sflag:$0x15], $0x2800, $0x38;
	[tilespmem:$0x1E078] =	vst v63  }
0x40: {  	s8 =	simm.s32 $0xA480  }
0x41: {  	[spmem:s14] =	stream.linear.scatter [tilespmem:s8], [sflag:$0x16], $0xC8, $0x38;
	[tilespmem:$0x1E078] =	vst v63  }
0x42: {  	_ =	swait.ge [sflag:s31], $0xC8  }
0x43: {  	[sflag:s31] =	ssyncset.done $0x0  }
0x44: {  	s7 =	rddreg [dreg:$0xa];
	[sflag:s31] =	ssyncadd.s32 $0xFFFFFF38  }
0x45: {  	[spmem:s7] =	stream.linear.scatter [tilespmem:s29], [sflag:$0x15], $0x2800, $0x38;
	[tilespmem:$0x1E078] =	vst v63  }
0x46: {  	s20 =	rddreg [dreg:$0xb]  }
0x47: {  	[spmem:s20] =	stream.linear.scatter [tilespmem:s8], [sflag:$0x16], $0xC8, $0x38;
	[tilespmem:$0x1E078] =	vst v63  }
0x48: {  	_ =	swait.ge [sflag:s31], $0xC8  }
0x49: {  	[sflag:s31] =	ssyncset.done $0x0  }
0x4a: {  	s21 =	rddreg [dreg:$0xc];
	[sflag:s31] =	ssyncadd.s32 $0xFFFFFF38  }
0x4b: {  	[spmem:s21] =	stream.linear.scatter [tilespmem:s29], [sflag:$0x15], $0x2800, $0x38;
	[tilespmem:$0x1E078] =	vst v63  }
0x4c: {  	s22 =	rddreg [dreg:$0xf]  }
0x4d: {  	[spmem:s22] =	stream.linear.scatter [tilespmem:s8], [sflag:$0x16], $0xC8, $0x38;
	[tilespmem:$0x1E078] =	vst v63  }
0x4e: {  	_ =	swait.ge [sflag:s31], $0xC8  }
0x4f: {  	[sflag:s31] =	ssyncset.done $0x0  }
0x50: {  	s24 =	rddreg [dreg:$0x10];
	[sflag:s31] =	ssyncadd.s32 $0xFFFFFF38  }
0x51: {  	[spmem:s24] =	stream.linear.scatter [tilespmem:s29], [sflag:$0x15], $0x2800, $0x38;
	[tilespmem:$0x1E078] =	vst v63  }
0x52: {  	s7 =	simm.s32 @!p0 $0xA480;
	s8 =	rddreg [dreg:$0x11]  }
0x53: {  	[spmem:s8] =	stream.linear.scatter @!p0 [tilespmem:s7], [sflag:$0x16], $0xC8, $0x38;
	[tilespmem:$0x1E078] =	vst v63  }
0x54: {  	s7 =	simm.s32 @!p0 $0x16  }
0x55: {  	_ =	swait.ge @!p0 [sflag:s7], $0xC8  }
0x56: {  	[sflag:s7] =	ssyncset.done @!p0 $0x0  }
0x57: {  	s26 =	rddreg [dreg:$0x12];
	[sflag:s7] =	ssyncadd.s32 @!p0 $0xFFFFFF38  }
0x58: {  	[spmem:s26] =	stream.linear.scatter [tilespmem:s29], [sflag:$0x15], $0x2800, $0x38;
	[tilespmem:$0x1E078] =	vst v63  }
0x59: {  	s8 =	rddreg [dreg:$0x14]  }
0x5a: {  	[spmem:s8] =	stream.linear.scatter [tilespmem:s29], [sflag:$0x15], $0x2800, $0x38;
	[tilespmem:$0x1E078] =	vst v63  }
0x5b: {  	s9 =	rddreg [dreg:$0x15]  }
0x5c: {  	[spmem:s9] =	stream.linear.scatter [tilespmem:s29], [sflag:$0x15], $0x2800, $0x38;
	[tilespmem:$0x1E078] =	vst v63  }
0x5d: {  	s7 =	simm.s32 @!p1 $0x400;
	s8 =	rddreg [dreg:$0x13]  }
0x5e: {  	[spmem:s8] =	stream.linear.scatter @!p1 [tilespmem:s7], [sflag:$0x15], $0x2800, $0x38;
	[tilespmem:$0x1E078] =	vst v63  }
0x5f: {  	_ =	swait.ge [sflag:s2], $0x2800  }
0x60: {  	[sflag:s2] =	ssyncset.done $0x0  }
0x61: {  	[sflag:s2] =	ssyncadd.s32 $0xFFFFD800  }
0x62: {  	_ =	swait.ge [sflag:s2], $0x2800  }
0x63: {  	[sflag:s2] =	ssyncset.done $0x0  }
0x64: {  	[sflag:s2] =	ssyncadd.s32 $0xFFFFD800  }
0x65: {  	_ =	swait.ge [sflag:s2], $0x2800  }
0x66: {  	[sflag:s2] =	ssyncset.done $0x0  }
0x67: {  	[sflag:s2] =	ssyncadd.s32 $0xFFFFD800  }
0x68: {  	_ =	swait.ge [sflag:s2], $0x2800  }
0x69: {  	[sflag:s2] =	ssyncset.done $0x0  }
0x6a: {  	[sflag:s2] =	ssyncadd.s32 $0xFFFFD800  }
0x6b: {  	_ =	swait.ge [sflag:s2], $0x2800  }
0x6c: {  	[sflag:s2] =	ssyncset.done $0x0  }
0x6d: {  	[sflag:s2] =	ssyncadd.s32 $0xFFFFD800  }
0x6e: {  	_ =	swait.ge [sflag:s2], $0x2800  }
0x6f: {  	[sflag:s2] =	ssyncset.done $0x0  }
0x70: {  	[sflag:s2] =	ssyncadd.s32 $0xFFFFD800  }
0x71: {  	_ =	swait.ge [sflag:s2], $0x2800  }
0x72: {  	[sflag:s2] =	ssyncset.done $0x0  }
0x73: {  	s7 =	simm.s32 @!p2 $0x15;
	[sflag:s2] =	ssyncadd.s32 $0xFFFFD800  }
0x74: {  	_ =	swait.ge @!p2 [sflag:s7], $0x2800  }
0x75: {  	[sflag:s7] =	ssyncset.done @!p2 $0x0  }
0x76: {  	[sflag:s7] =	ssyncadd.s32 @!p2 $0xFFFFD800  }
0x77: {  	[bflag:$0x0] =	sbarrier.arrive $0xFFFF  }
0x78: {  	s10 =	rddreg [dreg:$0x5]  }
0x79: {  	[tilespmem:s5], [sflag:$0x1] =	stream.linear.gather [hbm4b:s10+s5], $0x50, $0x38;
	[tilespmem:$0x1E078] =	vst v63  }
0x7a: {  	s16 =	rddreg [dreg:$0x6]  }
0x7b: {  	[tilespmem:s23], [sflag:$0x5] =	stream.linear.gather [hbm4b:s16+s5], $0x50, $0x38;
	[tilespmem:$0x1E078] =	vst v63  }
0x7c: {  	s18 =	simm.s32 $0x80;
	s17 =	rddreg [dreg:$0x7]  }
0x7d: {  	[tilespmem:s18], [sflag:$0x2] =	stream.linear.gather [hbm4b:s17+s5], $0x50, $0x38;
	[tilespmem:$0x1E078] =	vst v63  }
0x7e: {  	s20 =	simm.s32 $0x280;
	s21 =	simm.s32 $0x1;
	s19 =	rddreg [dreg:$0x8]  }
0x7f: {  	[tilespmem:s20], [sflag:$0x6] =	stream.linear.gather [hbm4b:s19+s5], $0x50, $0x38;
	[tilespmem:$0x1E078] =	vst v63  }
0x80: {  	_ =	swait.ge [sflag:s21], $0x50  }
0x81: {  	p3 =	por $0x1, $0x1;
	[sflag:s21] =	ssyncset.done $0x0  }
0x82: {  	s22 =	simm.s32 $0x5;
	s8 =	simm.s32 $0x0;
	[sflag:s21] =	ssyncadd.s32 $0xFFFFFFB0  }
0x83: {  	s26 =	simm.s32 $0x1;
	s9 =	sand.u32 @!p3 $0x3, s8;
	_ =	swait.ge [sflag:s22], $0x50  }
0x84: {  	s28 =	sand.u32 $0x3, s26;
	s7 =	sxor.u32 @!p3 $0x2, s9;
	[sflag:s22] =	ssyncset.done $0x0  }
0x85: {  	s26 =	smul.u32 $0xA000, s28;
	s10 =	sadd.s32 @!p3 $0xD, s7;
	[sflag:s22] =	ssyncadd.s32 $0xFFFFFFB0  }
0x86: {  	[tilespmem:s29], [sflag:$0x9] =	stream.indirect.gather [hbm4b:s0+s12], $0x80, s5, s12, $0xb8;
	[tilespmem:$0x1E078] =	vst v63  }
0x87: {  	s26 =	sshrl.u32 s26, $0x2;
	s9 =	smov.u32 @p3 s8;
	_ =	swait.ge @!p3 [sflag:s10], $0x2800  }
0x88: {  	s7 =	sadd.s32 @!p3 $0x11, s7;
	s18 =	smul.u32 $0xA000, s9;
	[sflag:s10] =	ssyncset.done @!p3 $0x0  }
0x89: {  	s23 =	sshll.u32 s9, $0x7;
	s17 =	simm.s32 $0xFFFFFFFE;
	[sflag:s10] =	ssyncadd.s32 @!p3 $0xFFFFD800  }
0x8a: {  	s17 =	sand.u32 $0x3, s17;
	s18 =	sshra.s32 s18, $0x2;
	_ =	swait.ge @!p3 [sflag:s7], $0x50  }
0x8b: {  	s20 =	sshll.u32 s17, $0x7;
	s24 =	sadd.s32 $0x5, s17;
	[sflag:s7] =	ssyncset.done @!p3 $0x0  }
0x8c: {  	s22 =	sadd.s32 $0x1, s17;
	s19 =	rddreg [dreg:$0xe];
	[sflag:s7] =	ssyncadd.s32 @!p3 $0xFFFFFFB0  }
0x8d: {  	[tilespmem:s20], [sflag:s22] =	stream.linear.gather [hbm4b:s19+s5], $0x50, $0x38;
	[tilespmem:$0x1E078] =	vst v63  }
0x8e: {  	s21 =	sadd.s32 $0x9, s9;
	s16 =	rddreg [dreg:$0xd];
	s20 =	sor.u32 $0x200, s20  }
0x8f: {  	[tilespmem:s20], [sflag:s24] =	stream.linear.gather [hbm4b:s16+s5], $0x50, $0x38;
	[tilespmem:$0x1E078] =	vst v63  }
0x90: {  	s17 =	sadd.s32 $0xD, s9;
	s10 =	sand.u32 $0x3FFFFF80, s23;
	_ =	swait.ge [sflag:s21], $0x2800  }
0x91: {  	s23 =	sshll.u32 s28, $0x7;
	s7 =	sadd.s32 $0x9, s28;
	[sflag:s21] =	ssyncset.done $0x0  }
0x92: {  	s22 =	sor.u32 $0x400, s18;
	s24 =	sadd.s32 $0x1, s28;
	[sflag:s21] =	ssyncadd.s32 $0xFFFFD800  }
0x93: {  	s18 =	smov.u32 s16;
	s20 =	sadd.s32 $0x200, s10;
	_ =	swait.ge [sflag:s24], $0x50  }
0x94: {  	s28 =	sadd.s32 $0x5, s28;
	s10 =	smov.u32 s19;
	[sflag:s24] =	ssyncset.done $0x0  }
.LBB2_4:
0x95: {  	s21 =	sadd.s32 $0xFFFFFFFF, s8  }
0x96: {  	[sflag:s24] =	ssyncadd.s32 $0xFFFFFFB0;
	s24 =	smov.u32 s8;
	s8 =	sadd.s32 $0x1, s8  }
0x97: {  	p4 =	slt.u32 s8, $0x2;
	s21 =	sand.u32 $0x3, s21;
	_ =	swait.ge [sflag:s28], $0x50  }
0x98: {  	s26 =	sor.u32 $0x400, s26;
	s16 =	sand.u32 @!p4 $0x3, s8;
	[sflag:s28] =	ssyncset.done $0x0  }
0x99: {  	s19 =	sxor.u32 @!p4 $0x2, s16;
	s16 =	smov.u32 @p4 s8;
	[sflag:s28] =	ssyncadd.s32 $0xFFFFFFB0  }
0x9a: {  	[tilespmem:s26], [sflag:s7] =	stream.indirect.gather [hbm4b:s0+s12], $0x80, s23, s12, $0xb8;
	[tilespmem:$0x1E078] =	vst v63  }
0x9b: {  	s9 =	sadd.s32 $0x11, s9;
	s7 =	smul.u32 $0xA000, s16;
	s23 =	sshll.u32 s16, $0x7  }
0x9c: {  	[spmem:s3] =	stream.indirect.scatter.add.f32 [tilespmem:s22], [sflag:s17], $0x80, s20, s12, $0xb8;
	[tilespmem:$0x1E078] =	vst v63  }
0x9d: {  	s23 =	sand.u32 $0x3FFFFF80, s23;
	s17 =	sadd.s32 @!p4 $0xD, s19;
	s7 =	sshra.s32 s7, $0x2  }
0x9e: {  	[spmem:s4] =	stream.indirect.scatter.add.f32 [tilespmem:s15], [sflag:s9], $0x1, s20, s12, $0xb8;
	[tilespmem:$0x1E078] =	vst v63  }
0x9f: {  	p3 =	sne.s32 s8, $0x7A;
	s9 =	smov.u32 s16;
	_ =	swait.ge @!p4 [sflag:s17], $0x2800  }
0xa0: {  	s10 =	sadd.s32 $0xA, s10;
	s16 =	sadd.s32 @!p4 $0x11, s19;
	[sflag:s17] =	ssyncset.done @!p4 $0x0  }
0xa1: {  	[sflag:s17] =	ssyncadd.s32 @!p4 $0xFFFFD800  }
0xa2: {  	s18 =	sadd.s32 $0xA, s18;
	_ =	swait.ge @!p4 [sflag:s16], $0x50  }
0xa3: {  	s19 =	sadd.s32 $0x1, s21;
	s17 =	sshll.u32 s21, $0x7;
	[sflag:s16] =	ssyncset.done @!p4 $0x0  }
0xa4: {  	s20 =	sadd.s32 $0x2, s24;
	[sflag:s16] =	ssyncadd.s32 @!p4 $0xFFFFFFB0;
	s16 =	sadd.s32 $0x5, s21  }
0xa5: {  	[tilespmem:s17], [sflag:s19] =	stream.linear.gather [hbm4b:s10+s5], $0x50, $0x38;
	[tilespmem:$0x1E078] =	vst v63  }
0xa6: {  	s21 =	sand.u32 $0x3, s20;
	s17 =	sor.u32 $0x200, s17;
	s19 =	sadd.s32 $0x9, s9  }
0xa7: {  	[tilespmem:s17], [sflag:s16] =	stream.linear.gather [hbm4b:s18+s5], $0x50, $0x38;
	[tilespmem:$0x1E078] =	vst v63  }
.Ltmp1:
0xa8: {  	s17 =	sadd.s32 $0xD, s9;
	_ =	swait.ge [sflag:s19], $0x2800;
	(pc) =	sbr.rel @p3 .LBB2_4-.Ltmp1, $4  }
0xa9: {  	s24 =	sadd.s32 $0x1, s21;
	s16 =	smul.u32 $0xA000, s21;
	[sflag:s19] =	ssyncset.done $0x0  }
0xaa: {  	s22 =	sor.u32 $0x400, s7;
	s20 =	sadd.s32 $0x200, s23;
	[sflag:s19] =	ssyncadd.s32 $0xFFFFD800  }
0xab: {  	s7 =	sadd.s32 $0x9, s21;
	s26 =	sshrl.u32 s16, $0x2;
	_ =	swait.ge [sflag:s24], $0x50  }
0xac: {  	s23 =	sshll.u32 s21, $0x7;
	s28 =	sadd.s32 $0x5, s21;
	[sflag:s24] =	ssyncset.done $0x0  }
0xad: {  	[sflag:s24] =	ssyncadd.s32 $0xFFFFFFB0  }
0xae: {  	_ =	swait.ge [sflag:s28], $0x50  }
0xaf: {  	[sflag:s28] =	ssyncset.done $0x0  }
0xb0: {  	s10 =	sor.u32 $0x400, s26;
	[sflag:s28] =	ssyncadd.s32 $0xFFFFFFB0  }
0xb1: {  	[tilespmem:s10], [sflag:s7] =	stream.indirect.gather [hbm4b:s0+s12], $0x80, s23, s12, $0xb8;
	[tilespmem:$0x1E078] =	vst v63  }
0xb2: {  	_ = 	snop  }
0xb3: {  	[spmem:s3] =	stream.indirect.scatter.add.f32 [tilespmem:s22], [sflag:s17], $0x80, s20, s12, $0xb8;
	[tilespmem:$0x1E078] =	vst v63  }
0xb4: {  	s18 =	sadd.s32 $0x11, s9;
	s19 =	simm.s32 $0xE  }
0xb5: {  	[spmem:s4] =	stream.indirect.scatter.add.f32 [tilespmem:s15], [sflag:s18], $0x1, s20, s12, $0xb8;
	[tilespmem:$0x1E078] =	vst v63  }
0xb6: {  	_ =	swait.ge [sflag:s19], $0x2800  }
0xb7: {  	[sflag:s19] =	ssyncset.done $0x0  }
0xb8: {  	s20 =	simm.s32 $0x12;
	[sflag:s19] =	ssyncadd.s32 $0xFFFFD800  }
0xb9: {  	_ =	swait.ge [sflag:s20], $0x50  }
0xba: {  	[sflag:s20] =	ssyncset.done $0x0  }
0xbb: {  	s21 =	simm.s32 $0xC;
	[sflag:s20] =	ssyncadd.s32 $0xFFFFFFB0  }
0xbc: {  	s22 =	sand.u32 $0x3, s8;
	_ =	swait.ge [sflag:s21], $0x2800  }
0xbd: {  	s7 =	sxor.u32 $0x2, s22;
	[sflag:s21] =	ssyncset.done $0x0  }
0xbe: {  	s23 =	sadd.s32 $0x1, s7;
	[sflag:s21] =	ssyncadd.s32 $0xFFFFD800  }
0xbf: {  	_ =	swait.ge [sflag:s23], $0x50  }
0xc0: {  	[sflag:s23] =	ssyncset.done $0x0  }
0xc1: {  	s24 =	sadd.s32 $0x5, s7;
	s26 =	smul.u32 $0xA000, s7;
	[sflag:s23] =	ssyncadd.s32 $0xFFFFFFB0  }
0xc2: {  	_ =	swait.ge [sflag:s24], $0x50  }
0xc3: {  	s28 =	sshll.u32 s7, $0x7;
	s9 =	sshrl.u32 s26, $0x2;
	[sflag:s24] =	ssyncset.done $0x0  }
0xc4: {  	s7 =	sadd.s32 $0x9, s7;
	s16 =	sor.u32 $0x400, s9;
	[sflag:s24] =	ssyncadd.s32 $0xFFFFFFB0  }
0xc5: {  	[tilespmem:s16], [sflag:s7] =	stream.indirect.gather [hbm4b:s0+s12], $0x80, s28, s12, $0xb8;
	[tilespmem:$0x1E078] =	vst v63  }
0xc6: {  	s17 =	simm.s32 $0x380;
	s18 =	simm.s32 $0x7C00  }
0xc7: {  	[spmem:s3] =	stream.indirect.scatter.add.f32 [tilespmem:s18], [sflag:$0x10], $0x80, s17, s12, $0xb8;
	[tilespmem:$0x1E078] =	vst v63  }
0xc8: {  	s19 =	simm.s32 $0xF  }
0xc9: {  	[spmem:s4] =	stream.indirect.scatter.add.f32 [tilespmem:s15], [sflag:$0x14], $0x1, s17, s12, $0xb8;
	[tilespmem:$0x1E078] =	vst v63  }
0xca: {  	_ =	swait.ge [sflag:s19], $0x2800  }
0xcb: {  	[sflag:s19] =	ssyncset.done $0x0  }
0xcc: {  	s20 =	simm.s32 $0x13;
	[sflag:s19] =	ssyncadd.s32 $0xFFFFD800  }
0xcd: {  	_ =	swait.ge [sflag:s20], $0x50  }
0xce: {  	[sflag:s20] =	ssyncset.done $0x0  }
0xcf: {  	s21 =	simm.s32 $0x9;
	[sflag:s20] =	ssyncadd.s32 $0xFFFFFFB0  }
0xd0: {  	_ =	swait.ge [sflag:s21], $0x2800  }
0xd1: {  	[sflag:s21] =	ssyncset.done $0x0  }
0xd2: {  	s23 =	simm.s32 $0x200;
	[sflag:s21] =	ssyncadd.s32 $0xFFFFD800  }
0xd3: {  	[spmem:s3] =	stream.indirect.scatter.add.f32 [tilespmem:s29], [sflag:$0xD], $0x80, s23, s12, $0xb8;
	[tilespmem:$0x1E078] =	vst v63  }
0xd4: {  	s22 =	simm.s32 $0x10  }
0xd5: {  	[spmem:s4] =	stream.indirect.scatter.add.f32 [tilespmem:s15], [sflag:$0x11], $0x1, s23, s12, $0xb8;
	[tilespmem:$0x1E078] =	vst v63  }
0xd6: {  	_ =	swait.ge [sflag:s22], $0x2800  }
0xd7: {  	[sflag:s22] =	ssyncset.done $0x0  }
0xd8: {  	s24 =	simm.s32 $0x14;
	[sflag:s22] =	ssyncadd.s32 $0xFFFFD800  }
0xd9: {  	_ =	swait.ge [sflag:s24], $0x50  }
0xda: {  	[sflag:s24] =	ssyncset.done $0x0  }
0xdb: {  	s26 =	simm.s32 $0xD;
	s7 =	sadd.s32 $0x0, s1;
	[sflag:s24] =	ssyncadd.s32 $0xFFFFFFB0  }
0xdc: {  	p4 =	sgt.u32 s7, $0x7C;
	_ =	swait.ge [sflag:s26], $0x2800  }
0xdd: {  	p3 =	sgt.u32 @!p4 s7, $0x31;
	[sflag:s26] =	ssyncset.done $0x0  }
0xde: {  	s28 =	simm.s32 $0x11;
	p3 =	por p3, p4;
	[sflag:s26] =	ssyncadd.s32 $0xFFFFD800  }
0xdf: {  	s10 =	smul.u32 @!p3 $0xCD, s7;
	_ =	swait.ge [sflag:s28], $0x50  }
0xe0: {  	[sflag:s28] =	ssyncset.done $0x0  }
0xe1: {  	s8 =	simm.s32 @!p4 $0x400;
	s16 =	sshrl.u32 @!p3 s10, $0xA;
	[sflag:s28] =	ssyncadd.s32 $0xFFFFFFB0  }
0xe2: {  	s9 =	simm.s32 @!p4 $0x17;
	s16 =	sand.u32 @!p3 $0x3F, s16;
	[bflag:$0x0] =	sbarrier.arrive $0xFFFF  }
0xe3: {  	[tilespmem:s8], [sflag:$0x17] =	stream.linear.gather @!p4 [spmem:s13], $0x2800, $0x38;
	[tilespmem:$0x1E078] =	vst v63  }
0xe4: {  	s16 =	smul.u32 @!p3 $0x5, s16;
	_ =	swait.ge @!p4 [sflag:s9], $0x2800  }
0xe5: {  	s17 =	simm.s32 @!p4 $0x0;
	s18 =	sshll.u32 @!p3 s10, $0x1;
	[sflag:s9] =	ssyncset.done @!p4 $0x0  }
0xe6: {  	s10 =	simm.s32 $0x20;
	s7 =	ssub.s32 @!p3 s7, s16;
	[sflag:s9] =	ssyncadd.s32 @!p4 $0xFFFFD800  }
0xe7: {  	[hbm4b:s25+s17] =	stream.linear.scatter @!p4 [tilespmem:s8], [sflag:$0x17], $0x2800, $0x38;
	[tilespmem:$0x1E078] =	vst v63  }
0xe8: {  	s16 =	simm.s32 @!p3 $0x17;
	s7 =	sand.u32 @!p3 $0xFF, s7;
	_ =	swait.ge @!p4 [sflag:s9], $0x2800  }
0xe9: {  	s7 =	smul.u32 @!p3 $0xC8, s7;
	s8 =	sand.u32 @!p3 $0x1F800, s18;
	[sflag:s9] =	ssyncset.done @!p4 $0x0  }
0xea: {  	s17 =	sor.u32 @!p3 s11, s8;
	[sflag:s9] =	ssyncadd.s32 @!p4 $0xFFFFD800;
	s9 =	simm.s32 @!p3 $0xA480  }
0xeb: {  	[tilespmem:s9], [sflag:$0x17] =	stream.linear.gather @!p3 [spmem:s14], $0xC8, $0x38;
	[tilespmem:$0x1E078] =	vst v63  }
0xec: {  	s18 =	sadd.s32 $0x28000, s13;
	s17 =	sadd.s32 @!p3 s7, s17;
	_ =	swait.ge @!p3 [sflag:s16], $0xC8  }
0xed: {  	s7 =	simm.s32 @!p3 $0x16;
	s17 =	sshrl.u32 @!p3 s17, $0x3;
	[sflag:s16] =	ssyncset.done @!p3 $0x0  }
0xee: {  	[sflag:s16] =	ssyncadd.s32 @!p3 $0xFFFFFF38;
	s16 =	sadd.s32 @!p3 s6, s17;
	s17 =	simm.s32 @!p3 $0x0  }
0xef: {  	[hbm4b:s16+s17] =	stream.linear.scatter @!p3 [tilespmem:s9], [sflag:$0x16], $0xC8, $0x38;
	[tilespmem:$0x1E078] =	vst v63  }
0xf0: {  	s8 =	sadd.s32 $0x5000, s25;
	s17 =	sadd.s32 $0x10, s1;
	_ =	swait.ge @!p3 [sflag:s7], $0xC8  }
0xf1: {  	s9 =	sadd.s32 $0xC80, s14;
	p4 =	sgt.u32 s17, $0x7C;
	[sflag:s7] =	ssyncset.done @!p3 $0x0  }
.LBB2_6:
0xf2: {  	p6 =	sgt.u32 @!p4 s17, $0x31  }
0xf3: {  	[sflag:s7] =	ssyncadd.s32 @!p3 $0xFFFFFF38;
	s16 =	smov.u32 s10;
	s10 =	sadd.s32 $0x10, s10  }
0xf4: {  	s7 =	simm.s32 @!p4 $0x0;
	p5 =	sne.s32 s10, $0x80;
	p3 =	por p6, p4  }
0xf5: {  	s19 =	simm.s32 @!p4 $0x400;
	s20 =	simm.s32 @!p4 $0x17;
	s21 =	smul.u32 @!p3 $0xCD, s17  }
0xf6: {  	[tilespmem:s19], [sflag:$0x17] =	stream.linear.gather @!p4 [spmem:s18], $0x2800, $0x38;
	[tilespmem:$0x1E078] =	vst v63  }
0xf7: {  	_ =	swait.ge @!p4 [sflag:s20], $0x2800;
	s22 =	sshll.u32 @!p3 s21, $0x1;
	s21 =	sshrl.u32 @!p3 s21, $0xA  }
0xf8: {  	[sflag:s20] =	ssyncset.done @!p4 $0x0;
	s22 =	sand.u32 @!p3 $0x1F800, s22;
	s21 =	sand.u32 @!p3 $0x3F, s21  }
0xf9: {  	[sflag:s20] =	ssyncadd.s32 @!p4 $0xFFFFD800;
	s22 =	sor.u32 @!p3 s11, s22;
	s21 =	smul.u32 @!p3 $0x5, s21  }
0xfa: {  	[hbm4b:s8+s7] =	stream.linear.scatter @!p4 [tilespmem:s19], [sflag:$0x17], $0x2800, $0x38;
	[tilespmem:$0x1E078] =	vst v63  }
0xfb: {  	s8 =	sadd.s32 $0x5000, s8;
	_ =	swait.ge @!p4 [sflag:s20], $0x2800;
	s7 =	ssub.s32 @!p3 s17, s21  }
0xfc: {  	s17 =	simm.s32 @!p3 $0x17;
	[sflag:s20] =	ssyncset.done @!p4 $0x0;
	s7 =	sand.u32 @!p3 $0xFF, s7  }
0xfd: {  	s19 =	simm.s32 @!p3 $0xA480;
	[sflag:s20] =	ssyncadd.s32 @!p4 $0xFFFFD800;
	s7 =	smul.u32 @!p3 $0xC8, s7  }
0xfe: {  	[tilespmem:s19], [sflag:$0x17] =	stream.linear.gather @!p3 [spmem:s9], $0xC8, $0x38;
	[tilespmem:$0x1E078] =	vst v63  }
0xff: {  	_ =	swait.ge @!p3 [sflag:s17], $0xC8;
	s20 =	sadd.s32 @!p3 s7, s22;
	s7 =	simm.s32 @!p3 $0x16  }
.Ltmp2:
0x100: {  	[sflag:s17] =	ssyncset.done @!p3 $0x0;
	s20 =	sshrl.u32 @!p3 s20, $0x3;
	(pc) =	sbr.rel @p5 .LBB2_6-.Ltmp2, $4  }
0x101: {  	[sflag:s17] =	ssyncadd.s32 @!p3 $0xFFFFFF38;
	s17 =	sadd.s32 @!p3 s6, s20;
	s20 =	simm.s32 @!p3 $0x0  }
0x102: {  	[hbm4b:s17+s20] =	stream.linear.scatter @!p3 [tilespmem:s19], [sflag:$0x16], $0xC8, $0x38;
	[tilespmem:$0x1E078] =	vst v63  }
0x103: {  	s18 =	sadd.s32 $0x28000, s18;
	s17 =	sadd.s32 s16, s1;
	_ =	swait.ge @!p3 [sflag:s7], $0xC8  }
0x104: {  	s9 =	sadd.s32 $0xC80, s9;
	p4 =	sgt.u32 s17, $0x7C;
	[sflag:s7] =	ssyncset.done @!p3 $0x0  }
0x105: {  	p5 =	sgt.u32 @!p4 s17, $0x31  }
0x106: {  	[sflag:s7] =	ssyncadd.s32 @!p3 $0xFFFFFF38;
	p3 =	por p5, p4  }
0x107: {  	s7 =	simm.s32 @!p4 $0x400;
	s10 =	simm.s32 @!p4 $0x17;
	s16 =	smul.u32 @!p3 $0xCD, s17  }
0x108: {  	[tilespmem:s7], [sflag:$0x17] =	stream.linear.gather @!p4 [spmem:s18], $0x2800, $0x38;
	[tilespmem:$0x1E078] =	vst v63  }
0x109: {  	s18 =	simm.s32 @!p4 $0x0;
	_ =	swait.ge @!p4 [sflag:s10], $0x2800;
	s19 =	sshrl.u32 @!p3 s16, $0xA  }
0x10a: {  	[sflag:s10] =	ssyncset.done @!p4 $0x0;
	s16 =	sshll.u32 @!p3 s16, $0x1;
	s19 =	sand.u32 @!p3 $0x3F, s19  }
0x10b: {  	[sflag:s10] =	ssyncadd.s32 @!p4 $0xFFFFD800;
	s16 =	sand.u32 @!p3 $0x1F800, s16;
	s19 =	smul.u32 @!p3 $0x5, s19  }
0x10c: {  	[hbm4b:s8+s18] =	stream.linear.scatter @!p4 [tilespmem:s7], [sflag:$0x17], $0x2800, $0x38;
	[tilespmem:$0x1E078] =	vst v63  }
0x10d: {  	s7 =	sor.u32 @!p3 s11, s16;
	_ =	swait.ge @!p4 [sflag:s10], $0x2800;
	s8 =	ssub.s32 @!p3 s17, s19  }
0x10e: {  	s16 =	simm.s32 @!p3 $0x17;
	[sflag:s10] =	ssyncset.done @!p4 $0x0;
	s8 =	sand.u32 @!p3 $0xFF, s8  }
0x10f: {  	[sflag:s10] =	ssyncadd.s32 @!p4 $0xFFFFD800;
	s10 =	simm.s32 @!p3 $0xA480;
	s8 =	smul.u32 @!p3 $0xC8, s8  }
0x110: {  	[tilespmem:s10], [sflag:$0x17] =	stream.linear.gather @!p3 [spmem:s9], $0xC8, $0x38;
	[tilespmem:$0x1E078] =	vst v63  }
0x111: {  	_ =	swait.ge @!p3 [sflag:s16], $0xC8;
	s7 =	sadd.s32 @!p3 s8, s7  }
0x112: {  	s9 =	simm.s32 @!p3 $0x0;
	[sflag:s16] =	ssyncset.done @!p3 $0x0;
	s7 =	sshrl.u32 @!p3 s7, $0x3  }
0x113: {  	s8 =	simm.s32 @!p3 $0x16;
	[sflag:s16] =	ssyncadd.s32 @!p3 $0xFFFFFF38;
	s7 =	sadd.s32 @!p3 s6, s7  }
0x114: {  	[hbm4b:s7+s9] =	stream.linear.scatter @!p3 [tilespmem:s10], [sflag:$0x16], $0xC8, $0x38;
	[tilespmem:$0x1E078] =	vst v63  }
0x115: {  	_ =	swait.ge @!p3 [sflag:s8], $0xC8  }
0x116: {  	s30 =	sadd.s32 $0x1, s30;
	s28 =	rddreg [dreg:$0x9]  }
0x117: {  	p4 =	sne.s32 s30, s28  }
.Ltmp3:
0x118: {  	_ = 	snop;
	(pc) =	sbr.rel @p4 .LBB2_1-.Ltmp3, $3  }
0x119: {  	_ =	sdelay $0x1  }
0x11a: {  	[sflag:s8] =	ssyncset.done @!p3 $0x0  }
0x11b: {  	[sflag:s8] =	ssyncadd.s32 @!p3 $0xFFFFFF38  }
0x11c: {  	_ =	sfence.sel $0x180000  }
0x11d: {  	[bflag:$0x0] =	sbarrier.arrive $0xFFFF  }
0x11e: {  	_ =	strace $0x9000004A  }
0x11f: {  	[bflag:$0x2] =	sbarrier.arrive $0xFFFF  }
0x120: {  	p0 =	sne.s32 s1, $0x0;
	s0 =	rddreg [dreg:$0x4]  }
0x121: {  	s0 =	sadd.s32 @!p0 $0x100000, s0  }
0x122: {  	[sflag:s0] =	ssyncadd.tile.s32 @!p0 $0x1;
	_ =	shalt  }
.Lfunc_end2:
_tile_overlayer_lowered:
.L_overlay_start_2:
0x123: {  	(tag) =	ssettag $0x2  }
0x124: {  	s0 =	rddreg [dreg:$0x0];
	s2 =	stileid.u32  }
0x125: {  	s1 =	rddreg [dreg:$0x1];
	p0 =	sne.s32 s2, $0x0  }
0x126: {  	s3 =	rddreg [dreg:$0x2];
	[bflag:$0x3] =	sbarrier.arrive $0xFFFF;
	s2 =	simm.s32 @!p0 $0x1C16  }
0x127: {  	[timem:s3], [sflag:s2] =	dma.local @!p0 [hbm:s0], s1  }
0x128: {  	s0 =	simm.s32 @!p0 $0x16  }
0x129: {  	_ =	swait.ge @!p0 [sflag:s0], s1  }
0x12a: {  	s1 =	ssub.s32 @!p0 $0x0, s1;
	[sflag:s0] =	ssyncset.done @!p0 $0x0  }
0x12b: {  	[sflag:s0] =	ssyncadd.s32 @!p0 s1  }
0x12c: {  	[bflag:$0x3] =	sbarrier.arrive $0xFFFF  }
0x12d: {  	_ =	shalt  }

</sc_bundles>
